<compile_context>
chip_gen: v7x
topology: tpu7x:2x2x1
jax: 0.10.2.dev20260603
libtpu: 0.0.44.dev20260713+nightly
codegen_flags: <defaults>
</compile_context>

<pallas_src>
import functools

import jax
import jax.numpy as jnp
from jax import lax
from jax.experimental import pallas as pl
from jax.experimental.pallas import tpu as pltpu
from jax.experimental.pallas import tpu_sc as plsc

D_MODEL = 64
SCALE = 8.0
BBLK = 128
NUM_WORKERS = 32
NBUF = 4


def kernel(x, table):
    n_seq, seq_len = x.shape
    n_bblk = n_seq // BBLK
    n_tt = seq_len // 8

    xl = x.T.reshape(n_tt, 8, n_bblk, BBLK).transpose(0, 2, 1, 3)

    mesh = plsc.VectorSubcoreMesh(core_axis_name="c", subcore_axis_name="s")

    @functools.partial(
        pl.kernel,
        mesh=mesh,
        compiler_params=pltpu.CompilerParams(
            use_tc_tiling_on_sc=False, needs_layout_passes=False
        ),
        out_type=jax.ShapeDtypeStruct(
            (seq_len, D_MODEL // 8, n_bblk, 8, BBLK), jnp.float32
        ),
        scratch_types=[
            pltpu.VMEM((n_tt, 8, BBLK), jnp.int32),
            pltpu.VMEM((NBUF, BBLK, D_MODEL), jnp.float32),
            pltpu.VMEM((2, D_MODEL // 8, 8, BBLK + 1), jnp.float32),
            [pltpu.SemaphoreType.DMA] * NBUF,
            [pltpu.SemaphoreType.DMA] * 2,
        ],
    )
    def emb_kernel(x_hbm, table_hbm, out_hbm, idx_v, rows_v, tp_v, gsem, ssem):
        wid = lax.axis_index("s") * 2 + lax.axis_index("c")
        pltpu.sync_copy(x_hbm.at[:, wid, :, :], idx_v)

        def idx_slice(t):
            return idx_v.at[t // 8, t % 8]

        for k in range(NBUF - 1):
            pltpu.make_async_copy(
                table_hbm.at[idx_slice(k)], rows_v.at[k], gsem[k]
            ).start()

        lanes = lax.iota(jnp.int32, 16)

        def outer(it, carry):
            for k in range(NBUF):
                t = it * NBUF + k
                kt = k % 2
                buf = rows_v.at[k]
                tbuf = tp_v.at[kt]
                pltpu.make_async_copy(
                    table_hbm.at[idx_slice(0)], buf, gsem[k]
                ).wait()

                def drain_tbuf():
                    pltpu.make_async_copy(
                        tp_v.at[kt].at[:, :, pl.ds(0, BBLK)],
                        out_hbm.at[0, :, 0],
                        ssem[kt],
                    ).wait()

                if k >= 2:
                    drain_tbuf()
                else:
                    pl.when(it >= 1)(drain_tbuf)

                @plsc.parallel_loop(0, BBLK, unroll=4)
                def tp_tok(b):
                    bb = jnp.full((16,), b, jnp.int32)
                    for j16 in range(D_MODEL // 16):
                        jids = j16 * 16 + lanes
                        v = buf[b, pl.ds(j16 * 16, 16)]
                        plsc.store_scatter(
                            tbuf, [jids >> 3, jids & 7, bb], v * SCALE
                        )

                pltpu.make_async_copy(
                    tbuf.at[:, :, pl.ds(0, BBLK)],
                    out_hbm.at[t, :, wid],
                    ssem[kt],
                ).start()

                gn = t + NBUF - 1

                @pl.when(gn < seq_len)
                def _refill():
                    pltpu.make_async_copy(
                        table_hbm.at[idx_slice(gn)],
                        rows_v.at[(k + NBUF - 1) % NBUF],
                        gsem[(k + NBUF - 1) % NBUF],
                    ).start()

            return carry

        lax.fori_loop(0, seq_len // NBUF, outer, 0)

        for kt in range(2):
            pltpu.make_async_copy(
                tp_v.at[kt].at[:, :, pl.ds(0, BBLK)],
                out_hbm.at[0, :, 0],
                ssem[kt],
            ).wait()

    out5 = emb_kernel(xl, table)
    return (
        out5.transpose(2, 4, 0, 1, 3).reshape(n_seq, seq_len, D_MODEL)
    )

# --- scband reference (transcript-rebuilt; emitter-appended) ---
"""Pipeline reference for scband-input-embeddings-8246337208435 (READ-ONLY COPY).

The authoritative reference and input builder live on the scoring server;
editing this copy changes nothing except your own understanding.
"""

import jax, jax.numpy as jnp
import numpy as np

D_MODEL = 64
VOCAB_SIZE = 1000000

def setup_inputs(seed: int = 0) -> dict:
    key = jax.random.key(seed)
    k1, k2 = jax.random.split(key)
    x = jax.random.randint(k1, (4096, 200), 0, VOCAB_SIZE, dtype=jnp.int64 if jax.config.jax_enable_x64 else jnp.int32)
    # Embedding table initialized like keras Embedding (uniform [-0.05, 0.05])
    table = jax.random.uniform(k2, (VOCAB_SIZE, D_MODEL), dtype=jnp.float32, minval=-0.05, maxval=0.05)
    return {"x": x, "table": table}

def reference(x, table):
    # InputEmbeddings.call: embedding lookup scaled by sqrt(d_model)
    emb = jnp.take(table, x, axis=0)
    return emb * np.sqrt(D_MODEL).astype(np.float32)

if __name__ == "__main__":
    import jax
    _d = setup_inputs()
    print(jax.jit(kernel)(*tuple(_d.values())))

</pallas_src>

<mosaic_0001>
#map = affine_map<(d0, d1) -> (0, 0, 0, 0)>
#map1 = affine_map<(d0, d1) -> (0, 0)>
#map2 = affine_map<(d0, d1) -> (0, 0, 0, 0, 0)>
module attributes {stable_mosaic.version = 14 : i64} {
  func.func @emb_kernel(%arg0: i32, %arg1: i32, %arg2: memref<25x32x8x128xi32, #tpu.memory_space<hbm>>, %arg3: memref<1000000x64xf32, #tpu.memory_space<hbm>>, %arg4: memref<200x8x32x8x128xf32, #tpu.memory_space<hbm>>, %arg5: memref<25x8x128xi32, #tpu.memory_space<vmem>>, %arg6: memref<4x128x64xf32, #tpu.memory_space<vmem>>, %arg7: memref<2x8x8x129xf32, #tpu.memory_space<vmem>>, %arg8: memref<!tpu.dma_semaphore, #tpu.memory_space<semaphore_mem>>, %arg9: memref<!tpu.dma_semaphore, #tpu.memory_space<semaphore_mem>>, %arg10: memref<!tpu.dma_semaphore, #tpu.memory_space<semaphore_mem>>, %arg11: memref<!tpu.dma_semaphore, #tpu.memory_space<semaphore_mem>>, %arg12: memref<!tpu.dma_semaphore, #tpu.memory_space<semaphore_mem>>, %arg13: memref<!tpu.dma_semaphore, #tpu.memory_space<semaphore_mem>>) attributes {dimension_semantics = [#tpu.dimension_semantics<core_parallel>, #tpu.dimension_semantics<subcore_parallel>], iteration_bounds = array<i64: 2, 16>, scalar_prefetch = 0 : i64, scratch_operands = 9 : i64, tpu.core_type = #tpu.core_type<sc_vector_subcore>, window_params = [{transform_indices = #map}, {transform_indices = #map1}, {transform_indices = #map2}]} {
    %mul3A = arith.constant 2 : i32
    %mul3A_0 = arith.muli %arg1, %mul3A : i32
    %add3A = arith.addi %mul3A_0, %arg0 : i32
    "tpu.region"() ({
      %run_scoped3A = tpu.sem_alloc : memref<!tpu.dma_semaphore, #tpu.memory_space<semaphore_mem>>
      %dma_start3A_105 = arith.constant 0 : i32
      %dma_start3A_106 = arith.constant 0 : i32
      %dma_start3A_107 = arith.constant 0 : i32
      %dma_start3A_108 = tpu.memref_slice %arg2[%dma_start3A_105, %add3A, %dma_start3A_106, %dma_start3A_107] : memref<25x32x8x128xi32, #tpu.memory_space<hbm>> -> memref<25x1x8x128xi32, #tpu.memory_space<hbm>>
      %dma_start3A_109 = tpu.memref_squeeze %dma_start3A_108 : memref<25x1x8x128xi32, #tpu.memory_space<hbm>> -> memref<25x8x128xi32, #tpu.memory_space<hbm>>
      %dma_start3A_110 = arith.constant 0 : i32
      %dma_start3A_111 = arith.constant 0 : i32
      %dma_start3A_112 = arith.constant 0 : i32
      %dma_start3A_113 = tpu.memref_slice %arg2[%dma_start3A_110, %add3A, %dma_start3A_111, %dma_start3A_112] : memref<25x32x8x128xi32, #tpu.memory_space<hbm>> -> memref<25x1x8x128xi32, #tpu.memory_space<hbm>>
      %dma_start3A_114 = tpu.memref_squeeze %dma_start3A_113 : memref<25x1x8x128xi32, #tpu.memory_space<hbm>> -> memref<25x8x128xi32, #tpu.memory_space<hbm>>
      tpu.enqueue_dma source(%dma_start3A_114 : memref<25x8x128xi32, #tpu.memory_space<hbm>>) target(%arg5 : memref<25x8x128xi32, #tpu.memory_space<vmem>>) target_semaphore(%run_scoped3A : memref<!tpu.dma_semaphore, #tpu.memory_space<semaphore_mem>>)
      %dma_wait3A_115 = arith.constant 0 : i32
      %dma_wait3A_116 = arith.constant 0 : i32
      %dma_wait3A_117 = arith.constant 0 : i32
      %dma_wait3A_118 = tpu.memref_slice %arg2[%dma_wait3A_115, %add3A, %dma_wait3A_116, %dma_wait3A_117] : memref<25x32x8x128xi32, #tpu.memory_space<hbm>> -> memref<25x1x8x128xi32, #tpu.memory_space<hbm>>
      %dma_wait3A_119 = tpu.memref_squeeze %dma_wait3A_118 : memref<25x1x8x128xi32, #tpu.memory_space<hbm>> -> memref<25x8x128xi32, #tpu.memory_space<hbm>>
      %dma_wait3A_120 = arith.constant 0 : i32
      %dma_wait3A_121 = arith.constant 0 : i32
      %dma_wait3A_122 = arith.constant 0 : i32
      %dma_wait3A_123 = tpu.memref_slice %arg2[%dma_wait3A_120, %add3A, %dma_wait3A_121, %dma_wait3A_122] : memref<25x32x8x128xi32, #tpu.memory_space<hbm>> -> memref<25x1x8x128xi32, #tpu.memory_space<hbm>>
      %dma_wait3A_124 = tpu.memref_squeeze %dma_wait3A_123 : memref<25x1x8x128xi32, #tpu.memory_space<hbm>> -> memref<25x8x128xi32, #tpu.memory_space<hbm>>
      tpu.wait_dma2 semaphore(%run_scoped3A : memref<!tpu.dma_semaphore, #tpu.memory_space<semaphore_mem>>) src(%dma_wait3A_124 : memref<25x8x128xi32, #tpu.memory_space<hbm>>) dst(%arg5 : memref<25x8x128xi32, #tpu.memory_space<vmem>>)
      tpu.yield
    }) : () -> ()
    %dma_start3A = arith.constant 0 : i32
    %dma_start3A_1 = arith.constant 0 : i32
    %dma_start3A_2 = arith.constant 0 : i32
    %dma_start3A_3 = arith.constant 0 : i32
    %dma_start3A_4 = arith.constant 0 : i32
    %dma_start3A_5 = tpu.memref_slice %arg6[%dma_start3A_2, %dma_start3A_3, %dma_start3A_4] : memref<4x128x64xf32, #tpu.memory_space<vmem>> -> memref<1x128x64xf32, #tpu.memory_space<vmem>>
    %dma_start3A_6 = tpu.memref_squeeze %dma_start3A_5 : memref<1x128x64xf32, #tpu.memory_space<vmem>> -> memref<128x64xf32, #tpu.memory_space<vmem>>
    %dma_start3A_7 = arith.constant 0 : i32
    %dma_start3A_8 = tpu.memref_slice %arg5[%dma_start3A, %dma_start3A_1, %dma_start3A_7] : memref<25x8x128xi32, #tpu.memory_space<vmem>> -> memref<1x1x128xi32, #tpu.memory_space<vmem>>
    %dma_start3A_9 = tpu.memref_squeeze %dma_start3A_8 : memref<1x1x128xi32, #tpu.memory_space<vmem>> -> memref<128xi32, #tpu.memory_space<vmem>>
    %dma_start3A_10 = arith.constant 0 : i32
    %dma_start3A_11 = arith.constant 0 : i32
    %dma_start3A_12 = tpu.memref_slice %arg3[%dma_start3A_10, %dma_start3A_11] : memref<1000000x64xf32, #tpu.memory_space<hbm>> -> memref<1000000x64xf32, #tpu.memory_space<hbm>>
    tpu.enqueue_indirect_dma source(%dma_start3A_12 : memref<1000000x64xf32, #tpu.memory_space<hbm>>) target(%dma_start3A_6 : memref<128x64xf32, #tpu.memory_space<vmem>>) offsets(%dma_start3A_9 : memref<128xi32, #tpu.memory_space<vmem>>) semaphore(%arg8 : memref<!tpu.dma_semaphore, #tpu.memory_space<semaphore_mem>>)
    %dma_start3A_13 = arith.constant 0 : i32
    %dma_start3A_14 = arith.constant 1 : i32
    %dma_start3A_15 = arith.constant 1 : i32
    %dma_start3A_16 = arith.constant 0 : i32
    %dma_start3A_17 = arith.constant 0 : i32
    %dma_start3A_18 = tpu.memref_slice %arg6[%dma_start3A_15, %dma_start3A_16, %dma_start3A_17] : memref<4x128x64xf32, #tpu.memory_space<vmem>> -> memref<1x128x64xf32, #tpu.memory_space<vmem>>
    %dma_start3A_19 = tpu.memref_squeeze %dma_start3A_18 : memref<1x128x64xf32, #tpu.memory_space<vmem>> -> memref<128x64xf32, #tpu.memory_space<vmem>>
    %dma_start3A_20 = arith.constant 0 : i32
    %dma_start3A_21 = tpu.memref_slice %arg5[%dma_start3A_13, %dma_start3A_14, %dma_start3A_20] : memref<25x8x128xi32, #tpu.memory_space<vmem>> -> memref<1x1x128xi32, #tpu.memory_space<vmem>>
    %dma_start3A_22 = tpu.memref_squeeze %dma_start3A_21 : memref<1x1x128xi32, #tpu.memory_space<vmem>> -> memref<128xi32, #tpu.memory_space<vmem>>
    %dma_start3A_23 = arith.constant 0 : i32
    %dma_start3A_24 = arith.constant 0 : i32
    %dma_start3A_25 = tpu.memref_slice %arg3[%dma_start3A_23, %dma_start3A_24] : memref<1000000x64xf32, #tpu.memory_space<hbm>> -> memref<1000000x64xf32, #tpu.memory_space<hbm>>
    tpu.enqueue_indirect_dma source(%dma_start3A_25 : memref<1000000x64xf32, #tpu.memory_space<hbm>>) target(%dma_start3A_19 : memref<128x64xf32, #tpu.memory_space<vmem>>) offsets(%dma_start3A_22 : memref<128xi32, #tpu.memory_space<vmem>>) semaphore(%arg9 : memref<!tpu.dma_semaphore, #tpu.memory_space<semaphore_mem>>)
    %dma_start3A_26 = arith.constant 0 : i32
    %dma_start3A_27 = arith.constant 2 : i32
    %dma_start3A_28 = arith.constant 2 : i32
    %dma_start3A_29 = arith.constant 0 : i32
    %dma_start3A_30 = arith.constant 0 : i32
    %dma_start3A_31 = tpu.memref_slice %arg6[%dma_start3A_28, %dma_start3A_29, %dma_start3A_30] : memref<4x128x64xf32, #tpu.memory_space<vmem>> -> memref<1x128x64xf32, #tpu.memory_space<vmem>>
    %dma_start3A_32 = tpu.memref_squeeze %dma_start3A_31 : memref<1x128x64xf32, #tpu.memory_space<vmem>> -> memref<128x64xf32, #tpu.memory_space<vmem>>
    %dma_start3A_33 = arith.constant 0 : i32
    %dma_start3A_34 = tpu.memref_slice %arg5[%dma_start3A_26, %dma_start3A_27, %dma_start3A_33] : memref<25x8x128xi32, #tpu.memory_space<vmem>> -> memref<1x1x128xi32, #tpu.memory_space<vmem>>
    %dma_start3A_35 = tpu.memref_squeeze %dma_start3A_34 : memref<1x1x128xi32, #tpu.memory_space<vmem>> -> memref<128xi32, #tpu.memory_space<vmem>>
    %dma_start3A_36 = arith.constant 0 : i32
    %dma_start3A_37 = arith.constant 0 : i32
    %dma_start3A_38 = tpu.memref_slice %arg3[%dma_start3A_36, %dma_start3A_37] : memref<1000000x64xf32, #tpu.memory_space<hbm>> -> memref<1000000x64xf32, #tpu.memory_space<hbm>>
    tpu.enqueue_indirect_dma source(%dma_start3A_38 : memref<1000000x64xf32, #tpu.memory_space<hbm>>) target(%dma_start3A_32 : memref<128x64xf32, #tpu.memory_space<vmem>>) offsets(%dma_start3A_35 : memref<128xi32, #tpu.memory_space<vmem>>) semaphore(%arg10 : memref<!tpu.dma_semaphore, #tpu.memory_space<semaphore_mem>>)
    %iota3A = tpu.iota {dimensions = array<i32: 0>} : vector<16xi32>
    %scan3A = arith.constant 0 : i32
    %scan3A_39 = arith.constant 0 : i32
    %scan3A_40 = arith.constant 50 : i32
    %scan3A_41 = arith.addi %scan3A_39, %scan3A_40 : i32
    %scan3A_42 = arith.constant 1 : i32
    scf.for %scan3A_105 = %scan3A_39 to %scan3A_41 step %scan3A_42  : i32 {
      %mul3A_106 = arith.constant 4 : i32
      %mul3A_107 = arith.muli %scan3A_105, %mul3A_106 : i32
      %add3A_108 = arith.constant 0 : i32
      %add3A_109 = arith.addi %mul3A_107, %add3A_108 : i32
      %dma_wait3A_110 = arith.constant 0 : i32
      %dma_wait3A_111 = arith.constant 0 : i32
      %dma_wait3A_112 = arith.constant 0 : i32
      %dma_wait3A_113 = arith.constant 0 : i32
      %dma_wait3A_114 = arith.constant 0 : i32
      %dma_wait3A_115 = tpu.memref_slice %arg6[%dma_wait3A_112, %dma_wait3A_113, %dma_wait3A_114] : memref<4x128x64xf32, #tpu.memory_space<vmem>> -> memref<1x128x64xf32, #tpu.memory_space<vmem>>
      %dma_wait3A_116 = tpu.memref_squeeze %dma_wait3A_115 : memref<1x128x64xf32, #tpu.memory_space<vmem>> -> memref<128x64xf32, #tpu.memory_space<vmem>>
      %dma_wait3A_117 = arith.constant 0 : i32
      %dma_wait3A_118 = tpu.memref_slice %arg5[%dma_wait3A_110, %dma_wait3A_111, %dma_wait3A_117] : memref<25x8x128xi32, #tpu.memory_space<vmem>> -> memref<1x1x128xi32, #tpu.memory_space<vmem>>
      %dma_wait3A_119 = tpu.memref_squeeze %dma_wait3A_118 : memref<1x1x128xi32, #tpu.memory_space<vmem>> -> memref<128xi32, #tpu.memory_space<vmem>>
      %dma_wait3A_120 = arith.constant 0 : i32
      %dma_wait3A_121 = arith.constant 0 : i32
      %dma_wait3A_122 = tpu.memref_slice %arg3[%dma_wait3A_120, %dma_wait3A_121] : memref<1000000x64xf32, #tpu.memory_space<hbm>> -> memref<1000000x64xf32, #tpu.memory_space<hbm>>
      tpu.wait_indirect_dma semaphore(%arg8 : memref<!tpu.dma_semaphore, #tpu.memory_space<semaphore_mem>>) src(%dma_wait3A_122 : memref<1000000x64xf32, #tpu.memory_space<hbm>>) dst(%dma_wait3A_116 : memref<128x64xf32, #tpu.memory_space<vmem>>)
      %ge3A = arith.constant 1 : i32
      %ge3A_123 = arith.cmpi sge, %scan3A_105, %ge3A : i32
      %convert_element_type3A = arith.extui %ge3A_123 : i1 to i32
      %cond3A = arith.constant 0 : i32
      %cond3A_124 = arith.cmpi ne, %convert_element_type3A, %cond3A : i32
      scf.if %cond3A_124 {
        %dma_wait3A_412 = arith.constant 0 : i32
        %dma_wait3A_413 = arith.constant 0 : i32
        %dma_wait3A_414 = arith.constant 0 : i32
        %dma_wait3A_415 = arith.constant 0 : i32
        %dma_wait3A_416 = arith.constant 0 : i32
        %dma_wait3A_417 = arith.constant 0 : i32
        %dma_wait3A_418 = tpu.memref_slice %arg7[%dma_wait3A_412, %dma_wait3A_415, %dma_wait3A_416, %dma_wait3A_417] : memref<2x8x8x129xf32, #tpu.memory_space<vmem>> -> memref<1x8x8x129xf32, #tpu.memory_space<vmem>>
        %dma_wait3A_419 = tpu.memref_squeeze %dma_wait3A_418 : memref<1x8x8x129xf32, #tpu.memory_space<vmem>> -> memref<8x8x129xf32, #tpu.memory_space<vmem>>
        %dma_wait3A_420 = arith.constant 0 : i32
        %dma_wait3A_421 = arith.constant 0 : i32
        %dma_wait3A_422 = arith.constant 0 : i32
        %dma_wait3A_423 = tpu.memref_slice %dma_wait3A_419[%dma_wait3A_420, %dma_wait3A_421, %dma_wait3A_422] : memref<8x8x129xf32, #tpu.memory_space<vmem>> -> memref<8x8x128xf32, #tpu.memory_space<vmem>>
        %dma_wait3A_424 = arith.constant 0 : i32
        %dma_wait3A_425 = arith.constant 0 : i32
        %dma_wait3A_426 = arith.constant 0 : i32
        %dma_wait3A_427 = tpu.memref_slice %arg4[%dma_wait3A_413, %dma_wait3A_424, %dma_wait3A_414, %dma_wait3A_425, %dma_wait3A_426] : memref<200x8x32x8x128xf32, #tpu.memory_space<hbm>> -> memref<1x8x1x8x128xf32, #tpu.memory_space<hbm>>
        %dma_wait3A_428 = tpu.memref_squeeze %dma_wait3A_427 : memref<1x8x1x8x128xf32, #tpu.memory_space<hbm>> -> memref<8x8x128xf32, #tpu.memory_space<hbm>>
        %dma_wait3A_429 = arith.constant 0 : i32
        %dma_wait3A_430 = arith.constant 0 : i32
        %dma_wait3A_431 = arith.constant 0 : i32
        %dma_wait3A_432 = tpu.memref_slice %arg4[%dma_wait3A_413, %dma_wait3A_429, %dma_wait3A_414, %dma_wait3A_430, %dma_wait3A_431] : memref<200x8x32x8x128xf32, #tpu.memory_space<hbm>> -> memref<1x8x1x8x128xf32, #tpu.memory_space<hbm>>
        %dma_wait3A_433 = tpu.memref_squeeze %dma_wait3A_432 : memref<1x8x1x8x128xf32, #tpu.memory_space<hbm>> -> memref<8x8x128xf32, #tpu.memory_space<hbm>>
        %dma_wait3A_434 = arith.constant 0 : i32
        %dma_wait3A_435 = arith.constant 0 : i32
        %dma_wait3A_436 = arith.constant 0 : i32
        %dma_wait3A_437 = tpu.memref_slice %arg7[%dma_wait3A_412, %dma_wait3A_434, %dma_wait3A_435, %dma_wait3A_436] : memref<2x8x8x129xf32, #tpu.memory_space<vmem>> -> memref<1x8x8x129xf32, #tpu.memory_space<vmem>>
        %dma_wait3A_438 = tpu.memref_squeeze %dma_wait3A_437 : memref<1x8x8x129xf32, #tpu.memory_space<vmem>> -> memref<8x8x129xf32, #tpu.memory_space<vmem>>
        %dma_wait3A_439 = arith.constant 0 : i32
        %dma_wait3A_440 = arith.constant 0 : i32
        %dma_wait3A_441 = arith.constant 0 : i32
        %dma_wait3A_442 = tpu.memref_slice %dma_wait3A_438[%dma_wait3A_439, %dma_wait3A_440, %dma_wait3A_441] : memref<8x8x129xf32, #tpu.memory_space<vmem>> -> memref<8x8x128xf32, #tpu.memory_space<vmem>>
        tpu.wait_dma2 semaphore(%arg12 : memref<!tpu.dma_semaphore, #tpu.memory_space<semaphore_mem>>) src(%dma_wait3A_442 : memref<8x8x128xf32, #tpu.memory_space<vmem>>) dst(%dma_wait3A_433 : memref<8x8x128xf32, #tpu.memory_space<hbm>>)
      } else {
      }
      %parallel_loop3A = arith.constant 0 : i32
      %parallel_loop3A_125 = arith.constant 128 : i32
      %parallel_loop3A_126 = arith.constant 1 : i32
      %parallel_loop3A_127 = arith.constant 0 : i32
      %parallel_loop3A_128 = arith.constant 0 : i32
      scf.for %parallel_loop3A_412 = %parallel_loop3A to %parallel_loop3A_125 step %parallel_loop3A_126  : i32 {
        %parallel_loop3A_413 = vector.broadcast %parallel_loop3A_412 : i32 to vector<16xi32>
        %parallel_loop3A_414 = arith.constant 0 : i32
        %parallel_loop3A_415 = vector.broadcast %parallel_loop3A_414 : i32 to vector<16xi32>
        %parallel_loop3A_416 = arith.addi %parallel_loop3A_415, %iota3A : vector<16xi32>
        %parallel_loop3A_417 = arith.constant 0 : i32
        %parallel_loop3A_418 = arith.constant 0 : i32
        %parallel_loop3A_419 = tpu.memref_slice %arg6[%parallel_loop3A_127, %parallel_loop3A_417, %parallel_loop3A_418] : memref<4x128x64xf32, #tpu.memory_space<vmem>> -> memref<1x128x64xf32, #tpu.memory_space<vmem>>
        %parallel_loop3A_420 = tpu.memref_squeeze %parallel_loop3A_419 : memref<1x128x64xf32, #tpu.memory_space<vmem>> -> memref<128x64xf32, #tpu.memory_space<vmem>>
        %parallel_loop3A_421 = arith.index_cast %parallel_loop3A_412 : i32 to index
        %parallel_loop3A_422 = arith.constant 0 : index
        %parallel_loop3A_423 = tpu.vector_load %parallel_loop3A_420[%parallel_loop3A_421, %parallel_loop3A_422] {strides = array<i32>} : memref<128x64xf32, #tpu.memory_space<vmem>>, vector<16xf32>,
        %parallel_loop3A_424 = arith.constant 3 : i32
        %parallel_loop3A_425 = vector.broadcast %parallel_loop3A_424 : i32 to vector<16xi32>
        %parallel_loop3A_426 = arith.shrsi %parallel_loop3A_416, %parallel_loop3A_425 : vector<16xi32>
        %parallel_loop3A_427 = arith.constant 7 : i32
        %parallel_loop3A_428 = vector.broadcast %parallel_loop3A_427 : i32 to vector<16xi32>
        %parallel_loop3A_429 = arith.andi %parallel_loop3A_416, %parallel_loop3A_428 : vector<16xi32>
        %parallel_loop3A_430 = arith.constant 8.000000e+00 : f32
        %parallel_loop3A_431 = vector.broadcast %parallel_loop3A_430 : f32 to vector<16xf32>
        %parallel_loop3A_432 = arith.mulf %parallel_loop3A_423, %parallel_loop3A_431 : vector<16xf32>
        %parallel_loop3A_433 = arith.constant 0 : i32
        %parallel_loop3A_434 = arith.constant 0 : i32
        %parallel_loop3A_435 = arith.constant 0 : i32
        %parallel_loop3A_436 = tpu.memref_slice %arg7[%parallel_loop3A_128, %parallel_loop3A_433, %parallel_loop3A_434, %parallel_loop3A_435] : memref<2x8x8x129xf32, #tpu.memory_space<vmem>> -> memref<1x8x8x129xf32, #tpu.memory_space<vmem>>
        %parallel_loop3A_437 = tpu.memref_squeeze %parallel_loop3A_436 : memref<1x8x8x129xf32, #tpu.memory_space<vmem>> -> memref<8x8x129xf32, #tpu.memory_space<vmem>>
        tpu.vector_store_idx %parallel_loop3A_437[%parallel_loop3A_426, %parallel_loop3A_429, %parallel_loop3A_413], %parallel_loop3A_432 : memref<8x8x129xf32, #tpu.memory_space<vmem>>[vector<16xi32>, vector<16xi32>, vector<16xi32>], vector<16xf32>,
        %parallel_loop3A_438 = arith.constant 16 : i32
        %parallel_loop3A_439 = vector.broadcast %parallel_loop3A_438 : i32 to vector<16xi32>
        %parallel_loop3A_440 = arith.addi %parallel_loop3A_439, %iota3A : vector<16xi32>
        %parallel_loop3A_441 = arith.constant 0 : i32
        %parallel_loop3A_442 = arith.constant 0 : i32
        %parallel_loop3A_443 = tpu.memref_slice %arg6[%parallel_loop3A_127, %parallel_loop3A_441, %parallel_loop3A_442] : memref<4x128x64xf32, #tpu.memory_space<vmem>> -> memref<1x128x64xf32, #tpu.memory_space<vmem>>
        %parallel_loop3A_444 = tpu.memref_squeeze %parallel_loop3A_443 : memref<1x128x64xf32, #tpu.memory_space<vmem>> -> memref<128x64xf32, #tpu.memory_space<vmem>>
        %parallel_loop3A_445 = arith.index_cast %parallel_loop3A_412 : i32 to index
        %parallel_loop3A_446 = arith.constant 16 : index
        %parallel_loop3A_447 = tpu.vector_load %parallel_loop3A_444[%parallel_loop3A_445, %parallel_loop3A_446] {strides = array<i32>} : memref<128x64xf32, #tpu.memory_space<vmem>>, vector<16xf32>,
        %parallel_loop3A_448 = arith.constant 3 : i32
        %parallel_loop3A_449 = vector.broadcast %parallel_loop3A_448 : i32 to vector<16xi32>
        %parallel_loop3A_450 = arith.shrsi %parallel_loop3A_440, %parallel_loop3A_449 : vector<16xi32>
        %parallel_loop3A_451 = arith.constant 7 : i32
        %parallel_loop3A_452 = vector.broadcast %parallel_loop3A_451 : i32 to vector<16xi32>
        %parallel_loop3A_453 = arith.andi %parallel_loop3A_440, %parallel_loop3A_452 : vector<16xi32>
        %parallel_loop3A_454 = arith.constant 8.000000e+00 : f32
        %parallel_loop3A_455 = vector.broadcast %parallel_loop3A_454 : f32 to vector<16xf32>
        %parallel_loop3A_456 = arith.mulf %parallel_loop3A_447, %parallel_loop3A_455 : vector<16xf32>
        %parallel_loop3A_457 = arith.constant 0 : i32
        %parallel_loop3A_458 = arith.constant 0 : i32
        %parallel_loop3A_459 = arith.constant 0 : i32
        %parallel_loop3A_460 = tpu.memref_slice %arg7[%parallel_loop3A_128, %parallel_loop3A_457, %parallel_loop3A_458, %parallel_loop3A_459] : memref<2x8x8x129xf32, #tpu.memory_space<vmem>> -> memref<1x8x8x129xf32, #tpu.memory_space<vmem>>
        %parallel_loop3A_461 = tpu.memref_squeeze %parallel_loop3A_460 : memref<1x8x8x129xf32, #tpu.memory_space<vmem>> -> memref<8x8x129xf32, #tpu.memory_space<vmem>>
        tpu.vector_store_idx %parallel_loop3A_461[%parallel_loop3A_450, %parallel_loop3A_453, %parallel_loop3A_413], %parallel_loop3A_456 : memref<8x8x129xf32, #tpu.memory_space<vmem>>[vector<16xi32>, vector<16xi32>, vector<16xi32>], vector<16xf32>,
        %parallel_loop3A_462 = arith.constant 32 : i32
        %parallel_loop3A_463 = vector.broadcast %parallel_loop3A_462 : i32 to vector<16xi32>
        %parallel_loop3A_464 = arith.addi %parallel_loop3A_463, %iota3A : vector<16xi32>
        %parallel_loop3A_465 = arith.constant 0 : i32
        %parallel_loop3A_466 = arith.constant 0 : i32
        %parallel_loop3A_467 = tpu.memref_slice %arg6[%parallel_loop3A_127, %parallel_loop3A_465, %parallel_loop3A_466] : memref<4x128x64xf32, #tpu.memory_space<vmem>> -> memref<1x128x64xf32, #tpu.memory_space<vmem>>
        %parallel_loop3A_468 = tpu.memref_squeeze %parallel_loop3A_467 : memref<1x128x64xf32, #tpu.memory_space<vmem>> -> memref<128x64xf32, #tpu.memory_space<vmem>>
        %parallel_loop3A_469 = arith.index_cast %parallel_loop3A_412 : i32 to index
        %parallel_loop3A_470 = arith.constant 32 : index
        %parallel_loop3A_471 = tpu.vector_load %parallel_loop3A_468[%parallel_loop3A_469, %parallel_loop3A_470] {strides = array<i32>} : memref<128x64xf32, #tpu.memory_space<vmem>>, vector<16xf32>,
        %parallel_loop3A_472 = arith.constant 3 : i32
        %parallel_loop3A_473 = vector.broadcast %parallel_loop3A_472 : i32 to vector<16xi32>
        %parallel_loop3A_474 = arith.shrsi %parallel_loop3A_464, %parallel_loop3A_473 : vector<16xi32>
        %parallel_loop3A_475 = arith.constant 7 : i32
        %parallel_loop3A_476 = vector.broadcast %parallel_loop3A_475 : i32 to vector<16xi32>
        %parallel_loop3A_477 = arith.andi %parallel_loop3A_464, %parallel_loop3A_476 : vector<16xi32>
        %parallel_loop3A_478 = arith.constant 8.000000e+00 : f32
        %parallel_loop3A_479 = vector.broadcast %parallel_loop3A_478 : f32 to vector<16xf32>
        %parallel_loop3A_480 = arith.mulf %parallel_loop3A_471, %parallel_loop3A_479 : vector<16xf32>
        %parallel_loop3A_481 = arith.constant 0 : i32
        %parallel_loop3A_482 = arith.constant 0 : i32
        %parallel_loop3A_483 = arith.constant 0 : i32
        %parallel_loop3A_484 = tpu.memref_slice %arg7[%parallel_loop3A_128, %parallel_loop3A_481, %parallel_loop3A_482, %parallel_loop3A_483] : memref<2x8x8x129xf32, #tpu.memory_space<vmem>> -> memref<1x8x8x129xf32, #tpu.memory_space<vmem>>
        %parallel_loop3A_485 = tpu.memref_squeeze %parallel_loop3A_484 : memref<1x8x8x129xf32, #tpu.memory_space<vmem>> -> memref<8x8x129xf32, #tpu.memory_space<vmem>>
        tpu.vector_store_idx %parallel_loop3A_485[%parallel_loop3A_474, %parallel_loop3A_477, %parallel_loop3A_413], %parallel_loop3A_480 : memref<8x8x129xf32, #tpu.memory_space<vmem>>[vector<16xi32>, vector<16xi32>, vector<16xi32>], vector<16xf32>,
        %parallel_loop3A_486 = arith.constant 48 : i32
        %parallel_loop3A_487 = vector.broadcast %parallel_loop3A_486 : i32 to vector<16xi32>
        %parallel_loop3A_488 = arith.addi %parallel_loop3A_487, %iota3A : vector<16xi32>
        %parallel_loop3A_489 = arith.constant 0 : i32
        %parallel_loop3A_490 = arith.constant 0 : i32
        %parallel_loop3A_491 = tpu.memref_slice %arg6[%parallel_loop3A_127, %parallel_loop3A_489, %parallel_loop3A_490] : memref<4x128x64xf32, #tpu.memory_space<vmem>> -> memref<1x128x64xf32, #tpu.memory_space<vmem>>
        %parallel_loop3A_492 = tpu.memref_squeeze %parallel_loop3A_491 : memref<1x128x64xf32, #tpu.memory_space<vmem>> -> memref<128x64xf32, #tpu.memory_space<vmem>>
        %parallel_loop3A_493 = arith.index_cast %parallel_loop3A_412 : i32 to index
        %parallel_loop3A_494 = arith.constant 48 : index
        %parallel_loop3A_495 = tpu.vector_load %parallel_loop3A_492[%parallel_loop3A_493, %parallel_loop3A_494] {strides = array<i32>} : memref<128x64xf32, #tpu.memory_space<vmem>>, vector<16xf32>,
        %parallel_loop3A_496 = arith.constant 3 : i32
        %parallel_loop3A_497 = vector.broadcast %parallel_loop3A_496 : i32 to vector<16xi32>
        %parallel_loop3A_498 = arith.shrsi %parallel_loop3A_488, %parallel_loop3A_497 : vector<16xi32>
        %parallel_loop3A_499 = arith.constant 7 : i32
        %parallel_loop3A_500 = vector.broadcast %parallel_loop3A_499 : i32 to vector<16xi32>
        %parallel_loop3A_501 = arith.andi %parallel_loop3A_488, %parallel_loop3A_500 : vector<16xi32>
        %parallel_loop3A_502 = arith.constant 8.000000e+00 : f32
        %parallel_loop3A_503 = vector.broadcast %parallel_loop3A_502 : f32 to vector<16xf32>
        %parallel_loop3A_504 = arith.mulf %parallel_loop3A_495, %parallel_loop3A_503 : vector<16xf32>
        %parallel_loop3A_505 = arith.constant 0 : i32
        %parallel_loop3A_506 = arith.constant 0 : i32
        %parallel_loop3A_507 = arith.constant 0 : i32
        %parallel_loop3A_508 = tpu.memref_slice %arg7[%parallel_loop3A_128, %parallel_loop3A_505, %parallel_loop3A_506, %parallel_loop3A_507] : memref<2x8x8x129xf32, #tpu.memory_space<vmem>> -> memref<1x8x8x129xf32, #tpu.memory_space<vmem>>
        %parallel_loop3A_509 = tpu.memref_squeeze %parallel_loop3A_508 : memref<1x8x8x129xf32, #tpu.memory_space<vmem>> -> memref<8x8x129xf32, #tpu.memory_space<vmem>>
        tpu.vector_store_idx %parallel_loop3A_509[%parallel_loop3A_498, %parallel_loop3A_501, %parallel_loop3A_413], %parallel_loop3A_504 : memref<8x8x129xf32, #tpu.memory_space<vmem>>[vector<16xi32>, vector<16xi32>, vector<16xi32>], vector<16xf32>,
      } {sc.loop_unroll_factor = 4 : i64, sc.parallel_access}
      %dma_start3A_129 = arith.constant 0 : i32
      %dma_start3A_130 = arith.constant 0 : i32
      %dma_start3A_131 = arith.constant 0 : i32
      %dma_start3A_132 = arith.constant 0 : i32
      %dma_start3A_133 = tpu.memref_slice %arg7[%dma_start3A_129, %dma_start3A_130, %dma_start3A_131, %dma_start3A_132] : memref<2x8x8x129xf32, #tpu.memory_space<vmem>> -> memref<1x8x8x129xf32, #tpu.memory_space<vmem>>
      %dma_start3A_134 = tpu.memref_squeeze %dma_start3A_133 : memref<1x8x8x129xf32, #tpu.memory_space<vmem>> -> memref<8x8x129xf32, #tpu.memory_space<vmem>>
      %dma_start3A_135 = arith.constant 0 : i32
      %dma_start3A_136 = arith.constant 0 : i32
      %dma_start3A_137 = arith.constant 0 : i32
      %dma_start3A_138 = tpu.memref_slice %dma_start3A_134[%dma_start3A_135, %dma_start3A_136, %dma_start3A_137] : memref<8x8x129xf32, #tpu.memory_space<vmem>> -> memref<8x8x128xf32, #tpu.memory_space<vmem>>
      %dma_start3A_139 = arith.constant 0 : i32
      %dma_start3A_140 = arith.constant 0 : i32
      %dma_start3A_141 = arith.constant 0 : i32
      %dma_start3A_142 = tpu.memref_slice %arg4[%add3A_109, %dma_start3A_139, %add3A, %dma_start3A_140, %dma_start3A_141] : memref<200x8x32x8x128xf32, #tpu.memory_space<hbm>> -> memref<1x8x1x8x128xf32, #tpu.memory_space<hbm>>
      %dma_start3A_143 = tpu.memref_squeeze %dma_start3A_142 : memref<1x8x1x8x128xf32, #tpu.memory_space<hbm>> -> memref<8x8x128xf32, #tpu.memory_space<hbm>>
      %dma_start3A_144 = arith.constant 0 : i32
      %dma_start3A_145 = arith.constant 0 : i32
      %dma_start3A_146 = arith.constant 0 : i32
      %dma_start3A_147 = tpu.memref_slice %arg4[%add3A_109, %dma_start3A_144, %add3A, %dma_start3A_145, %dma_start3A_146] : memref<200x8x32x8x128xf32, #tpu.memory_space<hbm>> -> memref<1x8x1x8x128xf32, #tpu.memory_space<hbm>>
      %dma_start3A_148 = tpu.memref_squeeze %dma_start3A_147 : memref<1x8x1x8x128xf32, #tpu.memory_space<hbm>> -> memref<8x8x128xf32, #tpu.memory_space<hbm>>
      %dma_start3A_149 = arith.constant 0 : i32
      %dma_start3A_150 = arith.constant 0 : i32
      %dma_start3A_151 = arith.constant 0 : i32
      %dma_start3A_152 = tpu.memref_slice %arg7[%dma_start3A_129, %dma_start3A_149, %dma_start3A_150, %dma_start3A_151] : memref<2x8x8x129xf32, #tpu.memory_space<vmem>> -> memref<1x8x8x129xf32, #tpu.memory_space<vmem>>
      %dma_start3A_153 = tpu.memref_squeeze %dma_start3A_152 : memref<1x8x8x129xf32, #tpu.memory_space<vmem>> -> memref<8x8x129xf32, #tpu.memory_space<vmem>>
      %dma_start3A_154 = arith.constant 0 : i32
      %dma_start3A_155 = arith.constant 0 : i32
      %dma_start3A_156 = arith.constant 0 : i32
      %dma_start3A_157 = tpu.memref_slice %dma_start3A_153[%dma_start3A_154, %dma_start3A_155, %dma_start3A_156] : memref<8x8x129xf32, #tpu.memory_space<vmem>> -> memref<8x8x128xf32, #tpu.memory_space<vmem>>
      tpu.enqueue_dma source(%dma_start3A_157 : memref<8x8x128xf32, #tpu.memory_space<vmem>>) target(%dma_start3A_148 : memref<8x8x128xf32, #tpu.memory_space<hbm>>) target_semaphore(%arg12 : memref<!tpu.dma_semaphore, #tpu.memory_space<semaphore_mem>>)
      %add3A_158 = arith.constant 4 : i32
      %add3A_159 = arith.addi %add3A_109, %add3A_158 : i32
      %sub3A = arith.constant 1 : i32
      %sub3A_160 = arith.subi %add3A_159, %sub3A : i32
      %lt3A = arith.constant 200 : i32
      %lt3A_161 = arith.cmpi slt, %sub3A_160, %lt3A : i32
      %convert_element_type3A_162 = arith.extui %lt3A_161 : i1 to i32
      %cond3A_163 = arith.constant 0 : i32
      %cond3A_164 = arith.cmpi ne, %convert_element_type3A_162, %cond3A_163 : i32
      scf.if %cond3A_164 {
        %jit3A = arith.constant 8 : i32
        %div3A = arith.divsi %sub3A_160, %jit3A : i32
        %sign3A = arith.constant 0 : i32
        %sign3A_412 = arith.cmpi sgt, %sub3A_160, %sign3A : i32
        %sign3A_413 = arith.extui %sign3A_412 : i1 to i32
        %sign3A_414 = arith.constant 0 : i32
        %sign3A_415 = arith.cmpi slt, %sub3A_160, %sign3A_414 : i32
        %sign3A_416 = arith.extui %sign3A_415 : i1 to i32
        %sign3A_417 = arith.subi %sign3A_413, %sign3A_416 : i32
        %sign3A_418 = arith.constant 0 : i32
        %sign3A_419 = arith.cmpi sgt, %jit3A, %sign3A_418 : i32
        %sign3A_420 = arith.extui %sign3A_419 : i1 to i32
        %sign3A_421 = arith.constant 0 : i32
        %sign3A_422 = arith.cmpi slt, %jit3A, %sign3A_421 : i32
        %sign3A_423 = arith.extui %sign3A_422 : i1 to i32
        %sign3A_424 = arith.subi %sign3A_420, %sign3A_423 : i32
        %ne3A = arith.cmpi ne, %sign3A_417, %sign3A_424 : i32
        %rem3A = arith.remsi %sub3A_160, %jit3A : i32
        %ne3A_425 = arith.constant 0 : i32
        %ne3A_426 = arith.cmpi ne, %rem3A, %ne3A_425 : i32
        %and3A = arith.andi %ne3A, %ne3A_426 : i1
        %sub3A_427 = arith.constant 1 : i32
        %sub3A_428 = arith.subi %div3A, %sub3A_427 : i32
        %select_n3A = arith.select %and3A, %sub3A_428, %div3A : i32
        %jit3A_429 = arith.constant 8 : i32
        %eq3A = arith.constant 0 : i32
        %eq3A_430 = arith.cmpi eq, %jit3A_429, %eq3A : i32
        %jit3A_431 = arith.constant 1 : i32
        %select_n3A_432 = arith.select %eq3A_430, %jit3A_431, %jit3A_429 : i32
        %rem3A_433 = arith.remsi %sub3A_160, %select_n3A_432 : i32
        %ne3A_434 = arith.constant 0 : i32
        %ne3A_435 = arith.cmpi ne, %rem3A_433, %ne3A_434 : i32
        %lt3A_436 = arith.constant 0 : i32
        %lt3A_437 = arith.cmpi slt, %rem3A_433, %lt3A_436 : i32
        %lt3A_438 = arith.constant 0 : i32
        %lt3A_439 = arith.cmpi slt, %select_n3A_432, %lt3A_438 : i32
        %ne3A_440 = arith.xori %lt3A_437, %lt3A_439 : i1
        %and3A_441 = arith.andi %ne3A_440, %ne3A_435 : i1
        %add3A_442 = arith.addi %rem3A_433, %select_n3A_432 : i32
        %select_n3A_443 = arith.select %and3A_441, %add3A_442, %rem3A_433 : i32
        %dma_start3A_444 = arith.constant 3 : i32
        %dma_start3A_445 = arith.constant 0 : i32
        %dma_start3A_446 = arith.constant 0 : i32
        %dma_start3A_447 = tpu.memref_slice %arg6[%dma_start3A_444, %dma_start3A_445, %dma_start3A_446] : memref<4x128x64xf32, #tpu.memory_space<vmem>> -> memref<1x128x64xf32, #tpu.memory_space<vmem>>
        %dma_start3A_448 = tpu.memref_squeeze %dma_start3A_447 : memref<1x128x64xf32, #tpu.memory_space<vmem>> -> memref<128x64xf32, #tpu.memory_space<vmem>>
        %dma_start3A_449 = arith.constant 0 : i32
        %dma_start3A_450 = tpu.memref_slice %arg5[%select_n3A, %select_n3A_443, %dma_start3A_449] : memref<25x8x128xi32, #tpu.memory_space<vmem>> -> memref<1x1x128xi32, #tpu.memory_space<vmem>>
        %dma_start3A_451 = tpu.memref_squeeze %dma_start3A_450 : memref<1x1x128xi32, #tpu.memory_space<vmem>> -> memref<128xi32, #tpu.memory_space<vmem>>
        %dma_start3A_452 = arith.constant 0 : i32
        %dma_start3A_453 = arith.constant 0 : i32
        %dma_start3A_454 = tpu.memref_slice %arg3[%dma_start3A_452, %dma_start3A_453] : memref<1000000x64xf32, #tpu.memory_space<hbm>> -> memref<1000000x64xf32, #tpu.memory_space<hbm>>
        tpu.enqueue_indirect_dma source(%dma_start3A_454 : memref<1000000x64xf32, #tpu.memory_space<hbm>>) target(%dma_start3A_448 : memref<128x64xf32, #tpu.memory_space<vmem>>) offsets(%dma_start3A_451 : memref<128xi32, #tpu.memory_space<vmem>>) semaphore(%arg11 : memref<!tpu.dma_semaphore, #tpu.memory_space<semaphore_mem>>)
      } else {
      }
      %mul3A_165 = arith.constant 4 : i32
      %mul3A_166 = arith.muli %scan3A_105, %mul3A_165 : i32
      %add3A_167 = arith.constant 1 : i32
      %add3A_168 = arith.addi %mul3A_166, %add3A_167 : i32
      %dma_wait3A_169 = arith.constant 0 : i32
      %dma_wait3A_170 = arith.constant 0 : i32
      %dma_wait3A_171 = arith.constant 1 : i32
      %dma_wait3A_172 = arith.constant 0 : i32
      %dma_wait3A_173 = arith.constant 0 : i32
      %dma_wait3A_174 = tpu.memref_slice %arg6[%dma_wait3A_171, %dma_wait3A_172, %dma_wait3A_173] : memref<4x128x64xf32, #tpu.memory_space<vmem>> -> memref<1x128x64xf32, #tpu.memory_space<vmem>>
      %dma_wait3A_175 = tpu.memref_squeeze %dma_wait3A_174 : memref<1x128x64xf32, #tpu.memory_space<vmem>> -> memref<128x64xf32, #tpu.memory_space<vmem>>
      %dma_wait3A_176 = arith.constant 0 : i32
      %dma_wait3A_177 = tpu.memref_slice %arg5[%dma_wait3A_169, %dma_wait3A_170, %dma_wait3A_176] : memref<25x8x128xi32, #tpu.memory_space<vmem>> -> memref<1x1x128xi32, #tpu.memory_space<vmem>>
      %dma_wait3A_178 = tpu.memref_squeeze %dma_wait3A_177 : memref<1x1x128xi32, #tpu.memory_space<vmem>> -> memref<128xi32, #tpu.memory_space<vmem>>
      %dma_wait3A_179 = arith.constant 0 : i32
      %dma_wait3A_180 = arith.constant 0 : i32
      %dma_wait3A_181 = tpu.memref_slice %arg3[%dma_wait3A_179, %dma_wait3A_180] : memref<1000000x64xf32, #tpu.memory_space<hbm>> -> memref<1000000x64xf32, #tpu.memory_space<hbm>>
      tpu.wait_indirect_dma semaphore(%arg9 : memref<!tpu.dma_semaphore, #tpu.memory_space<semaphore_mem>>) src(%dma_wait3A_181 : memref<1000000x64xf32, #tpu.memory_space<hbm>>) dst(%dma_wait3A_175 : memref<128x64xf32, #tpu.memory_space<vmem>>)
      %ge3A_182 = arith.constant 1 : i32
      %ge3A_183 = arith.cmpi sge, %scan3A_105, %ge3A_182 : i32
      %convert_element_type3A_184 = arith.extui %ge3A_183 : i1 to i32
      %cond3A_185 = arith.constant 0 : i32
      %cond3A_186 = arith.cmpi ne, %convert_element_type3A_184, %cond3A_185 : i32
      scf.if %cond3A_186 {
        %dma_wait3A_412 = arith.constant 1 : i32
        %dma_wait3A_413 = arith.constant 0 : i32
        %dma_wait3A_414 = arith.constant 0 : i32
        %dma_wait3A_415 = arith.constant 0 : i32
        %dma_wait3A_416 = arith.constant 0 : i32
        %dma_wait3A_417 = arith.constant 0 : i32
        %dma_wait3A_418 = tpu.memref_slice %arg7[%dma_wait3A_412, %dma_wait3A_415, %dma_wait3A_416, %dma_wait3A_417] : memref<2x8x8x129xf32, #tpu.memory_space<vmem>> -> memref<1x8x8x129xf32, #tpu.memory_space<vmem>>
        %dma_wait3A_419 = tpu.memref_squeeze %dma_wait3A_418 : memref<1x8x8x129xf32, #tpu.memory_space<vmem>> -> memref<8x8x129xf32, #tpu.memory_space<vmem>>
        %dma_wait3A_420 = arith.constant 0 : i32
        %dma_wait3A_421 = arith.constant 0 : i32
        %dma_wait3A_422 = arith.constant 0 : i32
        %dma_wait3A_423 = tpu.memref_slice %dma_wait3A_419[%dma_wait3A_420, %dma_wait3A_421, %dma_wait3A_422] : memref<8x8x129xf32, #tpu.memory_space<vmem>> -> memref<8x8x128xf32, #tpu.memory_space<vmem>>
        %dma_wait3A_424 = arith.constant 0 : i32
        %dma_wait3A_425 = arith.constant 0 : i32
        %dma_wait3A_426 = arith.constant 0 : i32
        %dma_wait3A_427 = tpu.memref_slice %arg4[%dma_wait3A_413, %dma_wait3A_424, %dma_wait3A_414, %dma_wait3A_425, %dma_wait3A_426] : memref<200x8x32x8x128xf32, #tpu.memory_space<hbm>> -> memref<1x8x1x8x128xf32, #tpu.memory_space<hbm>>
        %dma_wait3A_428 = tpu.memref_squeeze %dma_wait3A_427 : memref<1x8x1x8x128xf32, #tpu.memory_space<hbm>> -> memref<8x8x128xf32, #tpu.memory_space<hbm>>
        %dma_wait3A_429 = arith.constant 0 : i32
        %dma_wait3A_430 = arith.constant 0 : i32
        %dma_wait3A_431 = arith.constant 0 : i32
        %dma_wait3A_432 = tpu.memref_slice %arg4[%dma_wait3A_413, %dma_wait3A_429, %dma_wait3A_414, %dma_wait3A_430, %dma_wait3A_431] : memref<200x8x32x8x128xf32, #tpu.memory_space<hbm>> -> memref<1x8x1x8x128xf32, #tpu.memory_space<hbm>>
        %dma_wait3A_433 = tpu.memref_squeeze %dma_wait3A_432 : memref<1x8x1x8x128xf32, #tpu.memory_space<hbm>> -> memref<8x8x128xf32, #tpu.memory_space<hbm>>
        %dma_wait3A_434 = arith.constant 0 : i32
        %dma_wait3A_435 = arith.constant 0 : i32
        %dma_wait3A_436 = arith.constant 0 : i32
        %dma_wait3A_437 = tpu.memref_slice %arg7[%dma_wait3A_412, %dma_wait3A_434, %dma_wait3A_435, %dma_wait3A_436] : memref<2x8x8x129xf32, #tpu.memory_space<vmem>> -> memref<1x8x8x129xf32, #tpu.memory_space<vmem>>
        %dma_wait3A_438 = tpu.memref_squeeze %dma_wait3A_437 : memref<1x8x8x129xf32, #tpu.memory_space<vmem>> -> memref<8x8x129xf32, #tpu.memory_space<vmem>>
        %dma_wait3A_439 = arith.constant 0 : i32
        %dma_wait3A_440 = arith.constant 0 : i32
        %dma_wait3A_441 = arith.constant 0 : i32
        %dma_wait3A_442 = tpu.memref_slice %dma_wait3A_438[%dma_wait3A_439, %dma_wait3A_440, %dma_wait3A_441] : memref<8x8x129xf32, #tpu.memory_space<vmem>> -> memref<8x8x128xf32, #tpu.memory_space<vmem>>
        tpu.wait_dma2 semaphore(%arg13 : memref<!tpu.dma_semaphore, #tpu.memory_space<semaphore_mem>>) src(%dma_wait3A_442 : memref<8x8x128xf32, #tpu.memory_space<vmem>>) dst(%dma_wait3A_433 : memref<8x8x128xf32, #tpu.memory_space<hbm>>)
      } else {
      }
      %parallel_loop3A_187 = arith.constant 0 : i32
      %parallel_loop3A_188 = arith.constant 128 : i32
      %parallel_loop3A_189 = arith.constant 1 : i32
      %parallel_loop3A_190 = arith.constant 1 : i32
      %parallel_loop3A_191 = arith.constant 1 : i32
      scf.for %parallel_loop3A_412 = %parallel_loop3A_187 to %parallel_loop3A_188 step %parallel_loop3A_189  : i32 {
        %parallel_loop3A_413 = vector.broadcast %parallel_loop3A_412 : i32 to vector<16xi32>
        %parallel_loop3A_414 = arith.constant 0 : i32
        %parallel_loop3A_415 = vector.broadcast %parallel_loop3A_414 : i32 to vector<16xi32>
        %parallel_loop3A_416 = arith.addi %parallel_loop3A_415, %iota3A : vector<16xi32>
        %parallel_loop3A_417 = arith.constant 0 : i32
        %parallel_loop3A_418 = arith.constant 0 : i32
        %parallel_loop3A_419 = tpu.memref_slice %arg6[%parallel_loop3A_190, %parallel_loop3A_417, %parallel_loop3A_418] : memref<4x128x64xf32, #tpu.memory_space<vmem>> -> memref<1x128x64xf32, #tpu.memory_space<vmem>>
        %parallel_loop3A_420 = tpu.memref_squeeze %parallel_loop3A_419 : memref<1x128x64xf32, #tpu.memory_space<vmem>> -> memref<128x64xf32, #tpu.memory_space<vmem>>
        %parallel_loop3A_421 = arith.index_cast %parallel_loop3A_412 : i32 to index
        %parallel_loop3A_422 = arith.constant 0 : index
        %parallel_loop3A_423 = tpu.vector_load %parallel_loop3A_420[%parallel_loop3A_421, %parallel_loop3A_422] {strides = array<i32>} : memref<128x64xf32, #tpu.memory_space<vmem>>, vector<16xf32>,
        %parallel_loop3A_424 = arith.constant 3 : i32
        %parallel_loop3A_425 = vector.broadcast %parallel_loop3A_424 : i32 to vector<16xi32>
        %parallel_loop3A_426 = arith.shrsi %parallel_loop3A_416, %parallel_loop3A_425 : vector<16xi32>
        %parallel_loop3A_427 = arith.constant 7 : i32
        %parallel_loop3A_428 = vector.broadcast %parallel_loop3A_427 : i32 to vector<16xi32>
        %parallel_loop3A_429 = arith.andi %parallel_loop3A_416, %parallel_loop3A_428 : vector<16xi32>
        %parallel_loop3A_430 = arith.constant 8.000000e+00 : f32
        %parallel_loop3A_431 = vector.broadcast %parallel_loop3A_430 : f32 to vector<16xf32>
        %parallel_loop3A_432 = arith.mulf %parallel_loop3A_423, %parallel_loop3A_431 : vector<16xf32>
        %parallel_loop3A_433 = arith.constant 0 : i32
        %parallel_loop3A_434 = arith.constant 0 : i32
        %parallel_loop3A_435 = arith.constant 0 : i32
        %parallel_loop3A_436 = tpu.memref_slice %arg7[%parallel_loop3A_191, %parallel_loop3A_433, %parallel_loop3A_434, %parallel_loop3A_435] : memref<2x8x8x129xf32, #tpu.memory_space<vmem>> -> memref<1x8x8x129xf32, #tpu.memory_space<vmem>>
        %parallel_loop3A_437 = tpu.memref_squeeze %parallel_loop3A_436 : memref<1x8x8x129xf32, #tpu.memory_space<vmem>> -> memref<8x8x129xf32, #tpu.memory_space<vmem>>
        tpu.vector_store_idx %parallel_loop3A_437[%parallel_loop3A_426, %parallel_loop3A_429, %parallel_loop3A_413], %parallel_loop3A_432 : memref<8x8x129xf32, #tpu.memory_space<vmem>>[vector<16xi32>, vector<16xi32>, vector<16xi32>], vector<16xf32>,
        %parallel_loop3A_438 = arith.constant 16 : i32
        %parallel_loop3A_439 = vector.broadcast %parallel_loop3A_438 : i32 to vector<16xi32>
        %parallel_loop3A_440 = arith.addi %parallel_loop3A_439, %iota3A : vector<16xi32>
        %parallel_loop3A_441 = arith.constant 0 : i32
        %parallel_loop3A_442 = arith.constant 0 : i32
        %parallel_loop3A_443 = tpu.memref_slice %arg6[%parallel_loop3A_190, %parallel_loop3A_441, %parallel_loop3A_442] : memref<4x128x64xf32, #tpu.memory_space<vmem>> -> memref<1x128x64xf32, #tpu.memory_space<vmem>>
        %parallel_loop3A_444 = tpu.memref_squeeze %parallel_loop3A_443 : memref<1x128x64xf32, #tpu.memory_space<vmem>> -> memref<128x64xf32, #tpu.memory_space<vmem>>
        %parallel_loop3A_445 = arith.index_cast %parallel_loop3A_412 : i32 to index
        %parallel_loop3A_446 = arith.constant 16 : index
        %parallel_loop3A_447 = tpu.vector_load %parallel_loop3A_444[%parallel_loop3A_445, %parallel_loop3A_446] {strides = array<i32>} : memref<128x64xf32, #tpu.memory_space<vmem>>, vector<16xf32>,
        %parallel_loop3A_448 = arith.constant 3 : i32
        %parallel_loop3A_449 = vector.broadcast %parallel_loop3A_448 : i32 to vector<16xi32>
        %parallel_loop3A_450 = arith.shrsi %parallel_loop3A_440, %parallel_loop3A_449 : vector<16xi32>
        %parallel_loop3A_451 = arith.constant 7 : i32
        %parallel_loop3A_452 = vector.broadcast %parallel_loop3A_451 : i32 to vector<16xi32>
        %parallel_loop3A_453 = arith.andi %parallel_loop3A_440, %parallel_loop3A_452 : vector<16xi32>
        %parallel_loop3A_454 = arith.constant 8.000000e+00 : f32
        %parallel_loop3A_455 = vector.broadcast %parallel_loop3A_454 : f32 to vector<16xf32>
        %parallel_loop3A_456 = arith.mulf %parallel_loop3A_447, %parallel_loop3A_455 : vector<16xf32>
        %parallel_loop3A_457 = arith.constant 0 : i32
        %parallel_loop3A_458 = arith.constant 0 : i32
        %parallel_loop3A_459 = arith.constant 0 : i32
        %parallel_loop3A_460 = tpu.memref_slice %arg7[%parallel_loop3A_191, %parallel_loop3A_457, %parallel_loop3A_458, %parallel_loop3A_459] : memref<2x8x8x129xf32, #tpu.memory_space<vmem>> -> memref<1x8x8x129xf32, #tpu.memory_space<vmem>>
        %parallel_loop3A_461 = tpu.memref_squeeze %parallel_loop3A_460 : memref<1x8x8x129xf32, #tpu.memory_space<vmem>> -> memref<8x8x129xf32, #tpu.memory_space<vmem>>
        tpu.vector_store_idx %parallel_loop3A_461[%parallel_loop3A_450, %parallel_loop3A_453, %parallel_loop3A_413], %parallel_loop3A_456 : memref<8x8x129xf32, #tpu.memory_space<vmem>>[vector<16xi32>, vector<16xi32>, vector<16xi32>], vector<16xf32>,
        %parallel_loop3A_462 = arith.constant 32 : i32
        %parallel_loop3A_463 = vector.broadcast %parallel_loop3A_462 : i32 to vector<16xi32>
        %parallel_loop3A_464 = arith.addi %parallel_loop3A_463, %iota3A : vector<16xi32>
        %parallel_loop3A_465 = arith.constant 0 : i32
        %parallel_loop3A_466 = arith.constant 0 : i32
        %parallel_loop3A_467 = tpu.memref_slice %arg6[%parallel_loop3A_190, %parallel_loop3A_465, %parallel_loop3A_466] : memref<4x128x64xf32, #tpu.memory_space<vmem>> -> memref<1x128x64xf32, #tpu.memory_space<vmem>>
        %parallel_loop3A_468 = tpu.memref_squeeze %parallel_loop3A_467 : memref<1x128x64xf32, #tpu.memory_space<vmem>> -> memref<128x64xf32, #tpu.memory_space<vmem>>
        %parallel_loop3A_469 = arith.index_cast %parallel_loop3A_412 : i32 to index
        %parallel_loop3A_470 = arith.constant 32 : index
        %parallel_loop3A_471 = tpu.vector_load %parallel_loop3A_468[%parallel_loop3A_469, %parallel_loop3A_470] {strides = array<i32>} : memref<128x64xf32, #tpu.memory_space<vmem>>, vector<16xf32>,
        %parallel_loop3A_472 = arith.constant 3 : i32
        %parallel_loop3A_473 = vector.broadcast %parallel_loop3A_472 : i32 to vector<16xi32>
        %parallel_loop3A_474 = arith.shrsi %parallel_loop3A_464, %parallel_loop3A_473 : vector<16xi32>
        %parallel_loop3A_475 = arith.constant 7 : i32
        %parallel_loop3A_476 = vector.broadcast %parallel_loop3A_475 : i32 to vector<16xi32>
        %parallel_loop3A_477 = arith.andi %parallel_loop3A_464, %parallel_loop3A_476 : vector<16xi32>
        %parallel_loop3A_478 = arith.constant 8.000000e+00 : f32
        %parallel_loop3A_479 = vector.broadcast %parallel_loop3A_478 : f32 to vector<16xf32>
        %parallel_loop3A_480 = arith.mulf %parallel_loop3A_471, %parallel_loop3A_479 : vector<16xf32>
        %parallel_loop3A_481 = arith.constant 0 : i32
        %parallel_loop3A_482 = arith.constant 0 : i32
        %parallel_loop3A_483 = arith.constant 0 : i32
        %parallel_loop3A_484 = tpu.memref_slice %arg7[%parallel_loop3A_191, %parallel_loop3A_481, %parallel_loop3A_482, %parallel_loop3A_483] : memref<2x8x8x129xf32, #tpu.memory_space<vmem>> -> memref<1x8x8x129xf32, #tpu.memory_space<vmem>>
        %parallel_loop3A_485 = tpu.memref_squeeze %parallel_loop3A_484 : memref<1x8x8x129xf32, #tpu.memory_space<vmem>> -> memref<8x8x129xf32, #tpu.memory_space<vmem>>
        tpu.vector_store_idx %parallel_loop3A_485[%parallel_loop3A_474, %parallel_loop3A_477, %parallel_loop3A_413], %parallel_loop3A_480 : memref<8x8x129xf32, #tpu.memory_space<vmem>>[vector<16xi32>, vector<16xi32>, vector<16xi32>], vector<16xf32>,
        %parallel_loop3A_486 = arith.constant 48 : i32
        %parallel_loop3A_487 = vector.broadcast %parallel_loop3A_486 : i32 to vector<16xi32>
        %parallel_loop3A_488 = arith.addi %parallel_loop3A_487, %iota3A : vector<16xi32>
        %parallel_loop3A_489 = arith.constant 0 : i32
        %parallel_loop3A_490 = arith.constant 0 : i32
        %parallel_loop3A_491 = tpu.memref_slice %arg6[%parallel_loop3A_190, %parallel_loop3A_489, %parallel_loop3A_490] : memref<4x128x64xf32, #tpu.memory_space<vmem>> -> memref<1x128x64xf32, #tpu.memory_space<vmem>>
        %parallel_loop3A_492 = tpu.memref_squeeze %parallel_loop3A_491 : memref<1x128x64xf32, #tpu.memory_space<vmem>> -> memref<128x64xf32, #tpu.memory_space<vmem>>
        %parallel_loop3A_493 = arith.index_cast %parallel_loop3A_412 : i32 to index
        %parallel_loop3A_494 = arith.constant 48 : index
        %parallel_loop3A_495 = tpu.vector_load %parallel_loop3A_492[%parallel_loop3A_493, %parallel_loop3A_494] {strides = array<i32>} : memref<128x64xf32, #tpu.memory_space<vmem>>, vector<16xf32>,
        %parallel_loop3A_496 = arith.constant 3 : i32
        %parallel_loop3A_497 = vector.broadcast %parallel_loop3A_496 : i32 to vector<16xi32>
        %parallel_loop3A_498 = arith.shrsi %parallel_loop3A_488, %parallel_loop3A_497 : vector<16xi32>
        %parallel_loop3A_499 = arith.constant 7 : i32
        %parallel_loop3A_500 = vector.broadcast %parallel_loop3A_499 : i32 to vector<16xi32>
        %parallel_loop3A_501 = arith.andi %parallel_loop3A_488, %parallel_loop3A_500 : vector<16xi32>
        %parallel_loop3A_502 = arith.constant 8.000000e+00 : f32
        %parallel_loop3A_503 = vector.broadcast %parallel_loop3A_502 : f32 to vector<16xf32>
        %parallel_loop3A_504 = arith.mulf %parallel_loop3A_495, %parallel_loop3A_503 : vector<16xf32>
        %parallel_loop3A_505 = arith.constant 0 : i32
        %parallel_loop3A_506 = arith.constant 0 : i32
        %parallel_loop3A_507 = arith.constant 0 : i32
        %parallel_loop3A_508 = tpu.memref_slice %arg7[%parallel_loop3A_191, %parallel_loop3A_505, %parallel_loop3A_506, %parallel_loop3A_507] : memref<2x8x8x129xf32, #tpu.memory_space<vmem>> -> memref<1x8x8x129xf32, #tpu.memory_space<vmem>>
        %parallel_loop3A_509 = tpu.memref_squeeze %parallel_loop3A_508 : memref<1x8x8x129xf32, #tpu.memory_space<vmem>> -> memref<8x8x129xf32, #tpu.memory_space<vmem>>
        tpu.vector_store_idx %parallel_loop3A_509[%parallel_loop3A_498, %parallel_loop3A_501, %parallel_loop3A_413], %parallel_loop3A_504 : memref<8x8x129xf32, #tpu.memory_space<vmem>>[vector<16xi32>, vector<16xi32>, vector<16xi32>], vector<16xf32>,
      } {sc.loop_unroll_factor = 4 : i64, sc.parallel_access}
      %dma_start3A_192 = arith.constant 1 : i32
      %dma_start3A_193 = arith.constant 0 : i32
      %dma_start3A_194 = arith.constant 0 : i32
      %dma_start3A_195 = arith.constant 0 : i32
      %dma_start3A_196 = tpu.memref_slice %arg7[%dma_start3A_192, %dma_start3A_193, %dma_start3A_194, %dma_start3A_195] : memref<2x8x8x129xf32, #tpu.memory_space<vmem>> -> memref<1x8x8x129xf32, #tpu.memory_space<vmem>>
      %dma_start3A_197 = tpu.memref_squeeze %dma_start3A_196 : memref<1x8x8x129xf32, #tpu.memory_space<vmem>> -> memref<8x8x129xf32, #tpu.memory_space<vmem>>
      %dma_start3A_198 = arith.constant 0 : i32
      %dma_start3A_199 = arith.constant 0 : i32
      %dma_start3A_200 = arith.constant 0 : i32
      %dma_start3A_201 = tpu.memref_slice %dma_start3A_197[%dma_start3A_198, %dma_start3A_199, %dma_start3A_200] : memref<8x8x129xf32, #tpu.memory_space<vmem>> -> memref<8x8x128xf32, #tpu.memory_space<vmem>>
      %dma_start3A_202 = arith.constant 0 : i32
      %dma_start3A_203 = arith.constant 0 : i32
      %dma_start3A_204 = arith.constant 0 : i32
      %dma_start3A_205 = tpu.memref_slice %arg4[%add3A_168, %dma_start3A_202, %add3A, %dma_start3A_203, %dma_start3A_204] : memref<200x8x32x8x128xf32, #tpu.memory_space<hbm>> -> memref<1x8x1x8x128xf32, #tpu.memory_space<hbm>>
      %dma_start3A_206 = tpu.memref_squeeze %dma_start3A_205 : memref<1x8x1x8x128xf32, #tpu.memory_space<hbm>> -> memref<8x8x128xf32, #tpu.memory_space<hbm>>
      %dma_start3A_207 = arith.constant 0 : i32
      %dma_start3A_208 = arith.constant 0 : i32
      %dma_start3A_209 = arith.constant 0 : i32
      %dma_start3A_210 = tpu.memref_slice %arg4[%add3A_168, %dma_start3A_207, %add3A, %dma_start3A_208, %dma_start3A_209] : memref<200x8x32x8x128xf32, #tpu.memory_space<hbm>> -> memref<1x8x1x8x128xf32, #tpu.memory_space<hbm>>
      %dma_start3A_211 = tpu.memref_squeeze %dma_start3A_210 : memref<1x8x1x8x128xf32, #tpu.memory_space<hbm>> -> memref<8x8x128xf32, #tpu.memory_space<hbm>>
      %dma_start3A_212 = arith.constant 0 : i32
      %dma_start3A_213 = arith.constant 0 : i32
      %dma_start3A_214 = arith.constant 0 : i32
      %dma_start3A_215 = tpu.memref_slice %arg7[%dma_start3A_192, %dma_start3A_212, %dma_start3A_213, %dma_start3A_214] : memref<2x8x8x129xf32, #tpu.memory_space<vmem>> -> memref<1x8x8x129xf32, #tpu.memory_space<vmem>>
      %dma_start3A_216 = tpu.memref_squeeze %dma_start3A_215 : memref<1x8x8x129xf32, #tpu.memory_space<vmem>> -> memref<8x8x129xf32, #tpu.memory_space<vmem>>
      %dma_start3A_217 = arith.constant 0 : i32
      %dma_start3A_218 = arith.constant 0 : i32
      %dma_start3A_219 = arith.constant 0 : i32
      %dma_start3A_220 = tpu.memref_slice %dma_start3A_216[%dma_start3A_217, %dma_start3A_218, %dma_start3A_219] : memref<8x8x129xf32, #tpu.memory_space<vmem>> -> memref<8x8x128xf32, #tpu.memory_space<vmem>>
      tpu.enqueue_dma source(%dma_start3A_220 : memref<8x8x128xf32, #tpu.memory_space<vmem>>) target(%dma_start3A_211 : memref<8x8x128xf32, #tpu.memory_space<hbm>>) target_semaphore(%arg13 : memref<!tpu.dma_semaphore, #tpu.memory_space<semaphore_mem>>)
      %add3A_221 = arith.constant 4 : i32
      %add3A_222 = arith.addi %add3A_168, %add3A_221 : i32
      %sub3A_223 = arith.constant 1 : i32
      %sub3A_224 = arith.subi %add3A_222, %sub3A_223 : i32
      %lt3A_225 = arith.constant 200 : i32
      %lt3A_226 = arith.cmpi slt, %sub3A_224, %lt3A_225 : i32
      %convert_element_type3A_227 = arith.extui %lt3A_226 : i1 to i32
      %cond3A_228 = arith.constant 0 : i32
      %cond3A_229 = arith.cmpi ne, %convert_element_type3A_227, %cond3A_228 : i32
      scf.if %cond3A_229 {
        %jit3A = arith.constant 8 : i32
        %div3A = arith.divsi %sub3A_224, %jit3A : i32
        %sign3A = arith.constant 0 : i32
        %sign3A_412 = arith.cmpi sgt, %sub3A_224, %sign3A : i32
        %sign3A_413 = arith.extui %sign3A_412 : i1 to i32
        %sign3A_414 = arith.constant 0 : i32
        %sign3A_415 = arith.cmpi slt, %sub3A_224, %sign3A_414 : i32
        %sign3A_416 = arith.extui %sign3A_415 : i1 to i32
        %sign3A_417 = arith.subi %sign3A_413, %sign3A_416 : i32
        %sign3A_418 = arith.constant 0 : i32
        %sign3A_419 = arith.cmpi sgt, %jit3A, %sign3A_418 : i32
        %sign3A_420 = arith.extui %sign3A_419 : i1 to i32
        %sign3A_421 = arith.constant 0 : i32
        %sign3A_422 = arith.cmpi slt, %jit3A, %sign3A_421 : i32
        %sign3A_423 = arith.extui %sign3A_422 : i1 to i32
        %sign3A_424 = arith.subi %sign3A_420, %sign3A_423 : i32
        %ne3A = arith.cmpi ne, %sign3A_417, %sign3A_424 : i32
        %rem3A = arith.remsi %sub3A_224, %jit3A : i32
        %ne3A_425 = arith.constant 0 : i32
        %ne3A_426 = arith.cmpi ne, %rem3A, %ne3A_425 : i32
        %and3A = arith.andi %ne3A, %ne3A_426 : i1
        %sub3A_427 = arith.constant 1 : i32
        %sub3A_428 = arith.subi %div3A, %sub3A_427 : i32
        %select_n3A = arith.select %and3A, %sub3A_428, %div3A : i32
        %jit3A_429 = arith.constant 8 : i32
        %eq3A = arith.constant 0 : i32
        %eq3A_430 = arith.cmpi eq, %jit3A_429, %eq3A : i32
        %jit3A_431 = arith.constant 1 : i32
        %select_n3A_432 = arith.select %eq3A_430, %jit3A_431, %jit3A_429 : i32
        %rem3A_433 = arith.remsi %sub3A_224, %select_n3A_432 : i32
        %ne3A_434 = arith.constant 0 : i32
        %ne3A_435 = arith.cmpi ne, %rem3A_433, %ne3A_434 : i32
        %lt3A_436 = arith.constant 0 : i32
        %lt3A_437 = arith.cmpi slt, %rem3A_433, %lt3A_436 : i32
        %lt3A_438 = arith.constant 0 : i32
        %lt3A_439 = arith.cmpi slt, %select_n3A_432, %lt3A_438 : i32
        %ne3A_440 = arith.xori %lt3A_437, %lt3A_439 : i1
        %and3A_441 = arith.andi %ne3A_440, %ne3A_435 : i1
        %add3A_442 = arith.addi %rem3A_433, %select_n3A_432 : i32
        %select_n3A_443 = arith.select %and3A_441, %add3A_442, %rem3A_433 : i32
        %dma_start3A_444 = arith.constant 0 : i32
        %dma_start3A_445 = arith.constant 0 : i32
        %dma_start3A_446 = arith.constant 0 : i32
        %dma_start3A_447 = tpu.memref_slice %arg6[%dma_start3A_444, %dma_start3A_445, %dma_start3A_446] : memref<4x128x64xf32, #tpu.memory_space<vmem>> -> memref<1x128x64xf32, #tpu.memory_space<vmem>>
        %dma_start3A_448 = tpu.memref_squeeze %dma_start3A_447 : memref<1x128x64xf32, #tpu.memory_space<vmem>> -> memref<128x64xf32, #tpu.memory_space<vmem>>
        %dma_start3A_449 = arith.constant 0 : i32
        %dma_start3A_450 = tpu.memref_slice %arg5[%select_n3A, %select_n3A_443, %dma_start3A_449] : memref<25x8x128xi32, #tpu.memory_space<vmem>> -> memref<1x1x128xi32, #tpu.memory_space<vmem>>
        %dma_start3A_451 = tpu.memref_squeeze %dma_start3A_450 : memref<1x1x128xi32, #tpu.memory_space<vmem>> -> memref<128xi32, #tpu.memory_space<vmem>>
        %dma_start3A_452 = arith.constant 0 : i32
        %dma_start3A_453 = arith.constant 0 : i32
        %dma_start3A_454 = tpu.memref_slice %arg3[%dma_start3A_452, %dma_start3A_453] : memref<1000000x64xf32, #tpu.memory_space<hbm>> -> memref<1000000x64xf32, #tpu.memory_space<hbm>>
        tpu.enqueue_indirect_dma source(%dma_start3A_454 : memref<1000000x64xf32, #tpu.memory_space<hbm>>) target(%dma_start3A_448 : memref<128x64xf32, #tpu.memory_space<vmem>>) offsets(%dma_start3A_451 : memref<128xi32, #tpu.memory_space<vmem>>) semaphore(%arg8 : memref<!tpu.dma_semaphore, #tpu.memory_space<semaphore_mem>>)
      } else {
      }
      %mul3A_230 = arith.constant 4 : i32
      %mul3A_231 = arith.muli %scan3A_105, %mul3A_230 : i32
      %add3A_232 = arith.constant 2 : i32
      %add3A_233 = arith.addi %mul3A_231, %add3A_232 : i32
      %dma_wait3A_234 = arith.constant 0 : i32
      %dma_wait3A_235 = arith.constant 0 : i32
      %dma_wait3A_236 = arith.constant 2 : i32
      %dma_wait3A_237 = arith.constant 0 : i32
      %dma_wait3A_238 = arith.constant 0 : i32
      %dma_wait3A_239 = tpu.memref_slice %arg6[%dma_wait3A_236, %dma_wait3A_237, %dma_wait3A_238] : memref<4x128x64xf32, #tpu.memory_space<vmem>> -> memref<1x128x64xf32, #tpu.memory_space<vmem>>
      %dma_wait3A_240 = tpu.memref_squeeze %dma_wait3A_239 : memref<1x128x64xf32, #tpu.memory_space<vmem>> -> memref<128x64xf32, #tpu.memory_space<vmem>>
      %dma_wait3A_241 = arith.constant 0 : i32
      %dma_wait3A_242 = tpu.memref_slice %arg5[%dma_wait3A_234, %dma_wait3A_235, %dma_wait3A_241] : memref<25x8x128xi32, #tpu.memory_space<vmem>> -> memref<1x1x128xi32, #tpu.memory_space<vmem>>
      %dma_wait3A_243 = tpu.memref_squeeze %dma_wait3A_242 : memref<1x1x128xi32, #tpu.memory_space<vmem>> -> memref<128xi32, #tpu.memory_space<vmem>>
      %dma_wait3A_244 = arith.constant 0 : i32
      %dma_wait3A_245 = arith.constant 0 : i32
      %dma_wait3A_246 = tpu.memref_slice %arg3[%dma_wait3A_244, %dma_wait3A_245] : memref<1000000x64xf32, #tpu.memory_space<hbm>> -> memref<1000000x64xf32, #tpu.memory_space<hbm>>
      tpu.wait_indirect_dma semaphore(%arg10 : memref<!tpu.dma_semaphore, #tpu.memory_space<semaphore_mem>>) src(%dma_wait3A_246 : memref<1000000x64xf32, #tpu.memory_space<hbm>>) dst(%dma_wait3A_240 : memref<128x64xf32, #tpu.memory_space<vmem>>)
      %dma_wait3A_247 = arith.constant 0 : i32
      %dma_wait3A_248 = arith.constant 0 : i32
      %dma_wait3A_249 = arith.constant 0 : i32
      %dma_wait3A_250 = arith.constant 0 : i32
      %dma_wait3A_251 = arith.constant 0 : i32
      %dma_wait3A_252 = arith.constant 0 : i32
      %dma_wait3A_253 = tpu.memref_slice %arg7[%dma_wait3A_247, %dma_wait3A_250, %dma_wait3A_251, %dma_wait3A_252] : memref<2x8x8x129xf32, #tpu.memory_space<vmem>> -> memref<1x8x8x129xf32, #tpu.memory_space<vmem>>
      %dma_wait3A_254 = tpu.memref_squeeze %dma_wait3A_253 : memref<1x8x8x129xf32, #tpu.memory_space<vmem>> -> memref<8x8x129xf32, #tpu.memory_space<vmem>>
      %dma_wait3A_255 = arith.constant 0 : i32
      %dma_wait3A_256 = arith.constant 0 : i32
      %dma_wait3A_257 = arith.constant 0 : i32
      %dma_wait3A_258 = tpu.memref_slice %dma_wait3A_254[%dma_wait3A_255, %dma_wait3A_256, %dma_wait3A_257] : memref<8x8x129xf32, #tpu.memory_space<vmem>> -> memref<8x8x128xf32, #tpu.memory_space<vmem>>
      %dma_wait3A_259 = arith.constant 0 : i32
      %dma_wait3A_260 = arith.constant 0 : i32
      %dma_wait3A_261 = arith.constant 0 : i32
      %dma_wait3A_262 = tpu.memref_slice %arg4[%dma_wait3A_248, %dma_wait3A_259, %dma_wait3A_249, %dma_wait3A_260, %dma_wait3A_261] : memref<200x8x32x8x128xf32, #tpu.memory_space<hbm>> -> memref<1x8x1x8x128xf32, #tpu.memory_space<hbm>>
      %dma_wait3A_263 = tpu.memref_squeeze %dma_wait3A_262 : memref<1x8x1x8x128xf32, #tpu.memory_space<hbm>> -> memref<8x8x128xf32, #tpu.memory_space<hbm>>
      %dma_wait3A_264 = arith.constant 0 : i32
      %dma_wait3A_265 = arith.constant 0 : i32
      %dma_wait3A_266 = arith.constant 0 : i32
      %dma_wait3A_267 = tpu.memref_slice %arg4[%dma_wait3A_248, %dma_wait3A_264, %dma_wait3A_249, %dma_wait3A_265, %dma_wait3A_266] : memref<200x8x32x8x128xf32, #tpu.memory_space<hbm>> -> memref<1x8x1x8x128xf32, #tpu.memory_space<hbm>>
      %dma_wait3A_268 = tpu.memref_squeeze %dma_wait3A_267 : memref<1x8x1x8x128xf32, #tpu.memory_space<hbm>> -> memref<8x8x128xf32, #tpu.memory_space<hbm>>
      %dma_wait3A_269 = arith.constant 0 : i32
      %dma_wait3A_270 = arith.constant 0 : i32
      %dma_wait3A_271 = arith.constant 0 : i32
      %dma_wait3A_272 = tpu.memref_slice %arg7[%dma_wait3A_247, %dma_wait3A_269, %dma_wait3A_270, %dma_wait3A_271] : memref<2x8x8x129xf32, #tpu.memory_space<vmem>> -> memref<1x8x8x129xf32, #tpu.memory_space<vmem>>
      %dma_wait3A_273 = tpu.memref_squeeze %dma_wait3A_272 : memref<1x8x8x129xf32, #tpu.memory_space<vmem>> -> memref<8x8x129xf32, #tpu.memory_space<vmem>>
      %dma_wait3A_274 = arith.constant 0 : i32
      %dma_wait3A_275 = arith.constant 0 : i32
      %dma_wait3A_276 = arith.constant 0 : i32
      %dma_wait3A_277 = tpu.memref_slice %dma_wait3A_273[%dma_wait3A_274, %dma_wait3A_275, %dma_wait3A_276] : memref<8x8x129xf32, #tpu.memory_space<vmem>> -> memref<8x8x128xf32, #tpu.memory_space<vmem>>
      tpu.wait_dma2 semaphore(%arg12 : memref<!tpu.dma_semaphore, #tpu.memory_space<semaphore_mem>>) src(%dma_wait3A_277 : memref<8x8x128xf32, #tpu.memory_space<vmem>>) dst(%dma_wait3A_268 : memref<8x8x128xf32, #tpu.memory_space<hbm>>)
      %parallel_loop3A_278 = arith.constant 0 : i32
      %parallel_loop3A_279 = arith.constant 128 : i32
      %parallel_loop3A_280 = arith.constant 1 : i32
      %parallel_loop3A_281 = arith.constant 2 : i32
      %parallel_loop3A_282 = arith.constant 0 : i32
      scf.for %parallel_loop3A_412 = %parallel_loop3A_278 to %parallel_loop3A_279 step %parallel_loop3A_280  : i32 {
        %parallel_loop3A_413 = vector.broadcast %parallel_loop3A_412 : i32 to vector<16xi32>
        %parallel_loop3A_414 = arith.constant 0 : i32
        %parallel_loop3A_415 = vector.broadcast %parallel_loop3A_414 : i32 to vector<16xi32>
        %parallel_loop3A_416 = arith.addi %parallel_loop3A_415, %iota3A : vector<16xi32>
        %parallel_loop3A_417 = arith.constant 0 : i32
        %parallel_loop3A_418 = arith.constant 0 : i32
        %parallel_loop3A_419 = tpu.memref_slice %arg6[%parallel_loop3A_281, %parallel_loop3A_417, %parallel_loop3A_418] : memref<4x128x64xf32, #tpu.memory_space<vmem>> -> memref<1x128x64xf32, #tpu.memory_space<vmem>>
        %parallel_loop3A_420 = tpu.memref_squeeze %parallel_loop3A_419 : memref<1x128x64xf32, #tpu.memory_space<vmem>> -> memref<128x64xf32, #tpu.memory_space<vmem>>
        %parallel_loop3A_421 = arith.index_cast %parallel_loop3A_412 : i32 to index
        %parallel_loop3A_422 = arith.constant 0 : index
        %parallel_loop3A_423 = tpu.vector_load %parallel_loop3A_420[%parallel_loop3A_421, %parallel_loop3A_422] {strides = array<i32>} : memref<128x64xf32, #tpu.memory_space<vmem>>, vector<16xf32>,
        %parallel_loop3A_424 = arith.constant 3 : i32
        %parallel_loop3A_425 = vector.broadcast %parallel_loop3A_424 : i32 to vector<16xi32>
        %parallel_loop3A_426 = arith.shrsi %parallel_loop3A_416, %parallel_loop3A_425 : vector<16xi32>
        %parallel_loop3A_427 = arith.constant 7 : i32
        %parallel_loop3A_428 = vector.broadcast %parallel_loop3A_427 : i32 to vector<16xi32>
        %parallel_loop3A_429 = arith.andi %parallel_loop3A_416, %parallel_loop3A_428 : vector<16xi32>
        %parallel_loop3A_430 = arith.constant 8.000000e+00 : f32
        %parallel_loop3A_431 = vector.broadcast %parallel_loop3A_430 : f32 to vector<16xf32>
        %parallel_loop3A_432 = arith.mulf %parallel_loop3A_423, %parallel_loop3A_431 : vector<16xf32>
        %parallel_loop3A_433 = arith.constant 0 : i32
        %parallel_loop3A_434 = arith.constant 0 : i32
        %parallel_loop3A_435 = arith.constant 0 : i32
        %parallel_loop3A_436 = tpu.memref_slice %arg7[%parallel_loop3A_282, %parallel_loop3A_433, %parallel_loop3A_434, %parallel_loop3A_435] : memref<2x8x8x129xf32, #tpu.memory_space<vmem>> -> memref<1x8x8x129xf32, #tpu.memory_space<vmem>>
        %parallel_loop3A_437 = tpu.memref_squeeze %parallel_loop3A_436 : memref<1x8x8x129xf32, #tpu.memory_space<vmem>> -> memref<8x8x129xf32, #tpu.memory_space<vmem>>
        tpu.vector_store_idx %parallel_loop3A_437[%parallel_loop3A_426, %parallel_loop3A_429, %parallel_loop3A_413], %parallel_loop3A_432 : memref<8x8x129xf32, #tpu.memory_space<vmem>>[vector<16xi32>, vector<16xi32>, vector<16xi32>], vector<16xf32>,
        %parallel_loop3A_438 = arith.constant 16 : i32
        %parallel_loop3A_439 = vector.broadcast %parallel_loop3A_438 : i32 to vector<16xi32>
        %parallel_loop3A_440 = arith.addi %parallel_loop3A_439, %iota3A : vector<16xi32>
        %parallel_loop3A_441 = arith.constant 0 : i32
        %parallel_loop3A_442 = arith.constant 0 : i32
        %parallel_loop3A_443 = tpu.memref_slice %arg6[%parallel_loop3A_281, %parallel_loop3A_441, %parallel_loop3A_442] : memref<4x128x64xf32, #tpu.memory_space<vmem>> -> memref<1x128x64xf32, #tpu.memory_space<vmem>>
        %parallel_loop3A_444 = tpu.memref_squeeze %parallel_loop3A_443 : memref<1x128x64xf32, #tpu.memory_space<vmem>> -> memref<128x64xf32, #tpu.memory_space<vmem>>
        %parallel_loop3A_445 = arith.index_cast %parallel_loop3A_412 : i32 to index
        %parallel_loop3A_446 = arith.constant 16 : index
        %parallel_loop3A_447 = tpu.vector_load %parallel_loop3A_444[%parallel_loop3A_445, %parallel_loop3A_446] {strides = array<i32>} : memref<128x64xf32, #tpu.memory_space<vmem>>, vector<16xf32>,
        %parallel_loop3A_448 = arith.constant 3 : i32
        %parallel_loop3A_449 = vector.broadcast %parallel_loop3A_448 : i32 to vector<16xi32>
        %parallel_loop3A_450 = arith.shrsi %parallel_loop3A_440, %parallel_loop3A_449 : vector<16xi32>
        %parallel_loop3A_451 = arith.constant 7 : i32
        %parallel_loop3A_452 = vector.broadcast %parallel_loop3A_451 : i32 to vector<16xi32>
        %parallel_loop3A_453 = arith.andi %parallel_loop3A_440, %parallel_loop3A_452 : vector<16xi32>
        %parallel_loop3A_454 = arith.constant 8.000000e+00 : f32
        %parallel_loop3A_455 = vector.broadcast %parallel_loop3A_454 : f32 to vector<16xf32>
        %parallel_loop3A_456 = arith.mulf %parallel_loop3A_447, %parallel_loop3A_455 : vector<16xf32>
        %parallel_loop3A_457 = arith.constant 0 : i32
        %parallel_loop3A_458 = arith.constant 0 : i32
        %parallel_loop3A_459 = arith.constant 0 : i32
        %parallel_loop3A_460 = tpu.memref_slice %arg7[%parallel_loop3A_282, %parallel_loop3A_457, %parallel_loop3A_458, %parallel_loop3A_459] : memref<2x8x8x129xf32, #tpu.memory_space<vmem>> -> memref<1x8x8x129xf32, #tpu.memory_space<vmem>>
        %parallel_loop3A_461 = tpu.memref_squeeze %parallel_loop3A_460 : memref<1x8x8x129xf32, #tpu.memory_space<vmem>> -> memref<8x8x129xf32, #tpu.memory_space<vmem>>
        tpu.vector_store_idx %parallel_loop3A_461[%parallel_loop3A_450, %parallel_loop3A_453, %parallel_loop3A_413], %parallel_loop3A_456 : memref<8x8x129xf32, #tpu.memory_space<vmem>>[vector<16xi32>, vector<16xi32>, vector<16xi32>], vector<16xf32>,
        %parallel_loop3A_462 = arith.constant 32 : i32
        %parallel_loop3A_463 = vector.broadcast %parallel_loop3A_462 : i32 to vector<16xi32>
        %parallel_loop3A_464 = arith.addi %parallel_loop3A_463, %iota3A : vector<16xi32>
        %parallel_loop3A_465 = arith.constant 0 : i32
        %parallel_loop3A_466 = arith.constant 0 : i32
        %parallel_loop3A_467 = tpu.memref_slice %arg6[%parallel_loop3A_281, %parallel_loop3A_465, %parallel_loop3A_466] : memref<4x128x64xf32, #tpu.memory_space<vmem>> -> memref<1x128x64xf32, #tpu.memory_space<vmem>>
        %parallel_loop3A_468 = tpu.memref_squeeze %parallel_loop3A_467 : memref<1x128x64xf32, #tpu.memory_space<vmem>> -> memref<128x64xf32, #tpu.memory_space<vmem>>
        %parallel_loop3A_469 = arith.index_cast %parallel_loop3A_412 : i32 to index
        %parallel_loop3A_470 = arith.constant 32 : index
        %parallel_loop3A_471 = tpu.vector_load %parallel_loop3A_468[%parallel_loop3A_469, %parallel_loop3A_470] {strides = array<i32>} : memref<128x64xf32, #tpu.memory_space<vmem>>, vector<16xf32>,
        %parallel_loop3A_472 = arith.constant 3 : i32
        %parallel_loop3A_473 = vector.broadcast %parallel_loop3A_472 : i32 to vector<16xi32>
        %parallel_loop3A_474 = arith.shrsi %parallel_loop3A_464, %parallel_loop3A_473 : vector<16xi32>
        %parallel_loop3A_475 = arith.constant 7 : i32
        %parallel_loop3A_476 = vector.broadcast %parallel_loop3A_475 : i32 to vector<16xi32>
        %parallel_loop3A_477 = arith.andi %parallel_loop3A_464, %parallel_loop3A_476 : vector<16xi32>
        %parallel_loop3A_478 = arith.constant 8.000000e+00 : f32
        %parallel_loop3A_479 = vector.broadcast %parallel_loop3A_478 : f32 to vector<16xf32>
        %parallel_loop3A_480 = arith.mulf %parallel_loop3A_471, %parallel_loop3A_479 : vector<16xf32>
        %parallel_loop3A_481 = arith.constant 0 : i32
        %parallel_loop3A_482 = arith.constant 0 : i32
        %parallel_loop3A_483 = arith.constant 0 : i32
        %parallel_loop3A_484 = tpu.memref_slice %arg7[%parallel_loop3A_282, %parallel_loop3A_481, %parallel_loop3A_482, %parallel_loop3A_483] : memref<2x8x8x129xf32, #tpu.memory_space<vmem>> -> memref<1x8x8x129xf32, #tpu.memory_space<vmem>>
        %parallel_loop3A_485 = tpu.memref_squeeze %parallel_loop3A_484 : memref<1x8x8x129xf32, #tpu.memory_space<vmem>> -> memref<8x8x129xf32, #tpu.memory_space<vmem>>
        tpu.vector_store_idx %parallel_loop3A_485[%parallel_loop3A_474, %parallel_loop3A_477, %parallel_loop3A_413], %parallel_loop3A_480 : memref<8x8x129xf32, #tpu.memory_space<vmem>>[vector<16xi32>, vector<16xi32>, vector<16xi32>], vector<16xf32>,
        %parallel_loop3A_486 = arith.constant 48 : i32
        %parallel_loop3A_487 = vector.broadcast %parallel_loop3A_486 : i32 to vector<16xi32>
        %parallel_loop3A_488 = arith.addi %parallel_loop3A_487, %iota3A : vector<16xi32>
        %parallel_loop3A_489 = arith.constant 0 : i32
        %parallel_loop3A_490 = arith.constant 0 : i32
        %parallel_loop3A_491 = tpu.memref_slice %arg6[%parallel_loop3A_281, %parallel_loop3A_489, %parallel_loop3A_490] : memref<4x128x64xf32, #tpu.memory_space<vmem>> -> memref<1x128x64xf32, #tpu.memory_space<vmem>>
        %parallel_loop3A_492 = tpu.memref_squeeze %parallel_loop3A_491 : memref<1x128x64xf32, #tpu.memory_space<vmem>> -> memref<128x64xf32, #tpu.memory_space<vmem>>
        %parallel_loop3A_493 = arith.index_cast %parallel_loop3A_412 : i32 to index
        %parallel_loop3A_494 = arith.constant 48 : index
        %parallel_loop3A_495 = tpu.vector_load %parallel_loop3A_492[%parallel_loop3A_493, %parallel_loop3A_494] {strides = array<i32>} : memref<128x64xf32, #tpu.memory_space<vmem>>, vector<16xf32>,
        %parallel_loop3A_496 = arith.constant 3 : i32
        %parallel_loop3A_497 = vector.broadcast %parallel_loop3A_496 : i32 to vector<16xi32>
        %parallel_loop3A_498 = arith.shrsi %parallel_loop3A_488, %parallel_loop3A_497 : vector<16xi32>
        %parallel_loop3A_499 = arith.constant 7 : i32
        %parallel_loop3A_500 = vector.broadcast %parallel_loop3A_499 : i32 to vector<16xi32>
        %parallel_loop3A_501 = arith.andi %parallel_loop3A_488, %parallel_loop3A_500 : vector<16xi32>
        %parallel_loop3A_502 = arith.constant 8.000000e+00 : f32
        %parallel_loop3A_503 = vector.broadcast %parallel_loop3A_502 : f32 to vector<16xf32>
        %parallel_loop3A_504 = arith.mulf %parallel_loop3A_495, %parallel_loop3A_503 : vector<16xf32>
        %parallel_loop3A_505 = arith.constant 0 : i32
        %parallel_loop3A_506 = arith.constant 0 : i32
        %parallel_loop3A_507 = arith.constant 0 : i32
        %parallel_loop3A_508 = tpu.memref_slice %arg7[%parallel_loop3A_282, %parallel_loop3A_505, %parallel_loop3A_506, %parallel_loop3A_507] : memref<2x8x8x129xf32, #tpu.memory_space<vmem>> -> memref<1x8x8x129xf32, #tpu.memory_space<vmem>>
        %parallel_loop3A_509 = tpu.memref_squeeze %parallel_loop3A_508 : memref<1x8x8x129xf32, #tpu.memory_space<vmem>> -> memref<8x8x129xf32, #tpu.memory_space<vmem>>
        tpu.vector_store_idx %parallel_loop3A_509[%parallel_loop3A_498, %parallel_loop3A_501, %parallel_loop3A_413], %parallel_loop3A_504 : memref<8x8x129xf32, #tpu.memory_space<vmem>>[vector<16xi32>, vector<16xi32>, vector<16xi32>], vector<16xf32>,
      } {sc.loop_unroll_factor = 4 : i64, sc.parallel_access}
      %dma_start3A_283 = arith.constant 0 : i32
      %dma_start3A_284 = arith.constant 0 : i32
      %dma_start3A_285 = arith.constant 0 : i32
      %dma_start3A_286 = arith.constant 0 : i32
      %dma_start3A_287 = tpu.memref_slice %arg7[%dma_start3A_283, %dma_start3A_284, %dma_start3A_285, %dma_start3A_286] : memref<2x8x8x129xf32, #tpu.memory_space<vmem>> -> memref<1x8x8x129xf32, #tpu.memory_space<vmem>>
      %dma_start3A_288 = tpu.memref_squeeze %dma_start3A_287 : memref<1x8x8x129xf32, #tpu.memory_space<vmem>> -> memref<8x8x129xf32, #tpu.memory_space<vmem>>
      %dma_start3A_289 = arith.constant 0 : i32
      %dma_start3A_290 = arith.constant 0 : i32
      %dma_start3A_291 = arith.constant 0 : i32
      %dma_start3A_292 = tpu.memref_slice %dma_start3A_288[%dma_start3A_289, %dma_start3A_290, %dma_start3A_291] : memref<8x8x129xf32, #tpu.memory_space<vmem>> -> memref<8x8x128xf32, #tpu.memory_space<vmem>>
      %dma_start3A_293 = arith.constant 0 : i32
      %dma_start3A_294 = arith.constant 0 : i32
      %dma_start3A_295 = arith.constant 0 : i32
      %dma_start3A_296 = tpu.memref_slice %arg4[%add3A_233, %dma_start3A_293, %add3A, %dma_start3A_294, %dma_start3A_295] : memref<200x8x32x8x128xf32, #tpu.memory_space<hbm>> -> memref<1x8x1x8x128xf32, #tpu.memory_space<hbm>>
      %dma_start3A_297 = tpu.memref_squeeze %dma_start3A_296 : memref<1x8x1x8x128xf32, #tpu.memory_space<hbm>> -> memref<8x8x128xf32, #tpu.memory_space<hbm>>
      %dma_start3A_298 = arith.constant 0 : i32
      %dma_start3A_299 = arith.constant 0 : i32
      %dma_start3A_300 = arith.constant 0 : i32
      %dma_start3A_301 = tpu.memref_slice %arg4[%add3A_233, %dma_start3A_298, %add3A, %dma_start3A_299, %dma_start3A_300] : memref<200x8x32x8x128xf32, #tpu.memory_space<hbm>> -> memref<1x8x1x8x128xf32, #tpu.memory_space<hbm>>
      %dma_start3A_302 = tpu.memref_squeeze %dma_start3A_301 : memref<1x8x1x8x128xf32, #tpu.memory_space<hbm>> -> memref<8x8x128xf32, #tpu.memory_space<hbm>>
      %dma_start3A_303 = arith.constant 0 : i32
      %dma_start3A_304 = arith.constant 0 : i32
      %dma_start3A_305 = arith.constant 0 : i32
      %dma_start3A_306 = tpu.memref_slice %arg7[%dma_start3A_283, %dma_start3A_303, %dma_start3A_304, %dma_start3A_305] : memref<2x8x8x129xf32, #tpu.memory_space<vmem>> -> memref<1x8x8x129xf32, #tpu.memory_space<vmem>>
      %dma_start3A_307 = tpu.memref_squeeze %dma_start3A_306 : memref<1x8x8x129xf32, #tpu.memory_space<vmem>> -> memref<8x8x129xf32, #tpu.memory_space<vmem>>
      %dma_start3A_308 = arith.constant 0 : i32
      %dma_start3A_309 = arith.constant 0 : i32
      %dma_start3A_310 = arith.constant 0 : i32
      %dma_start3A_311 = tpu.memref_slice %dma_start3A_307[%dma_start3A_308, %dma_start3A_309, %dma_start3A_310] : memref<8x8x129xf32, #tpu.memory_space<vmem>> -> memref<8x8x128xf32, #tpu.memory_space<vmem>>
      tpu.enqueue_dma source(%dma_start3A_311 : memref<8x8x128xf32, #tpu.memory_space<vmem>>) target(%dma_start3A_302 : memref<8x8x128xf32, #tpu.memory_space<hbm>>) target_semaphore(%arg12 : memref<!tpu.dma_semaphore, #tpu.memory_space<semaphore_mem>>)
      %add3A_312 = arith.constant 4 : i32
      %add3A_313 = arith.addi %add3A_233, %add3A_312 : i32
      %sub3A_314 = arith.constant 1 : i32
      %sub3A_315 = arith.subi %add3A_313, %sub3A_314 : i32
      %lt3A_316 = arith.constant 200 : i32
      %lt3A_317 = arith.cmpi slt, %sub3A_315, %lt3A_316 : i32
      %convert_element_type3A_318 = arith.extui %lt3A_317 : i1 to i32
      %cond3A_319 = arith.constant 0 : i32
      %cond3A_320 = arith.cmpi ne, %convert_element_type3A_318, %cond3A_319 : i32
      scf.if %cond3A_320 {
        %jit3A = arith.constant 8 : i32
        %div3A = arith.divsi %sub3A_315, %jit3A : i32
        %sign3A = arith.constant 0 : i32
        %sign3A_412 = arith.cmpi sgt, %sub3A_315, %sign3A : i32
        %sign3A_413 = arith.extui %sign3A_412 : i1 to i32
        %sign3A_414 = arith.constant 0 : i32
        %sign3A_415 = arith.cmpi slt, %sub3A_315, %sign3A_414 : i32
        %sign3A_416 = arith.extui %sign3A_415 : i1 to i32
        %sign3A_417 = arith.subi %sign3A_413, %sign3A_416 : i32
        %sign3A_418 = arith.constant 0 : i32
        %sign3A_419 = arith.cmpi sgt, %jit3A, %sign3A_418 : i32
        %sign3A_420 = arith.extui %sign3A_419 : i1 to i32
        %sign3A_421 = arith.constant 0 : i32
        %sign3A_422 = arith.cmpi slt, %jit3A, %sign3A_421 : i32
        %sign3A_423 = arith.extui %sign3A_422 : i1 to i32
        %sign3A_424 = arith.subi %sign3A_420, %sign3A_423 : i32
        %ne3A = arith.cmpi ne, %sign3A_417, %sign3A_424 : i32
        %rem3A = arith.remsi %sub3A_315, %jit3A : i32
        %ne3A_425 = arith.constant 0 : i32
        %ne3A_426 = arith.cmpi ne, %rem3A, %ne3A_425 : i32
        %and3A = arith.andi %ne3A, %ne3A_426 : i1
        %sub3A_427 = arith.constant 1 : i32
        %sub3A_428 = arith.subi %div3A, %sub3A_427 : i32
        %select_n3A = arith.select %and3A, %sub3A_428, %div3A : i32
        %jit3A_429 = arith.constant 8 : i32
        %eq3A = arith.constant 0 : i32
        %eq3A_430 = arith.cmpi eq, %jit3A_429, %eq3A : i32
        %jit3A_431 = arith.constant 1 : i32
        %select_n3A_432 = arith.select %eq3A_430, %jit3A_431, %jit3A_429 : i32
        %rem3A_433 = arith.remsi %sub3A_315, %select_n3A_432 : i32
        %ne3A_434 = arith.constant 0 : i32
        %ne3A_435 = arith.cmpi ne, %rem3A_433, %ne3A_434 : i32
        %lt3A_436 = arith.constant 0 : i32
        %lt3A_437 = arith.cmpi slt, %rem3A_433, %lt3A_436 : i32
        %lt3A_438 = arith.constant 0 : i32
        %lt3A_439 = arith.cmpi slt, %select_n3A_432, %lt3A_438 : i32
        %ne3A_440 = arith.xori %lt3A_437, %lt3A_439 : i1
        %and3A_441 = arith.andi %ne3A_440, %ne3A_435 : i1
        %add3A_442 = arith.addi %rem3A_433, %select_n3A_432 : i32
        %select_n3A_443 = arith.select %and3A_441, %add3A_442, %rem3A_433 : i32
        %dma_start3A_444 = arith.constant 1 : i32
        %dma_start3A_445 = arith.constant 0 : i32
        %dma_start3A_446 = arith.constant 0 : i32
        %dma_start3A_447 = tpu.memref_slice %arg6[%dma_start3A_444, %dma_start3A_445, %dma_start3A_446] : memref<4x128x64xf32, #tpu.memory_space<vmem>> -> memref<1x128x64xf32, #tpu.memory_space<vmem>>
        %dma_start3A_448 = tpu.memref_squeeze %dma_start3A_447 : memref<1x128x64xf32, #tpu.memory_space<vmem>> -> memref<128x64xf32, #tpu.memory_space<vmem>>
        %dma_start3A_449 = arith.constant 0 : i32
        %dma_start3A_450 = tpu.memref_slice %arg5[%select_n3A, %select_n3A_443, %dma_start3A_449] : memref<25x8x128xi32, #tpu.memory_space<vmem>> -> memref<1x1x128xi32, #tpu.memory_space<vmem>>
        %dma_start3A_451 = tpu.memref_squeeze %dma_start3A_450 : memref<1x1x128xi32, #tpu.memory_space<vmem>> -> memref<128xi32, #tpu.memory_space<vmem>>
        %dma_start3A_452 = arith.constant 0 : i32
        %dma_start3A_453 = arith.constant 0 : i32
        %dma_start3A_454 = tpu.memref_slice %arg3[%dma_start3A_452, %dma_start3A_453] : memref<1000000x64xf32, #tpu.memory_space<hbm>> -> memref<1000000x64xf32, #tpu.memory_space<hbm>>
        tpu.enqueue_indirect_dma source(%dma_start3A_454 : memref<1000000x64xf32, #tpu.memory_space<hbm>>) target(%dma_start3A_448 : memref<128x64xf32, #tpu.memory_space<vmem>>) offsets(%dma_start3A_451 : memref<128xi32, #tpu.memory_space<vmem>>) semaphore(%arg9 : memref<!tpu.dma_semaphore, #tpu.memory_space<semaphore_mem>>)
      } else {
      }
      %mul3A_321 = arith.constant 4 : i32
      %mul3A_322 = arith.muli %scan3A_105, %mul3A_321 : i32
      %add3A_323 = arith.constant 3 : i32
      %add3A_324 = arith.addi %mul3A_322, %add3A_323 : i32
      %dma_wait3A_325 = arith.constant 0 : i32
      %dma_wait3A_326 = arith.constant 0 : i32
      %dma_wait3A_327 = arith.constant 3 : i32
      %dma_wait3A_328 = arith.constant 0 : i32
      %dma_wait3A_329 = arith.constant 0 : i32
      %dma_wait3A_330 = tpu.memref_slice %arg6[%dma_wait3A_327, %dma_wait3A_328, %dma_wait3A_329] : memref<4x128x64xf32, #tpu.memory_space<vmem>> -> memref<1x128x64xf32, #tpu.memory_space<vmem>>
      %dma_wait3A_331 = tpu.memref_squeeze %dma_wait3A_330 : memref<1x128x64xf32, #tpu.memory_space<vmem>> -> memref<128x64xf32, #tpu.memory_space<vmem>>
      %dma_wait3A_332 = arith.constant 0 : i32
      %dma_wait3A_333 = tpu.memref_slice %arg5[%dma_wait3A_325, %dma_wait3A_326, %dma_wait3A_332] : memref<25x8x128xi32, #tpu.memory_space<vmem>> -> memref<1x1x128xi32, #tpu.memory_space<vmem>>
      %dma_wait3A_334 = tpu.memref_squeeze %dma_wait3A_333 : memref<1x1x128xi32, #tpu.memory_space<vmem>> -> memref<128xi32, #tpu.memory_space<vmem>>
      %dma_wait3A_335 = arith.constant 0 : i32
      %dma_wait3A_336 = arith.constant 0 : i32
      %dma_wait3A_337 = tpu.memref_slice %arg3[%dma_wait3A_335, %dma_wait3A_336] : memref<1000000x64xf32, #tpu.memory_space<hbm>> -> memref<1000000x64xf32, #tpu.memory_space<hbm>>
      tpu.wait_indirect_dma semaphore(%arg11 : memref<!tpu.dma_semaphore, #tpu.memory_space<semaphore_mem>>) src(%dma_wait3A_337 : memref<1000000x64xf32, #tpu.memory_space<hbm>>) dst(%dma_wait3A_331 : memref<128x64xf32, #tpu.memory_space<vmem>>)
      %dma_wait3A_338 = arith.constant 1 : i32
      %dma_wait3A_339 = arith.constant 0 : i32
      %dma_wait3A_340 = arith.constant 0 : i32
      %dma_wait3A_341 = arith.constant 0 : i32
      %dma_wait3A_342 = arith.constant 0 : i32
      %dma_wait3A_343 = arith.constant 0 : i32
      %dma_wait3A_344 = tpu.memref_slice %arg7[%dma_wait3A_338, %dma_wait3A_341, %dma_wait3A_342, %dma_wait3A_343] : memref<2x8x8x129xf32, #tpu.memory_space<vmem>> -> memref<1x8x8x129xf32, #tpu.memory_space<vmem>>
      %dma_wait3A_345 = tpu.memref_squeeze %dma_wait3A_344 : memref<1x8x8x129xf32, #tpu.memory_space<vmem>> -> memref<8x8x129xf32, #tpu.memory_space<vmem>>
      %dma_wait3A_346 = arith.constant 0 : i32
      %dma_wait3A_347 = arith.constant 0 : i32
      %dma_wait3A_348 = arith.constant 0 : i32
      %dma_wait3A_349 = tpu.memref_slice %dma_wait3A_345[%dma_wait3A_346, %dma_wait3A_347, %dma_wait3A_348] : memref<8x8x129xf32, #tpu.memory_space<vmem>> -> memref<8x8x128xf32, #tpu.memory_space<vmem>>
      %dma_wait3A_350 = arith.constant 0 : i32
      %dma_wait3A_351 = arith.constant 0 : i32
      %dma_wait3A_352 = arith.constant 0 : i32
      %dma_wait3A_353 = tpu.memref_slice %arg4[%dma_wait3A_339, %dma_wait3A_350, %dma_wait3A_340, %dma_wait3A_351, %dma_wait3A_352] : memref<200x8x32x8x128xf32, #tpu.memory_space<hbm>> -> memref<1x8x1x8x128xf32, #tpu.memory_space<hbm>>
      %dma_wait3A_354 = tpu.memref_squeeze %dma_wait3A_353 : memref<1x8x1x8x128xf32, #tpu.memory_space<hbm>> -> memref<8x8x128xf32, #tpu.memory_space<hbm>>
      %dma_wait3A_355 = arith.constant 0 : i32
      %dma_wait3A_356 = arith.constant 0 : i32
      %dma_wait3A_357 = arith.constant 0 : i32
      %dma_wait3A_358 = tpu.memref_slice %arg4[%dma_wait3A_339, %dma_wait3A_355, %dma_wait3A_340, %dma_wait3A_356, %dma_wait3A_357] : memref<200x8x32x8x128xf32, #tpu.memory_space<hbm>> -> memref<1x8x1x8x128xf32, #tpu.memory_space<hbm>>
      %dma_wait3A_359 = tpu.memref_squeeze %dma_wait3A_358 : memref<1x8x1x8x128xf32, #tpu.memory_space<hbm>> -> memref<8x8x128xf32, #tpu.memory_space<hbm>>
      %dma_wait3A_360 = arith.constant 0 : i32
      %dma_wait3A_361 = arith.constant 0 : i32
      %dma_wait3A_362 = arith.constant 0 : i32
      %dma_wait3A_363 = tpu.memref_slice %arg7[%dma_wait3A_338, %dma_wait3A_360, %dma_wait3A_361, %dma_wait3A_362] : memref<2x8x8x129xf32, #tpu.memory_space<vmem>> -> memref<1x8x8x129xf32, #tpu.memory_space<vmem>>
      %dma_wait3A_364 = tpu.memref_squeeze %dma_wait3A_363 : memref<1x8x8x129xf32, #tpu.memory_space<vmem>> -> memref<8x8x129xf32, #tpu.memory_space<vmem>>
      %dma_wait3A_365 = arith.constant 0 : i32
      %dma_wait3A_366 = arith.constant 0 : i32
      %dma_wait3A_367 = arith.constant 0 : i32
      %dma_wait3A_368 = tpu.memref_slice %dma_wait3A_364[%dma_wait3A_365, %dma_wait3A_366, %dma_wait3A_367] : memref<8x8x129xf32, #tpu.memory_space<vmem>> -> memref<8x8x128xf32, #tpu.memory_space<vmem>>
      tpu.wait_dma2 semaphore(%arg13 : memref<!tpu.dma_semaphore, #tpu.memory_space<semaphore_mem>>) src(%dma_wait3A_368 : memref<8x8x128xf32, #tpu.memory_space<vmem>>) dst(%dma_wait3A_359 : memref<8x8x128xf32, #tpu.memory_space<hbm>>)
      %parallel_loop3A_369 = arith.constant 0 : i32
      %parallel_loop3A_370 = arith.constant 128 : i32
      %parallel_loop3A_371 = arith.constant 1 : i32
      %parallel_loop3A_372 = arith.constant 3 : i32
      %parallel_loop3A_373 = arith.constant 1 : i32
      scf.for %parallel_loop3A_412 = %parallel_loop3A_369 to %parallel_loop3A_370 step %parallel_loop3A_371  : i32 {
        %parallel_loop3A_413 = vector.broadcast %parallel_loop3A_412 : i32 to vector<16xi32>
        %parallel_loop3A_414 = arith.constant 0 : i32
        %parallel_loop3A_415 = vector.broadcast %parallel_loop3A_414 : i32 to vector<16xi32>
        %parallel_loop3A_416 = arith.addi %parallel_loop3A_415, %iota3A : vector<16xi32>
        %parallel_loop3A_417 = arith.constant 0 : i32
        %parallel_loop3A_418 = arith.constant 0 : i32
        %parallel_loop3A_419 = tpu.memref_slice %arg6[%parallel_loop3A_372, %parallel_loop3A_417, %parallel_loop3A_418] : memref<4x128x64xf32, #tpu.memory_space<vmem>> -> memref<1x128x64xf32, #tpu.memory_space<vmem>>
        %parallel_loop3A_420 = tpu.memref_squeeze %parallel_loop3A_419 : memref<1x128x64xf32, #tpu.memory_space<vmem>> -> memref<128x64xf32, #tpu.memory_space<vmem>>
        %parallel_loop3A_421 = arith.index_cast %parallel_loop3A_412 : i32 to index
        %parallel_loop3A_422 = arith.constant 0 : index
        %parallel_loop3A_423 = tpu.vector_load %parallel_loop3A_420[%parallel_loop3A_421, %parallel_loop3A_422] {strides = array<i32>} : memref<128x64xf32, #tpu.memory_space<vmem>>, vector<16xf32>,
        %parallel_loop3A_424 = arith.constant 3 : i32
        %parallel_loop3A_425 = vector.broadcast %parallel_loop3A_424 : i32 to vector<16xi32>
        %parallel_loop3A_426 = arith.shrsi %parallel_loop3A_416, %parallel_loop3A_425 : vector<16xi32>
        %parallel_loop3A_427 = arith.constant 7 : i32
        %parallel_loop3A_428 = vector.broadcast %parallel_loop3A_427 : i32 to vector<16xi32>
        %parallel_loop3A_429 = arith.andi %parallel_loop3A_416, %parallel_loop3A_428 : vector<16xi32>
        %parallel_loop3A_430 = arith.constant 8.000000e+00 : f32
        %parallel_loop3A_431 = vector.broadcast %parallel_loop3A_430 : f32 to vector<16xf32>
        %parallel_loop3A_432 = arith.mulf %parallel_loop3A_423, %parallel_loop3A_431 : vector<16xf32>
        %parallel_loop3A_433 = arith.constant 0 : i32
        %parallel_loop3A_434 = arith.constant 0 : i32
        %parallel_loop3A_435 = arith.constant 0 : i32
        %parallel_loop3A_436 = tpu.memref_slice %arg7[%parallel_loop3A_373, %parallel_loop3A_433, %parallel_loop3A_434, %parallel_loop3A_435] : memref<2x8x8x129xf32, #tpu.memory_space<vmem>> -> memref<1x8x8x129xf32, #tpu.memory_space<vmem>>
        %parallel_loop3A_437 = tpu.memref_squeeze %parallel_loop3A_436 : memref<1x8x8x129xf32, #tpu.memory_space<vmem>> -> memref<8x8x129xf32, #tpu.memory_space<vmem>>
        tpu.vector_store_idx %parallel_loop3A_437[%parallel_loop3A_426, %parallel_loop3A_429, %parallel_loop3A_413], %parallel_loop3A_432 : memref<8x8x129xf32, #tpu.memory_space<vmem>>[vector<16xi32>, vector<16xi32>, vector<16xi32>], vector<16xf32>,
        %parallel_loop3A_438 = arith.constant 16 : i32
        %parallel_loop3A_439 = vector.broadcast %parallel_loop3A_438 : i32 to vector<16xi32>
        %parallel_loop3A_440 = arith.addi %parallel_loop3A_439, %iota3A : vector<16xi32>
        %parallel_loop3A_441 = arith.constant 0 : i32
        %parallel_loop3A_442 = arith.constant 0 : i32
        %parallel_loop3A_443 = tpu.memref_slice %arg6[%parallel_loop3A_372, %parallel_loop3A_441, %parallel_loop3A_442] : memref<4x128x64xf32, #tpu.memory_space<vmem>> -> memref<1x128x64xf32, #tpu.memory_space<vmem>>
        %parallel_loop3A_444 = tpu.memref_squeeze %parallel_loop3A_443 : memref<1x128x64xf32, #tpu.memory_space<vmem>> -> memref<128x64xf32, #tpu.memory_space<vmem>>
        %parallel_loop3A_445 = arith.index_cast %parallel_loop3A_412 : i32 to index
        %parallel_loop3A_446 = arith.constant 16 : index
        %parallel_loop3A_447 = tpu.vector_load %parallel_loop3A_444[%parallel_loop3A_445, %parallel_loop3A_446] {strides = array<i32>} : memref<128x64xf32, #tpu.memory_space<vmem>>, vector<16xf32>,
        %parallel_loop3A_448 = arith.constant 3 : i32
        %parallel_loop3A_449 = vector.broadcast %parallel_loop3A_448 : i32 to vector<16xi32>
        %parallel_loop3A_450 = arith.shrsi %parallel_loop3A_440, %parallel_loop3A_449 : vector<16xi32>
        %parallel_loop3A_451 = arith.constant 7 : i32
        %parallel_loop3A_452 = vector.broadcast %parallel_loop3A_451 : i32 to vector<16xi32>
        %parallel_loop3A_453 = arith.andi %parallel_loop3A_440, %parallel_loop3A_452 : vector<16xi32>
        %parallel_loop3A_454 = arith.constant 8.000000e+00 : f32
        %parallel_loop3A_455 = vector.broadcast %parallel_loop3A_454 : f32 to vector<16xf32>
        %parallel_loop3A_456 = arith.mulf %parallel_loop3A_447, %parallel_loop3A_455 : vector<16xf32>
        %parallel_loop3A_457 = arith.constant 0 : i32
        %parallel_loop3A_458 = arith.constant 0 : i32
        %parallel_loop3A_459 = arith.constant 0 : i32
        %parallel_loop3A_460 = tpu.memref_slice %arg7[%parallel_loop3A_373, %parallel_loop3A_457, %parallel_loop3A_458, %parallel_loop3A_459] : memref<2x8x8x129xf32, #tpu.memory_space<vmem>> -> memref<1x8x8x129xf32, #tpu.memory_space<vmem>>
        %parallel_loop3A_461 = tpu.memref_squeeze %parallel_loop3A_460 : memref<1x8x8x129xf32, #tpu.memory_space<vmem>> -> memref<8x8x129xf32, #tpu.memory_space<vmem>>
        tpu.vector_store_idx %parallel_loop3A_461[%parallel_loop3A_450, %parallel_loop3A_453, %parallel_loop3A_413], %parallel_loop3A_456 : memref<8x8x129xf32, #tpu.memory_space<vmem>>[vector<16xi32>, vector<16xi32>, vector<16xi32>], vector<16xf32>,
        %parallel_loop3A_462 = arith.constant 32 : i32
        %parallel_loop3A_463 = vector.broadcast %parallel_loop3A_462 : i32 to vector<16xi32>
        %parallel_loop3A_464 = arith.addi %parallel_loop3A_463, %iota3A : vector<16xi32>
        %parallel_loop3A_465 = arith.constant 0 : i32
        %parallel_loop3A_466 = arith.constant 0 : i32
        %parallel_loop3A_467 = tpu.memref_slice %arg6[%parallel_loop3A_372, %parallel_loop3A_465, %parallel_loop3A_466] : memref<4x128x64xf32, #tpu.memory_space<vmem>> -> memref<1x128x64xf32, #tpu.memory_space<vmem>>
        %parallel_loop3A_468 = tpu.memref_squeeze %parallel_loop3A_467 : memref<1x128x64xf32, #tpu.memory_space<vmem>> -> memref<128x64xf32, #tpu.memory_space<vmem>>
        %parallel_loop3A_469 = arith.index_cast %parallel_loop3A_412 : i32 to index
        %parallel_loop3A_470 = arith.constant 32 : index
        %parallel_loop3A_471 = tpu.vector_load %parallel_loop3A_468[%parallel_loop3A_469, %parallel_loop3A_470] {strides = array<i32>} : memref<128x64xf32, #tpu.memory_space<vmem>>, vector<16xf32>,
        %parallel_loop3A_472 = arith.constant 3 : i32
        %parallel_loop3A_473 = vector.broadcast %parallel_loop3A_472 : i32 to vector<16xi32>
        %parallel_loop3A_474 = arith.shrsi %parallel_loop3A_464, %parallel_loop3A_473 : vector<16xi32>
        %parallel_loop3A_475 = arith.constant 7 : i32
        %parallel_loop3A_476 = vector.broadcast %parallel_loop3A_475 : i32 to vector<16xi32>
        %parallel_loop3A_477 = arith.andi %parallel_loop3A_464, %parallel_loop3A_476 : vector<16xi32>
        %parallel_loop3A_478 = arith.constant 8.000000e+00 : f32
        %parallel_loop3A_479 = vector.broadcast %parallel_loop3A_478 : f32 to vector<16xf32>
        %parallel_loop3A_480 = arith.mulf %parallel_loop3A_471, %parallel_loop3A_479 : vector<16xf32>
        %parallel_loop3A_481 = arith.constant 0 : i32
        %parallel_loop3A_482 = arith.constant 0 : i32
        %parallel_loop3A_483 = arith.constant 0 : i32
        %parallel_loop3A_484 = tpu.memref_slice %arg7[%parallel_loop3A_373, %parallel_loop3A_481, %parallel_loop3A_482, %parallel_loop3A_483] : memref<2x8x8x129xf32, #tpu.memory_space<vmem>> -> memref<1x8x8x129xf32, #tpu.memory_space<vmem>>
        %parallel_loop3A_485 = tpu.memref_squeeze %parallel_loop3A_484 : memref<1x8x8x129xf32, #tpu.memory_space<vmem>> -> memref<8x8x129xf32, #tpu.memory_space<vmem>>
        tpu.vector_store_idx %parallel_loop3A_485[%parallel_loop3A_474, %parallel_loop3A_477, %parallel_loop3A_413], %parallel_loop3A_480 : memref<8x8x129xf32, #tpu.memory_space<vmem>>[vector<16xi32>, vector<16xi32>, vector<16xi32>], vector<16xf32>,
        %parallel_loop3A_486 = arith.constant 48 : i32
        %parallel_loop3A_487 = vector.broadcast %parallel_loop3A_486 : i32 to vector<16xi32>
        %parallel_loop3A_488 = arith.addi %parallel_loop3A_487, %iota3A : vector<16xi32>
        %parallel_loop3A_489 = arith.constant 0 : i32
        %parallel_loop3A_490 = arith.constant 0 : i32
        %parallel_loop3A_491 = tpu.memref_slice %arg6[%parallel_loop3A_372, %parallel_loop3A_489, %parallel_loop3A_490] : memref<4x128x64xf32, #tpu.memory_space<vmem>> -> memref<1x128x64xf32, #tpu.memory_space<vmem>>
        %parallel_loop3A_492 = tpu.memref_squeeze %parallel_loop3A_491 : memref<1x128x64xf32, #tpu.memory_space<vmem>> -> memref<128x64xf32, #tpu.memory_space<vmem>>
        %parallel_loop3A_493 = arith.index_cast %parallel_loop3A_412 : i32 to index
        %parallel_loop3A_494 = arith.constant 48 : index
        %parallel_loop3A_495 = tpu.vector_load %parallel_loop3A_492[%parallel_loop3A_493, %parallel_loop3A_494] {strides = array<i32>} : memref<128x64xf32, #tpu.memory_space<vmem>>, vector<16xf32>,
        %parallel_loop3A_496 = arith.constant 3 : i32
        %parallel_loop3A_497 = vector.broadcast %parallel_loop3A_496 : i32 to vector<16xi32>
        %parallel_loop3A_498 = arith.shrsi %parallel_loop3A_488, %parallel_loop3A_497 : vector<16xi32>
        %parallel_loop3A_499 = arith.constant 7 : i32
        %parallel_loop3A_500 = vector.broadcast %parallel_loop3A_499 : i32 to vector<16xi32>
        %parallel_loop3A_501 = arith.andi %parallel_loop3A_488, %parallel_loop3A_500 : vector<16xi32>
        %parallel_loop3A_502 = arith.constant 8.000000e+00 : f32
        %parallel_loop3A_503 = vector.broadcast %parallel_loop3A_502 : f32 to vector<16xf32>
        %parallel_loop3A_504 = arith.mulf %parallel_loop3A_495, %parallel_loop3A_503 : vector<16xf32>
        %parallel_loop3A_505 = arith.constant 0 : i32
        %parallel_loop3A_506 = arith.constant 0 : i32
        %parallel_loop3A_507 = arith.constant 0 : i32
        %parallel_loop3A_508 = tpu.memref_slice %arg7[%parallel_loop3A_373, %parallel_loop3A_505, %parallel_loop3A_506, %parallel_loop3A_507] : memref<2x8x8x129xf32, #tpu.memory_space<vmem>> -> memref<1x8x8x129xf32, #tpu.memory_space<vmem>>
        %parallel_loop3A_509 = tpu.memref_squeeze %parallel_loop3A_508 : memref<1x8x8x129xf32, #tpu.memory_space<vmem>> -> memref<8x8x129xf32, #tpu.memory_space<vmem>>
        tpu.vector_store_idx %parallel_loop3A_509[%parallel_loop3A_498, %parallel_loop3A_501, %parallel_loop3A_413], %parallel_loop3A_504 : memref<8x8x129xf32, #tpu.memory_space<vmem>>[vector<16xi32>, vector<16xi32>, vector<16xi32>], vector<16xf32>,
      } {sc.loop_unroll_factor = 4 : i64, sc.parallel_access}
      %dma_start3A_374 = arith.constant 1 : i32
      %dma_start3A_375 = arith.constant 0 : i32
      %dma_start3A_376 = arith.constant 0 : i32
      %dma_start3A_377 = arith.constant 0 : i32
      %dma_start3A_378 = tpu.memref_slice %arg7[%dma_start3A_374, %dma_start3A_375, %dma_start3A_376, %dma_start3A_377] : memref<2x8x8x129xf32, #tpu.memory_space<vmem>> -> memref<1x8x8x129xf32, #tpu.memory_space<vmem>>
      %dma_start3A_379 = tpu.memref_squeeze %dma_start3A_378 : memref<1x8x8x129xf32, #tpu.memory_space<vmem>> -> memref<8x8x129xf32, #tpu.memory_space<vmem>>
      %dma_start3A_380 = arith.constant 0 : i32
      %dma_start3A_381 = arith.constant 0 : i32
      %dma_start3A_382 = arith.constant 0 : i32
      %dma_start3A_383 = tpu.memref_slice %dma_start3A_379[%dma_start3A_380, %dma_start3A_381, %dma_start3A_382] : memref<8x8x129xf32, #tpu.memory_space<vmem>> -> memref<8x8x128xf32, #tpu.memory_space<vmem>>
      %dma_start3A_384 = arith.constant 0 : i32
      %dma_start3A_385 = arith.constant 0 : i32
      %dma_start3A_386 = arith.constant 0 : i32
      %dma_start3A_387 = tpu.memref_slice %arg4[%add3A_324, %dma_start3A_384, %add3A, %dma_start3A_385, %dma_start3A_386] : memref<200x8x32x8x128xf32, #tpu.memory_space<hbm>> -> memref<1x8x1x8x128xf32, #tpu.memory_space<hbm>>
      %dma_start3A_388 = tpu.memref_squeeze %dma_start3A_387 : memref<1x8x1x8x128xf32, #tpu.memory_space<hbm>> -> memref<8x8x128xf32, #tpu.memory_space<hbm>>
      %dma_start3A_389 = arith.constant 0 : i32
      %dma_start3A_390 = arith.constant 0 : i32
      %dma_start3A_391 = arith.constant 0 : i32
      %dma_start3A_392 = tpu.memref_slice %arg4[%add3A_324, %dma_start3A_389, %add3A, %dma_start3A_390, %dma_start3A_391] : memref<200x8x32x8x128xf32, #tpu.memory_space<hbm>> -> memref<1x8x1x8x128xf32, #tpu.memory_space<hbm>>
      %dma_start3A_393 = tpu.memref_squeeze %dma_start3A_392 : memref<1x8x1x8x128xf32, #tpu.memory_space<hbm>> -> memref<8x8x128xf32, #tpu.memory_space<hbm>>
      %dma_start3A_394 = arith.constant 0 : i32
      %dma_start3A_395 = arith.constant 0 : i32
      %dma_start3A_396 = arith.constant 0 : i32
      %dma_start3A_397 = tpu.memref_slice %arg7[%dma_start3A_374, %dma_start3A_394, %dma_start3A_395, %dma_start3A_396] : memref<2x8x8x129xf32, #tpu.memory_space<vmem>> -> memref<1x8x8x129xf32, #tpu.memory_space<vmem>>
      %dma_start3A_398 = tpu.memref_squeeze %dma_start3A_397 : memref<1x8x8x129xf32, #tpu.memory_space<vmem>> -> memref<8x8x129xf32, #tpu.memory_space<vmem>>
      %dma_start3A_399 = arith.constant 0 : i32
      %dma_start3A_400 = arith.constant 0 : i32
      %dma_start3A_401 = arith.constant 0 : i32
      %dma_start3A_402 = tpu.memref_slice %dma_start3A_398[%dma_start3A_399, %dma_start3A_400, %dma_start3A_401] : memref<8x8x129xf32, #tpu.memory_space<vmem>> -> memref<8x8x128xf32, #tpu.memory_space<vmem>>
      tpu.enqueue_dma source(%dma_start3A_402 : memref<8x8x128xf32, #tpu.memory_space<vmem>>) target(%dma_start3A_393 : memref<8x8x128xf32, #tpu.memory_space<hbm>>) target_semaphore(%arg13 : memref<!tpu.dma_semaphore, #tpu.memory_space<semaphore_mem>>)
      %add3A_403 = arith.constant 4 : i32
      %add3A_404 = arith.addi %add3A_324, %add3A_403 : i32
      %sub3A_405 = arith.constant 1 : i32
      %sub3A_406 = arith.subi %add3A_404, %sub3A_405 : i32
      %lt3A_407 = arith.constant 200 : i32
      %lt3A_408 = arith.cmpi slt, %sub3A_406, %lt3A_407 : i32
      %convert_element_type3A_409 = arith.extui %lt3A_408 : i1 to i32
      %cond3A_410 = arith.constant 0 : i32
      %cond3A_411 = arith.cmpi ne, %convert_element_type3A_409, %cond3A_410 : i32
      scf.if %cond3A_411 {
        %jit3A = arith.constant 8 : i32
        %div3A = arith.divsi %sub3A_406, %jit3A : i32
        %sign3A = arith.constant 0 : i32
        %sign3A_412 = arith.cmpi sgt, %sub3A_406, %sign3A : i32
        %sign3A_413 = arith.extui %sign3A_412 : i1 to i32
        %sign3A_414 = arith.constant 0 : i32
        %sign3A_415 = arith.cmpi slt, %sub3A_406, %sign3A_414 : i32
        %sign3A_416 = arith.extui %sign3A_415 : i1 to i32
        %sign3A_417 = arith.subi %sign3A_413, %sign3A_416 : i32
        %sign3A_418 = arith.constant 0 : i32
        %sign3A_419 = arith.cmpi sgt, %jit3A, %sign3A_418 : i32
        %sign3A_420 = arith.extui %sign3A_419 : i1 to i32
        %sign3A_421 = arith.constant 0 : i32
        %sign3A_422 = arith.cmpi slt, %jit3A, %sign3A_421 : i32
        %sign3A_423 = arith.extui %sign3A_422 : i1 to i32
        %sign3A_424 = arith.subi %sign3A_420, %sign3A_423 : i32
        %ne3A = arith.cmpi ne, %sign3A_417, %sign3A_424 : i32
        %rem3A = arith.remsi %sub3A_406, %jit3A : i32
        %ne3A_425 = arith.constant 0 : i32
        %ne3A_426 = arith.cmpi ne, %rem3A, %ne3A_425 : i32
        %and3A = arith.andi %ne3A, %ne3A_426 : i1
        %sub3A_427 = arith.constant 1 : i32
        %sub3A_428 = arith.subi %div3A, %sub3A_427 : i32
        %select_n3A = arith.select %and3A, %sub3A_428, %div3A : i32
        %jit3A_429 = arith.constant 8 : i32
        %eq3A = arith.constant 0 : i32
        %eq3A_430 = arith.cmpi eq, %jit3A_429, %eq3A : i32
        %jit3A_431 = arith.constant 1 : i32
        %select_n3A_432 = arith.select %eq3A_430, %jit3A_431, %jit3A_429 : i32
        %rem3A_433 = arith.remsi %sub3A_406, %select_n3A_432 : i32
        %ne3A_434 = arith.constant 0 : i32
        %ne3A_435 = arith.cmpi ne, %rem3A_433, %ne3A_434 : i32
        %lt3A_436 = arith.constant 0 : i32
        %lt3A_437 = arith.cmpi slt, %rem3A_433, %lt3A_436 : i32
        %lt3A_438 = arith.constant 0 : i32
        %lt3A_439 = arith.cmpi slt, %select_n3A_432, %lt3A_438 : i32
        %ne3A_440 = arith.xori %lt3A_437, %lt3A_439 : i1
        %and3A_441 = arith.andi %ne3A_440, %ne3A_435 : i1
        %add3A_442 = arith.addi %rem3A_433, %select_n3A_432 : i32
        %select_n3A_443 = arith.select %and3A_441, %add3A_442, %rem3A_433 : i32
        %dma_start3A_444 = arith.constant 2 : i32
        %dma_start3A_445 = arith.constant 0 : i32
        %dma_start3A_446 = arith.constant 0 : i32
        %dma_start3A_447 = tpu.memref_slice %arg6[%dma_start3A_444, %dma_start3A_445, %dma_start3A_446] : memref<4x128x64xf32, #tpu.memory_space<vmem>> -> memref<1x128x64xf32, #tpu.memory_space<vmem>>
        %dma_start3A_448 = tpu.memref_squeeze %dma_start3A_447 : memref<1x128x64xf32, #tpu.memory_space<vmem>> -> memref<128x64xf32, #tpu.memory_space<vmem>>
        %dma_start3A_449 = arith.constant 0 : i32
        %dma_start3A_450 = tpu.memref_slice %arg5[%select_n3A, %select_n3A_443, %dma_start3A_449] : memref<25x8x128xi32, #tpu.memory_space<vmem>> -> memref<1x1x128xi32, #tpu.memory_space<vmem>>
        %dma_start3A_451 = tpu.memref_squeeze %dma_start3A_450 : memref<1x1x128xi32, #tpu.memory_space<vmem>> -> memref<128xi32, #tpu.memory_space<vmem>>
        %dma_start3A_452 = arith.constant 0 : i32
        %dma_start3A_453 = arith.constant 0 : i32
        %dma_start3A_454 = tpu.memref_slice %arg3[%dma_start3A_452, %dma_start3A_453] : memref<1000000x64xf32, #tpu.memory_space<hbm>> -> memref<1000000x64xf32, #tpu.memory_space<hbm>>
        tpu.enqueue_indirect_dma source(%dma_start3A_454 : memref<1000000x64xf32, #tpu.memory_space<hbm>>) target(%dma_start3A_448 : memref<128x64xf32, #tpu.memory_space<vmem>>) offsets(%dma_start3A_451 : memref<128xi32, #tpu.memory_space<vmem>>) semaphore(%arg10 : memref<!tpu.dma_semaphore, #tpu.memory_space<semaphore_mem>>)
      } else {
      }
    }
    %scan3A_43 = arith.constant 50 : i32
    %dma_wait3A = arith.constant 0 : i32
    %dma_wait3A_44 = arith.constant 0 : i32
    %dma_wait3A_45 = arith.constant 0 : i32
    %dma_wait3A_46 = arith.constant 0 : i32
    %dma_wait3A_47 = arith.constant 0 : i32
    %dma_wait3A_48 = arith.constant 0 : i32
    %dma_wait3A_49 = tpu.memref_slice %arg7[%dma_wait3A, %dma_wait3A_46, %dma_wait3A_47, %dma_wait3A_48] : memref<2x8x8x129xf32, #tpu.memory_space<vmem>> -> memref<1x8x8x129xf32, #tpu.memory_space<vmem>>
    %dma_wait3A_50 = tpu.memref_squeeze %dma_wait3A_49 : memref<1x8x8x129xf32, #tpu.memory_space<vmem>> -> memref<8x8x129xf32, #tpu.memory_space<vmem>>
    %dma_wait3A_51 = arith.constant 0 : i32
    %dma_wait3A_52 = arith.constant 0 : i32
    %dma_wait3A_53 = arith.constant 0 : i32
    %dma_wait3A_54 = tpu.memref_slice %dma_wait3A_50[%dma_wait3A_51, %dma_wait3A_52, %dma_wait3A_53] : memref<8x8x129xf32, #tpu.memory_space<vmem>> -> memref<8x8x128xf32, #tpu.memory_space<vmem>>
    %dma_wait3A_55 = arith.constant 0 : i32
    %dma_wait3A_56 = arith.constant 0 : i32
    %dma_wait3A_57 = arith.constant 0 : i32
    %dma_wait3A_58 = tpu.memref_slice %arg4[%dma_wait3A_44, %dma_wait3A_55, %dma_wait3A_45, %dma_wait3A_56, %dma_wait3A_57] : memref<200x8x32x8x128xf32, #tpu.memory_space<hbm>> -> memref<1x8x1x8x128xf32, #tpu.memory_space<hbm>>
    %dma_wait3A_59 = tpu.memref_squeeze %dma_wait3A_58 : memref<1x8x1x8x128xf32, #tpu.memory_space<hbm>> -> memref<8x8x128xf32, #tpu.memory_space<hbm>>
    %dma_wait3A_60 = arith.constant 0 : i32
    %dma_wait3A_61 = arith.constant 0 : i32
    %dma_wait3A_62 = arith.constant 0 : i32
    %dma_wait3A_63 = tpu.memref_slice %arg4[%dma_wait3A_44, %dma_wait3A_60, %dma_wait3A_45, %dma_wait3A_61, %dma_wait3A_62] : memref<200x8x32x8x128xf32, #tpu.memory_space<hbm>> -> memref<1x8x1x8x128xf32, #tpu.memory_space<hbm>>
    %dma_wait3A_64 = tpu.memref_squeeze %dma_wait3A_63 : memref<1x8x1x8x128xf32, #tpu.memory_space<hbm>> -> memref<8x8x128xf32, #tpu.memory_space<hbm>>
    %dma_wait3A_65 = arith.constant 0 : i32
    %dma_wait3A_66 = arith.constant 0 : i32
    %dma_wait3A_67 = arith.constant 0 : i32
    %dma_wait3A_68 = tpu.memref_slice %arg7[%dma_wait3A, %dma_wait3A_65, %dma_wait3A_66, %dma_wait3A_67] : memref<2x8x8x129xf32, #tpu.memory_space<vmem>> -> memref<1x8x8x129xf32, #tpu.memory_space<vmem>>
    %dma_wait3A_69 = tpu.memref_squeeze %dma_wait3A_68 : memref<1x8x8x129xf32, #tpu.memory_space<vmem>> -> memref<8x8x129xf32, #tpu.memory_space<vmem>>
    %dma_wait3A_70 = arith.constant 0 : i32
    %dma_wait3A_71 = arith.constant 0 : i32
    %dma_wait3A_72 = arith.constant 0 : i32
    %dma_wait3A_73 = tpu.memref_slice %dma_wait3A_69[%dma_wait3A_70, %dma_wait3A_71, %dma_wait3A_72] : memref<8x8x129xf32, #tpu.memory_space<vmem>> -> memref<8x8x128xf32, #tpu.memory_space<vmem>>
    tpu.wait_dma2 semaphore(%arg12 : memref<!tpu.dma_semaphore, #tpu.memory_space<semaphore_mem>>) src(%dma_wait3A_73 : memref<8x8x128xf32, #tpu.memory_space<vmem>>) dst(%dma_wait3A_64 : memref<8x8x128xf32, #tpu.memory_space<hbm>>)
    %dma_wait3A_74 = arith.constant 1 : i32
    %dma_wait3A_75 = arith.constant 0 : i32
    %dma_wait3A_76 = arith.constant 0 : i32
    %dma_wait3A_77 = arith.constant 0 : i32
    %dma_wait3A_78 = arith.constant 0 : i32
    %dma_wait3A_79 = arith.constant 0 : i32
    %dma_wait3A_80 = tpu.memref_slice %arg7[%dma_wait3A_74, %dma_wait3A_77, %dma_wait3A_78, %dma_wait3A_79] : memref<2x8x8x129xf32, #tpu.memory_space<vmem>> -> memref<1x8x8x129xf32, #tpu.memory_space<vmem>>
    %dma_wait3A_81 = tpu.memref_squeeze %dma_wait3A_80 : memref<1x8x8x129xf32, #tpu.memory_space<vmem>> -> memref<8x8x129xf32, #tpu.memory_space<vmem>>
    %dma_wait3A_82 = arith.constant 0 : i32
    %dma_wait3A_83 = arith.constant 0 : i32
    %dma_wait3A_84 = arith.constant 0 : i32
    %dma_wait3A_85 = tpu.memref_slice %dma_wait3A_81[%dma_wait3A_82, %dma_wait3A_83, %dma_wait3A_84] : memref<8x8x129xf32, #tpu.memory_space<vmem>> -> memref<8x8x128xf32, #tpu.memory_space<vmem>>
    %dma_wait3A_86 = arith.constant 0 : i32
    %dma_wait3A_87 = arith.constant 0 : i32
    %dma_wait3A_88 = arith.constant 0 : i32
    %dma_wait3A_89 = tpu.memref_slice %arg4[%dma_wait3A_75, %dma_wait3A_86, %dma_wait3A_76, %dma_wait3A_87, %dma_wait3A_88] : memref<200x8x32x8x128xf32, #tpu.memory_space<hbm>> -> memref<1x8x1x8x128xf32, #tpu.memory_space<hbm>>
    %dma_wait3A_90 = tpu.memref_squeeze %dma_wait3A_89 : memref<1x8x1x8x128xf32, #tpu.memory_space<hbm>> -> memref<8x8x128xf32, #tpu.memory_space<hbm>>
    %dma_wait3A_91 = arith.constant 0 : i32
    %dma_wait3A_92 = arith.constant 0 : i32
    %dma_wait3A_93 = arith.constant 0 : i32
    %dma_wait3A_94 = tpu.memref_slice %arg4[%dma_wait3A_75, %dma_wait3A_91, %dma_wait3A_76, %dma_wait3A_92, %dma_wait3A_93] : memref<200x8x32x8x128xf32, #tpu.memory_space<hbm>> -> memref<1x8x1x8x128xf32, #tpu.memory_space<hbm>>
    %dma_wait3A_95 = tpu.memref_squeeze %dma_wait3A_94 : memref<1x8x1x8x128xf32, #tpu.memory_space<hbm>> -> memref<8x8x128xf32, #tpu.memory_space<hbm>>
    %dma_wait3A_96 = arith.constant 0 : i32
    %dma_wait3A_97 = arith.constant 0 : i32
    %dma_wait3A_98 = arith.constant 0 : i32
    %dma_wait3A_99 = tpu.memref_slice %arg7[%dma_wait3A_74, %dma_wait3A_96, %dma_wait3A_97, %dma_wait3A_98] : memref<2x8x8x129xf32, #tpu.memory_space<vmem>> -> memref<1x8x8x129xf32, #tpu.memory_space<vmem>>
    %dma_wait3A_100 = tpu.memref_squeeze %dma_wait3A_99 : memref<1x8x8x129xf32, #tpu.memory_space<vmem>> -> memref<8x8x129xf32, #tpu.memory_space<vmem>>
    %dma_wait3A_101 = arith.constant 0 : i32
    %dma_wait3A_102 = arith.constant 0 : i32
    %dma_wait3A_103 = arith.constant 0 : i32
    %dma_wait3A_104 = tpu.memref_slice %dma_wait3A_100[%dma_wait3A_101, %dma_wait3A_102, %dma_wait3A_103] : memref<8x8x129xf32, #tpu.memory_space<vmem>> -> memref<8x8x128xf32, #tpu.memory_space<vmem>>
    tpu.wait_dma2 semaphore(%arg13 : memref<!tpu.dma_semaphore, #tpu.memory_space<semaphore_mem>>) src(%dma_wait3A_104 : memref<8x8x128xf32, #tpu.memory_space<vmem>>) dst(%dma_wait3A_95 : memref<8x8x128xf32, #tpu.memory_space<hbm>>)
    return
  }
}

</mosaic_0001>

<sc_bundles>
// kernel: kernel.3.cloned.1.call-start
scs
__scs_entry_jumppad:
0x0: {  	(pc) =	sbr.rel $0x88, $3  }
0x1: {  	(tag) =	ssettag $0x0;
	lr =	simm.s32 $0x1  }
0x2: {  	[smem:$0x3F9F] =	sst lr;
	_ =	strace $0xD0000000  }
0x3: {  	_ = 	snop  }
0x4: {  	_ = 	snop  }
0x5: {  	_ = 	snop  }
0x6: {  	_ = 	snop  }
0x7: {  	_ = 	snop  }
__scs_overlays_trampoline_lowered:
0x8: {  	[smem:$0x3FAE] =	sst s0  }
0x9: {  	[smem:$0x3FAF] =	sst s1  }
0xa: {  	[smem:$0x3FB0] =	sst s2  }
0xb: {  	[smem:$0x3FB1] =	sst s3  }
0xc: {  	[smem:$0x3FB2] =	sst s4  }
0xd: {  	[smem:$0x3FB3] =	sst s5  }
0xe: {  	[smem:$0x3FB4] =	sst s6  }
0xf: {  	[smem:$0x3FB5] =	sst s7  }
0x10: {  	[smem:$0x3FB6] =	sst s8  }
0x11: {  	[smem:$0x3FB7] =	sst s9;
	s0 =	simm.s32 @!p0 $0x0  }
0x12: {  	s1 =	sld [smem:$0x3F9D];
	s0 =	simm.s32 @p0 $0x1  }
0x13: {  	[smem:$0x3FB8] =	sst s0;
	s0 =	simm.s32 @!p1 $0x0  }
0x14: {  	s2 =	sld [smem:$0x3F9C];
	s0 =	simm.s32 @p1 $0x1  }
0x15: {  	[smem:$0x3FB9] =	sst s0;
	s0 =	simm.s32 @!p2 $0x0  }
0x16: {  	s3 =	sld [smem:$0x3FDB];
	s0 =	simm.s32 @p2 $0x1  }
0x17: {  	s4 =	simm.s32 $0x1BF5;
	[smem:$0x3FBB] =	sst s0  }
0x18: {  	s0 =	sld [smem:$0x3F9E];
	_ =	swait.ge [sflag:s4], $0x0  }
0x19: {  	s7 =	sld [smem:$0x3F9F]  }
0x1a: {  	s8 =	sadd.s32 $0xFFFFE003, lr  }
0x1b: {  	s9 =	sadd.s32 $0xFFFFFEF7, lr;
	s5 =	simm.s32 $0xFFFFFFFF;
	p2 =	slt.u32 s8, $0xFFFFF086  }
0x1c: {  	p1 =	slt.u32 s9, $0xF7A;
	s5 =	simm.s32 @!p2 $0x0  }
0x1d: {  	s5 =	simm.s32 @p1 $0x1;
	p0 =	seq.s32 s7, s2  }
0x1e: {  	s7 =	smul.u32 @!p0 $0xF7A, s2;
	p2 =	seq.s32 @!p0 s5, $0x0  }
0x1f: {  	s9 =	smul.u32 $0xF7A, s1;
	s8 =	simm.s32 @!p0 $0x1BF5;
	p2 =	por !p2, p0  }
0x20: {  	[sflag:s8] =	ssyncset.s32 @!p0 $0xFFFFF086;
	s6 =	sadd.s32 @!p0 s3, s7;
	s7 =	simm.s32 @!p0 $0x108  }
0x21: {  	s3 =	sadd.s32 s3, s9;
	s6 =	sadd.s32 @!p0 $0x88, s6;
	s7 =	simm.s32 @p2 $0x1082  }
0x22: {  	[simem:s7], [sflag:s8] =	dma.local @!p0 [hbm:s6], $0xF7A  }
0x23: {  	s9 =	sor.u32 $0xD0000000, s2;
	s6 =	simm.s32 $0x108;
	_ =	swait.ge @!p0 [sflag:s8], $0x0  }
0x24: {  	s3 =	sadd.s32 $0x88, s3;
	s6 =	simm.s32 @!p1 $0x1082;
	[sflag:s4] =	ssyncset.s32 $0xFFFFF086  }
0x25: {  	[simem:s6], [sflag:s4] =	dma.local [hbm:s3], $0xF7A  }
0x26: {  	[smem:$0x3F9F] =	sst s1;
	(tag) =	ssettag s2;
	_ =	strace s9  }
0x27: {  	s1 =	sld [smem:$0x3FAF]  }
0x28: {  	s2 =	sld [smem:$0x3FB0]  }
0x29: {  	s4 =	sld [smem:$0x3FB2]  }
0x2a: {  	p0 =	seq.s32 s5, $0x0;
	s5 =	sld [smem:$0x3FB3]  }
0x2b: {  	s6 =	sld [smem:$0x3FB4]  }
0x2c: {  	s7 =	sld [smem:$0x3FB5]  }
0x2d: {  	s3 =	simm.s32 $0x108;
	s8 =	sld [smem:$0x3FB6]  }
0x2e: {  	s3 =	simm.s32 @!p0 $0x1082;
	s9 =	sld [smem:$0x3FB7]  }
0x2f: {  	lr =	sadd.s32 s0, s3;
	s0 =	sld [smem:$0x3FAE]  }
0x30: {  	s3 =	sld [smem:$0x3FB1]  }
0x31: {  	[smem:$0x3FBA] =	sst s10  }
0x32: {  	s10 =	sld [smem:$0x3FB8];
	_ =	sdelay $0x3  }
0x33: {  	p0 =	seq.s32 s10, $0x1;
	s10 =	sld [smem:$0x3FBA];
	_ =	sdelay $0x3  }
0x34: {  	[smem:$0x3FBA] =	sst s10  }
0x35: {  	s10 =	sld [smem:$0x3FB9];
	_ =	sdelay $0x3  }
0x36: {  	p1 =	seq.s32 s10, $0x1;
	s10 =	sld [smem:$0x3FBA];
	_ =	sdelay $0x3  }
0x37: {  	[smem:$0x3FBA] =	sst s10  }
0x38: {  	s10 =	sld [smem:$0x3FBB]  }
0x39: {  	_ = 	snop;
	(pc) =	sbr.ind lr, $3  }
0x3a: {  	_ = 	snop  }
0x3b: {  	_ = 	snop  }
0x3c: {  	p2 =	seq.s32 s10, $0x1;
	s10 =	sld [smem:$0x3FBA]  }
0x3d: {  	_ =	shalt  }
0x3e: {  	_ =	shalt  }
0x3f: {  	_ =	shalt  }
0x40: {  	_ =	shalt  }
0x41: {  	_ =	shalt  }
0x42: {  	_ =	shalt  }
0x43: {  	_ =	shalt  }
0x44: {  	_ =	shalt  }
0x45: {  	_ =	shalt  }
0x46: {  	_ =	shalt  }
0x47: {  	_ =	shalt  }
0x48: {  	_ =	shalt  }
0x49: {  	_ =	shalt  }
0x4a: {  	_ =	shalt  }
0x4b: {  	_ =	shalt  }
0x4c: {  	_ =	shalt  }
0x4d: {  	_ =	shalt  }
0x4e: {  	_ =	shalt  }
0x4f: {  	_ =	shalt  }
0x50: {  	_ =	shalt  }
0x51: {  	_ =	shalt  }
0x52: {  	_ =	shalt  }
0x53: {  	_ =	shalt  }
0x54: {  	_ =	shalt  }
0x55: {  	_ =	shalt  }
0x56: {  	_ =	shalt  }
0x57: {  	_ =	shalt  }
0x58: {  	_ =	shalt  }
0x59: {  	_ =	shalt  }
0x5a: {  	_ =	shalt  }
0x5b: {  	_ =	shalt  }
0x5c: {  	_ =	shalt  }
0x5d: {  	_ =	shalt  }
0x5e: {  	_ =	shalt  }
0x5f: {  	_ =	shalt  }
0x60: {  	_ =	shalt  }
0x61: {  	_ =	shalt  }
0x62: {  	_ =	shalt  }
0x63: {  	_ =	shalt  }
0x64: {  	_ =	shalt  }
0x65: {  	_ =	shalt  }
0x66: {  	_ =	shalt  }
0x67: {  	_ =	shalt  }
0x68: {  	_ =	shalt  }
0x69: {  	_ =	shalt  }
0x6a: {  	_ =	shalt  }
0x6b: {  	_ =	shalt  }
0x6c: {  	_ =	shalt  }
0x6d: {  	_ =	shalt  }
0x6e: {  	_ =	shalt  }
0x6f: {  	_ =	shalt  }
0x70: {  	_ =	shalt  }
0x71: {  	_ =	shalt  }
0x72: {  	_ =	shalt  }
0x73: {  	_ =	shalt  }
0x74: {  	_ =	shalt  }
0x75: {  	_ =	shalt  }
0x76: {  	_ =	shalt  }
0x77: {  	_ =	shalt  }
0x78: {  	_ =	shalt  }
0x79: {  	_ =	shalt  }
0x7a: {  	_ =	shalt  }
0x7b: {  	_ =	shalt  }
0x7c: {  	_ =	shalt  }
0x7d: {  	_ =	shalt  }
0x7e: {  	_ =	shalt  }
0x7f: {  	_ =	shalt  }
0x80: {  	_ =	shalt  }
0x81: {  	_ =	shalt  }
0x82: {  	_ =	shalt  }
0x83: {  	_ =	shalt  }
0x84: {  	_ =	shalt  }
0x85: {  	_ =	shalt  }
0x86: {  	_ =	shalt  }
0x87: {  	_ =	shalt  }
.Lfunc_end0:
.L_simem_size_0:
called_computation_lowered:
.L_overlay_start_0:
0x88: {  	s2 =	sld [smem:$0x3FD9]  }
0x89: {  	s3 =	sld [smem:$0x3FFE];
	_ =	sdelay $0x1  }
0x8a: {  	s1 =	srdreg.scid  }
0x8b: {  	s0 =	sand.u32 $0x1, s1  }
0x8c: {  	s17 =	sshll.u32 s0, $0xA;
	s2 =	sadd.s32 s3, s2  }
0x8d: {  	s2 =	sadd.s32 s2, s17  }
0x8e: {  	[smem:$0x3FC6] =	sst s2  }
0x8f: {  	_ = 	snop  }
0x90: {  	s2 =	sld [smem:$0x3FC9]  }
0x91: {  	s18 =	sld [smem:$0x3FD0];
	(tm) =	ssettm $0x1  }
0x92: {  	s4 =	sld [smem:$0x3FFB];
	_ =	sdelay $0x3  }
0x93: {  	_ =	strace s4  }
0x94: {  	s4 =	sld [smem:$0x3FFC];
	_ =	sdelay $0x3  }
0x95: {  	_ =	strace s4  }
0x96: {  	s4 =	sld [smem:$0x3FFD];
	_ =	sdelay $0x3  }
0x97: {  	_ =	strace s4  }
0x98: {  	_ =	strace $0x8FFFFFFF  }
0x99: {  	s19 =	sld [smem:$0x3FDB];
	_ =	sdelay $0x1  }
0x9a: {  	s5 =	simm.s32 $_scs_section_size  }
0x9b: {  	s6 =	simm.s32 $_size__tile_overlayer_lowered;
	s7 =	simm.s32 $_tile_overlayer_lowered  }
0x9c: {  	s22 =	simm.s32 $0x1BFF;
	s21 =	sshll.u32 s7, $0x1;
	s4 =	sadd.s32 s5, s19  }
0x9d: {  	s8 =	simm.s32 $0x0;
	s20 =	sshll.u32 s6, $0x1;
	s6 =	sadd.s32 s21, s4  }
0x9e: {  	[timem:s8], [sflag:s22] =	dma.local [hbm:s6], s20  }
0x9f: {  	_ =	swait.ge [sflag:s22], s20  }
0xa0: {  	s5 =	ssub.s32 $0x0, s20;
	[sflag:s22] =	ssyncset.done $0x0  }
0xa1: {  	[sflag:s22] =	ssyncadd.s32 s5;
	_ =	sdelay $0x1  }
0xa2: {  	s23 =	simm.s32 $0x1B8B  }
0xa3: {  	_ =	swait.ge [sflag:s23], $0x1  }
0xa4: {  	[sflag:s23] =	ssyncset.done $0x0  }
0xa5: {  	s25 =	simm.s32 $0x1B8E;
	s24 =	sld [smem:$0x3FFE];
	[sflag:s23] =	ssyncadd.s32 $0xFFFFFFFF  }
0xa6: {  	s26 =	simm.s32 $execute0_lowered;
	[smem:$0x3FD2] =	sst s25  }
0xa7: {  	s6 =	sshll.u32 s26, $0x1;
	_ =	strace $0x80000046;
	[dreg:$0x1] =	wrdreg $0xFFFFFFFF  }
0xa8: {  	s28 =	simm.s32 $_size_execute0_lowered;
	s4 =	sadd.s32 s4, s6;
	[dreg:$0x0] =	wrdreg $0x0  }
0xa9: {  	s6 =	sshll.u32 s28, $0x1;
	[dreg:$0x2] =	wrdreg s4  }
0xaa: {  	[dreg:$0x3] =	wrdreg s6  }
0xab: {  	[dreg:$0x4] =	wrdreg $0xC0  }
0xac: {  	_ =	task [dreg:s8], $0x5FFFF  }
0xad: {  	[dreg:$0x1] =	wrdreg $0xFFFFFFFF  }
0xae: {  	[dreg:$0x0] =	wrdreg $0x60  }
0xaf: {  	[dreg:$0x2] =	wrdreg s2  }
0xb0: {  	[dreg:$0x3] =	wrdreg s24  }
0xb1: {  	[dreg:$0x4] =	wrdreg s18  }
0xb2: {  	[dreg:$0x5] =	wrdreg $0x9  }
0xb3: {  	_ =	task.clear_ibuf [dreg:s8], $0x6FFFF;
	_ =	strace $0x90000046  }
0xb4: {  	s29 =	simm.s32 $0x9;
	_ =	strace $0x80000048  }
0xb5: {  	_ =	swait.ge [sflag:s29], $0x1  }
0xb6: {  	[sflag:s29] =	ssyncadd.s32 $0xFFFFFFFF  }
0xb7: {  	_ =	strace $0x90000048  }
0xb8: {  	_ =	sfence  }
0xb9: {  	s30 =	sld [smem:$0x0];
	_ =	sdelay $0x2  }
0xba: {  	s31 =	sshll.u32 s1, $0xD;
	s1 =	sshrl.u32 s1, $0x2  }
0xbb: {  	s3 =	sand.u32 $0x4000, s31;
	s1 =	sadd.s32 s1, s30  }
0xbc: {  	s0 =	sor.u32 s3, s0;
	s1 =	sshll.u32 s1, $0x11  }
0xbd: {  	s0 =	sor.u32 s1, s0  }
0xbe: {  	s0 =	sadd.s32 $0x8F2B, s0  }
0xbf: {  	[sflag:s0] =	ssyncadd.remote.s32 $0x1  }
0xc0: {  	_ =	sfence.sel $0xFFFF  }
0xc1: {  	[dreg:$0x0] =	wrdreg $0xFFFFFFFF;
	(pc) =	sbr.abs _section_cstart, $3  }
0xc2: {  	[dreg:$0x1] =	wrdreg $0xFFFFFFFF  }
0xc3: {  	_ =	task.clear_ibuf [dreg:s8], $0x2FFFF;
	_ =	strace $0x9FFFFFFF  }
0xc4: {  	(tm) =	ssettm $0x7FFFFFFF  }
0xc5: {  	_ =	shalt  }
tec
execute0_lowered:
.L_overlay_start_1:
0x0: {  	(tag) =	ssettag $0x1  }
0x1: {  	s0 =	rddreg [dreg:$0x0]  }
0x2: {  	s1 =	rddreg [dreg:$0x1]  }
0x3: {  	s2 =	rddreg [dreg:$0x2]  }
0x4: {  	s3 =	srdreg.scid;
	s5 =	stileid.u32  }
0x5: {  	s12 =	simm.s32 $0x7;
	s13 =	simm.s32 $0x80;
	s17 =	simm.s32 $0xA400  }
0x6: {  	s18 =	simm.s32 $0x1;
	s19 =	simm.s32 $0xE400;
	s20 =	simm.s32 $0xC400  }
0x7: {  	s21 =	simm.s32 $0x2;
	s22 =	simm.s32 $0x10600;
	s23 =	simm.s32 $0x3  }
0x8: {  	s24 =	simm.s32 $0x5;
	s25 =	simm.s32 $0x4;
	s26 =	simm.s32 $0x6  }
0x9: {  	s28 =	simm.s32 $0x0;
	s4 =	sand.u32 $0x1, s3;
	s3 =	simm.s32 $0x0  }
.Ltmp0:
0xa: {  	s5 =	sshll.u32 s5, $0xB;
	s6 =	sshll.u32 s4, $0xA;
	(pc) =	sbr.rel .LBB2_1-.Ltmp0, $4  }
0xb: {  	v0 =	vlaneseq.u32;
	[smem:$0x7FF] =	sst s3;
	s7 =	ssub.s32 $0x2, s4;
	s4 =	sor.u32 s6, s5  }
0xc: {  	v0 =	vmul.u32 $0x88, v0;
	_ =	strace $0x80000047;
	s30 =	sshrl.u32 s7, $0x1;
	s5 =	sadd.s32 $0xF42800, s1  }
0xd: {  	s8 =	sshrl.u32 s4, $0x3;
	s31 =	ssub.s32 s7, s30;
	s7 =	sadd.s32 $0x8000, s2  }
0xe: {  	v1 =	vadd.s32 $0x880, v0;
	v2 =	vadd.s32 $0x1100, v0;
	v3 =	vadd.s32 $0x1980, v0;
	s6 =	sadd.s32 s0, s8;
	s8 =	sadd.s32 $0x10000, s2;
	s9 =	smax.u32 s31, $0x1  }
.LBB2_20:
0xf: {  	s28 =	sadd.s32 $0x1, s28  }
0x10: {  	_ =	swait.ge [sflag:s24], $0x2000;
	p0 =	sne.s32 s28, s9  }
.Ltmp1:
0x11: {  	[sflag:s24] =	ssyncset.done $0x0;
	(pc) =	sbr.rel @!p0 .LBB2_21-.Ltmp1, $4  }
0x12: {  	[sflag:s24] =	ssyncadd.s32 $0xFFFFE000  }
0x13: {  	_ =	swait.ge [sflag:s26], $0x2000  }
0x14: {  	[sflag:s26] =	ssyncset.done $0x0  }
0x15: {  	[sflag:s26] =	ssyncadd.s32 $0xFFFFE000  }
.LBB2_1:
0x16: {  	s0 =	simm.s32 $0x400;
	s1 =	simm.s32 $0x8000  }
0x17: {  	[tilespmem:s3], [sflag:$0x7] =	stream.strided.gather [hbm4b:s6+s0], $0x6400, s1, s0, $0x38;
	[tilespmem:$0x12800] =	vst v63  }
0x18: {  	_ =	swait.ge [sflag:s12], $0x6400  }
0x19: {  	[sflag:s12] =	ssyncset.done $0x0  }
0x1a: {  	s16 =	simm.s32 $0x6400;
	[sflag:s12] =	ssyncadd.s32 $0xFFFF9C00  }
0x1b: {  	[tilespmem:s16], [sflag:$0x1] =	stream.indirect.gather [hbm4b:s5+s13], $0x40, s3, s13, $0xb8;
	[tilespmem:$0x12800] =	vst v63  }
0x1c: {  	s30 =	simm.s32 $0x8400  }
0x1d: {  	[tilespmem:s30], [sflag:$0x2] =	stream.indirect.gather [hbm4b:s5+s13], $0x40, s13, s13, $0xb8;
	[tilespmem:$0x12800] =	vst v63  }
0x1e: {  	s31 =	simm.s32 $0x100;
	s29 =	simm.s32 $0x0  }
0x1f: {  	[tilespmem:s17], [sflag:$0x3] =	stream.indirect.gather [hbm4b:s5+s13], $0x40, s31, s13, $0xb8;
	[tilespmem:$0x12800] =	vst v63  }
.LBB2_2:
0x20: {  	_ =	swait.ge [sflag:s18], $0x2000  }
0x21: {  	p0 =	seq.s32 s29, $0x0;
	[sflag:s18] =	ssyncset.done $0x0  }
0x22: {  	s0 =	simm.s32 @!p0 $0x5;
	[sflag:s18] =	ssyncadd.s32 $0xFFFFE000  }
0x23: {  	_ =	swait.ge @!p0 [sflag:s0], $0x2000  }
0x24: {  	[sflag:s0] =	ssyncset.done @!p0 $0x0  }
0x25: {  	s11 =	simm.s32 $0x6480;
	s1 =	simm.s32 $0x3;
	[sflag:s0] =	ssyncadd.s32 @!p0 $0xFFFFE000  }
0x26: {  	v4 =	vmov s1;
	v5 =	vld [tilespmem:s11+$0x40]  }
0x27: {  	v9 =	vand.u32 $0x7F, v4  }
0x28: {  	s10 =	simm.s32 $0x0;
	v4 =	vadd.s32 v0, v9  }
0x29: {  	s14 =	simm.s32 $0x1;
	v6 =	vmov s10;
	s1 =	simm.s32 $0x2;
	v7 =	vld [tilespmem:s11+$0xFFFFFF80]  }
0x2a: {  	v8 =	vand.u32 $0x7C, v6;
	v6 =	vmov s14;
	v11 =	vmov s1;
	v10 =	vld [tilespmem:s11+$0xFFFFFFC0]  }
0x2b: {  	v12 =	vadd.s32 v0, v8;
	v15 =	vand.u32 $0x7D, v6;
	v6 =	vld [tilespmem:s11+$0x0];
	v5 =	vmul.f32 $8.000000000e+00, v5  }
0x2c: {  	v17 =	vand.u32 $0x7E, v11;
	v13 =	vadd.s32 v0, v15  }
0x2d: {  	v11 =	vadd.s32 v0, v17;
	[tilespmem:v4+s19+$0x0] =	vst.idx.msk $0xffff, v5  }
0x2e: {  	v4 =	vmul.f32 $8.000000000e+00, v7;
	v5 =	vld [tilespmem:s11+$0x50]  }
0x2f: {  	v7 =	vmul.f32 $8.000000000e+00, v10  }
0x30: {  	[tilespmem:v12+s19+$0x0] =	vst.idx.msk $0xffff, v4;
	v4 =	vmul.f32 $8.000000000e+00, v6;
	v6 =	vadd.s32 v1, v9  }
0x31: {  	[tilespmem:v13+s19+$0x0] =	vst.idx.msk $0xffff, v7;
	v10 =	vld [tilespmem:s11+$0xFFFFFF90]  }
0x32: {  	v7 =	vld [tilespmem:s11+$0xFFFFFFD0];
	[tilespmem:v11+s19+$0x0] =	vst.idx.msk $0xffff, v4  }
0x33: {  	v11 =	vld [tilespmem:s11+$0x10];
	v4 =	vmul.f32 $8.000000000e+00, v5  }
0x34: {  	s15 =	simm.s32 $0x4;
	s10 =	simm.s32 $0x7;
	s0 =	simm.s32 $0x6580;
	v12 =	vadd.s32 v1, v15  }
0x35: {  	v14 =	vld [tilespmem:s0+$0x40];
	v13 =	vadd.s32 v1, v17;
	v5 =	vmov s15;
	[tilespmem:v6+s19+$0x0] =	vst.idx.msk $0xffff, v4;
	v6 =	vmov s10  }
0x36: {  	v16 =	vadd.s32 v1, v8;
	v4 =	vand.u32 $0x7C, v5;
	v5 =	vand.u32 $0x7F, v6;
	v18 =	vld [tilespmem:s11+$0x60]  }
0x37: {  	s16 =	simm.s32 $0x5;
	v22 =	vadd.s32 v2, v9;
	v19 =	vld [tilespmem:s0+$0xFFFFFF80];
	v6 =	vmul.f32 $8.000000000e+00, v7;
	v20 =	vadd.s32 v0, v5  }
0x38: {  	s31 =	simm.s32 $0x6;
	v21 =	vld [tilespmem:s0+$0xFFFFFFC0];
	v10 =	vmul.f32 $8.000000000e+00, v10;
	v7 =	vmul.f32 $8.000000000e+00, v11;
	v11 =	vmov s16  }
0x39: {  	v23 =	vadd.s32 v0, v4;
	[tilespmem:v12+s19+$0x0] =	vst.idx.msk $0xffff, v6;
	v12 =	vmov s31;
	v6 =	vand.u32 $0x7D, v11;
	v11 =	vld [tilespmem:s0+$0x0]  }
0x3a: {  	[tilespmem:v13+s19+$0x0] =	vst.idx.msk $0xffff, v7;
	v13 =	vadd.s32 v0, v6;
	v7 =	vand.u32 $0x7E, v12;
	v12 =	vmul.f32 $8.000000000e+00, v14;
	v14 =	vld [tilespmem:s11+$0xFFFFFFE0]  }
0x3b: {  	[tilespmem:v16+s19+$0x0] =	vst.idx.msk $0xffff, v10;
	v10 =	vadd.s32 v0, v7;
	v16 =	vld [tilespmem:s11+$0x20];
	v18 =	vmul.f32 $8.000000000e+00, v18  }
0x3c: {  	v19 =	vmul.f32 $8.000000000e+00, v19;
	[tilespmem:v20+s19+$0x0] =	vst.idx.msk $0xffff, v12;
	v12 =	vld [tilespmem:s11+$0xFFFFFFA0];
	v20 =	vadd.s32 v2, v15  }
0x3d: {  	v25 =	vadd.s32 v2, v17;
	v21 =	vmul.f32 $8.000000000e+00, v21;
	v24 =	vld [tilespmem:s0+$0x50];
	[tilespmem:v22+s19+$0x0] =	vst.idx.msk $0xffff, v18  }
0x3e: {  	[tilespmem:v23+s19+$0x0] =	vst.idx.msk $0xffff, v19;
	v19 =	vadd.s32 v2, v8;
	v11 =	vmul.f32 $8.000000000e+00, v11;
	v22 =	vld [tilespmem:s11+$0x70]  }
0x3f: {  	v23 =	vld [tilespmem:s0+$0xFFFFFF90];
	[tilespmem:v13+s19+$0x0] =	vst.idx.msk $0xffff, v21;
	v21 =	vadd.s32 v1, v5;
	v14 =	vmul.f32 $8.000000000e+00, v14  }
0x40: {  	v27 =	vadd.s32 v3, v9;
	v26 =	vld [tilespmem:s0+$0xFFFFFFD0];
	[tilespmem:v10+s19+$0x0] =	vst.idx.msk $0xffff, v11;
	v10 =	vmul.f32 $8.000000000e+00, v16  }
0x41: {  	v18 =	vadd.s32 v1, v4;
	v13 =	vld [tilespmem:s0+$0x10];
	v9 =	vmul.f32 $8.000000000e+00, v12;
	[tilespmem:v20+s19+$0x0] =	vst.idx.msk $0xffff, v14  }
0x42: {  	s10 =	simm.s32 $0x8;
	v16 =	vadd.s32 v1, v6;
	[tilespmem:v25+s19+$0x0] =	vst.idx.msk $0xffff, v10;
	v14 =	vmul.f32 $8.000000000e+00, v24;
	v12 =	vld [tilespmem:s11+$0xFFFFFFF0]  }
0x43: {  	v20 =	vmov s10;
	v10 =	vadd.s32 v1, v7;
	v11 =	vld [tilespmem:s11+$0x30];
	[tilespmem:v19+s19+$0x0] =	vst.idx.msk $0xffff, v9;
	v63 =	vmul.f32 $8.000000000e+00, v22  }
0x44: {  	s14 =	simm.s32 $0xB;
	s1 =	simm.s32 $0x6680;
	v15 =	vadd.s32 v3, v15;
	v9 =	vand.u32 $0x7C, v20;
	v20 =	vmul.f32 $8.000000000e+00, v23;
	[tilespmem:v21+s19+$0x0] =	vst.idx.msk $0xffff, v14;
	v14 =	vld [tilespmem:s11+$0xFFFFFFB0]  }
0x45: {  	s30 =	sshll.u32 s29, $0x2;
	v17 =	vadd.s32 v3, v17;
	v22 =	vmov s14;
	v19 =	vld [tilespmem:s1+$0x40];
	s11 =	simm.s32 $0xC;
	v21 =	vmul.f32 $8.000000000e+00, v26;
	[tilespmem:v27+s19+$0x0] =	vst.idx.msk $0xffff, v63  }
.LBB2_3:
0x46: {  	p1 =	slt.u32 s11, $0x7C;
	s14 =	sadd.s32 $0x1, s10;
	v22 =	vand.u32 $0x7F, v22;
	[tilespmem:v18+s19+$0x0] =	vst.idx.msk $0xffff, v20;
	v13 =	vmul.f32 $8.000000000e+00, v13;
	v18 =	vld [tilespmem:s0+$0x60];
	v20 =	vadd.s32 v3, v8;
	v8 =	vmovc v4  }
0x47: {  	v4 =	vmovc v9;
	v23 =	vld [tilespmem:s1+$0xFFFFFF80];
	v24 =	vmov s14;
	s14 =	sadd.s32 $0x2, s10;
	v25 =	vadd.s32 v0, v22;
	[tilespmem:v16+s19+$0x0] =	vst.idx.msk $0xffff, v21;
	v12 =	vmul.f32 $8.000000000e+00, v12;
	s10 =	smov.u32 s11  }
0x48: {  	v9 =	vld [tilespmem:s1+$0xFFFFFFC0];
	v16 =	vmov s14;
	[tilespmem:v10+s19+$0x0] =	vst.idx.msk $0xffff, v13;
	v10 =	vadd.s32 v2, v5;
	v11 =	vmul.f32 $8.000000000e+00, v11  }
0x49: {  	v13 =	vadd.s32 v0, v4;
	v21 =	vand.u32 $0x7D, v24;
	v24 =	vld [tilespmem:s1+$0x0];
	v14 =	vmul.f32 $8.000000000e+00, v14;
	[tilespmem:v15+s19+$0x0] =	vst.idx.msk $0xffff, v12  }
0x4a: {  	v12 =	vadd.s32 v0, v21;
	v26 =	vand.u32 $0x7E, v16;
	v15 =	vmul.f32 $8.000000000e+00, v19;
	v16 =	vld [tilespmem:s0+$0xFFFFFFE0];
	[tilespmem:v17+s19+$0x0] =	vst.idx.msk $0xffff, v11  }
0x4b: {  	v11 =	vadd.s32 v0, v26;
	v17 =	vld [tilespmem:s0+$0x20];
	v18 =	vmul.f32 $8.000000000e+00, v18;
	[tilespmem:v20+s19+$0x0] =	vst.idx.msk $0xffff, v14  }
0x4c: {  	v19 =	vadd.s32 v2, v6;
	v14 =	vmul.f32 $8.000000000e+00, v23;
	[tilespmem:v25+s19+$0x0] =	vst.idx.msk $0xffff, v15;
	v15 =	vld [tilespmem:s0+$0xFFFFFFA0]  }
0x4d: {  	v23 =	vadd.s32 v2, v7;
	v9 =	vmul.f32 $8.000000000e+00, v9;
	v20 =	vld [tilespmem:s1+$0x50];
	[tilespmem:v10+s19+$0x0] =	vst.idx.msk $0xffff, v18  }
0x4e: {  	[tilespmem:v13+s19+$0x0] =	vst.idx.msk $0xffff, v14;
	v10 =	vmul.f32 $8.000000000e+00, v24;
	v14 =	vadd.s32 v2, v8;
	v24 =	vld [tilespmem:s0+$0x70]  }
0x4f: {  	v27 =	vadd.s32 v1, v22;
	v25 =	vld [tilespmem:s1+$0xFFFFFF90];
	[tilespmem:v12+s19+$0x0] =	vst.idx.msk $0xffff, v9;
	v9 =	vmul.f32 $8.000000000e+00, v16  }
0x50: {  	v29 =	vadd.s32 v3, v5;
	v5 =	vmov v22;
	v28 =	vld [tilespmem:s1+$0xFFFFFFD0];
	[tilespmem:v11+s19+$0x0] =	vst.idx.msk $0xffff, v10;
	v10 =	vmul.f32 $8.000000000e+00, v17  }
.Ltmp2:
0x51: {  	v18 =	vadd.s32 v1, v4;
	v13 =	vld [tilespmem:s1+$0x10];
	v11 =	vmul.f32 $8.000000000e+00, v15;
	[tilespmem:v19+s19+$0x0] =	vst.idx.msk $0xffff, v9;
	(pc) =	sbr.rel @p1 .LBB2_3-.Ltmp2, $4  }
0x52: {  	v16 =	vadd.s32 v1, v21;
	v15 =	vmul.f32 $8.000000000e+00, v20;
	v12 =	vld [tilespmem:s0+$0xFFFFFFF0];
	[tilespmem:v23+s19+$0x0] =	vst.idx.msk $0xffff, v10  }
0x53: {  	v9 =	vmov s11;
	v10 =	vadd.s32 v1, v26;
	[tilespmem:v14+s19+$0x0] =	vst.idx.msk $0xffff, v11;
	v11 =	vld [tilespmem:s0+$0x30];
	v23 =	vmul.f32 $8.000000000e+00, v24  }
0x54: {  	s14 =	sadd.s32 $0x3, s11;
	v9 =	vand.u32 $0x7C, v9;
	v20 =	vmul.f32 $8.000000000e+00, v25;
	[tilespmem:v27+s19+$0x0] =	vst.idx.msk $0xffff, v15;
	v14 =	vld [tilespmem:s0+$0xFFFFFFB0];
	v15 =	vadd.s32 v3, v6;
	v6 =	vmovc v21;
	s0 =	smov.u32 s1;
	s1 =	sadd.s32 $0x100, s1  }
0x55: {  	v22 =	vmov s14;
	v17 =	vadd.s32 v3, v7;
	v7 =	vmovc v26;
	s11 =	sadd.s32 $0x4, s11;
	v19 =	vld [tilespmem:s1+$0x40];
	v21 =	vmul.f32 $8.000000000e+00, v28;
	[tilespmem:v29+s19+$0x0] =	vst.idx.msk $0xffff, v23  }
0x56: {  	s11 =	sadd.s32 $0x1, s10;
	v22 =	vand.u32 $0x7F, v22;
	v28 =	vld [tilespmem:s1+$0xFFFFFF80]  }
0x57: {  	s31 =	sadd.s32 $0x2, s10;
	v24 =	vld [tilespmem:s1+$0xFFFFFFC0];
	v23 =	vmov s11;
	v25 =	vadd.s32 v0, v22  }
0x58: {  	v27 =	vld [tilespmem:s1+$0x0];
	v51 =	vadd.s32 v0, v9;
	v26 =	vmov s31;
	v23 =	vand.u32 $0x7D, v23  }
0x59: {  	v26 =	vand.u32 $0x7E, v26;
	v29 =	vadd.s32 v0, v23  }
0x5a: {  	[tilespmem:v18+s19+$0x0] =	vst.idx.msk $0xffff, v20;
	v30 =	vadd.s32 v0, v26;
	v19 =	vmul.f32 $8.000000000e+00, v19  }
0x5b: {  	[tilespmem:v16+s19+$0x0] =	vst.idx.msk $0xffff, v21;
	v54 =	vmul.f32 $8.000000000e+00, v28  }
0x5c: {  	v52 =	vmul.f32 $8.000000000e+00, v24;
	[tilespmem:v25+s19+$0x0] =	vst.idx.msk $0xffff, v19  }
0x5d: {  	v53 =	vmul.f32 $8.000000000e+00, v27;
	v55 =	vld [tilespmem:s1+$0x50];
	[tilespmem:v51+s19+$0x0] =	vst.idx.msk $0xffff, v54  }
0x5e: {  	v13 =	vmul.f32 $8.000000000e+00, v13;
	v8 =	vadd.s32 v3, v8;
	[tilespmem:v29+s19+$0x0] =	vst.idx.msk $0xffff, v52;
	v59 =	vld [tilespmem:s1+$0xFFFFFF90]  }
0x5f: {  	v12 =	vmul.f32 $8.000000000e+00, v12;
	v57 =	vadd.s32 v1, v22;
	[tilespmem:v30+s19+$0x0] =	vst.idx.msk $0xffff, v53;
	v56 =	vld [tilespmem:s1+$0xFFFFFFD0]  }
0x60: {  	[tilespmem:v10+s19+$0x0] =	vst.idx.msk $0xffff, v13;
	v58 =	vmul.f32 $8.000000000e+00, v11;
	v28 =	vadd.s32 v1, v9;
	v19 =	vld [tilespmem:s1+$0x10]  }
0x61: {  	v61 =	vld [tilespmem:s0+$0x60];
	v60 =	vadd.s32 v1, v23;
	v14 =	vmul.f32 $8.000000000e+00, v14;
	[tilespmem:v15+s19+$0x0] =	vst.idx.msk $0xffff, v12  }
0x62: {  	v32 =	vld [tilespmem:s0+$0xFFFFFFA0];
	v62 =	vadd.s32 v1, v26;
	[tilespmem:v17+s19+$0x0] =	vst.idx.msk $0xffff, v58;
	v16 =	vmul.f32 $8.000000000e+00, v55  }
0x63: {  	[tilespmem:v8+s19+$0x0] =	vst.idx.msk $0xffff, v14;
	v29 =	vadd.s32 v2, v5;
	v30 =	vld [tilespmem:s0+$0x20];
	v11 =	vmul.f32 $8.000000000e+00, v59  }
0x64: {  	v38 =	vadd.s32 v2, v4;
	v63 =	vld [tilespmem:s0+$0xFFFFFFE0];
	v31 =	vmul.f32 $8.000000000e+00, v56;
	[tilespmem:v57+s19+$0x0] =	vst.idx.msk $0xffff, v16  }
0x65: {  	v35 =	vadd.s32 v2, v7;
	v34 =	vmul.f32 $8.000000000e+00, v19;
	v36 =	vld [tilespmem:s1+$0x60];
	[tilespmem:v28+s19+$0x0] =	vst.idx.msk $0xffff, v11  }
0x66: {  	v33 =	vadd.s32 v2, v6;
	v37 =	vmul.f32 $8.000000000e+00, v61;
	[tilespmem:v60+s19+$0x0] =	vst.idx.msk $0xffff, v31;
	v43 =	vld [tilespmem:s1+$0xFFFFFFA0]  }
0x67: {  	v40 =	vadd.s32 v2, v22;
	v14 =	vmul.f32 $8.000000000e+00, v32;
	[tilespmem:v62+s19+$0x0] =	vst.idx.msk $0xffff, v34;
	v39 =	vld [tilespmem:s1+$0xFFFFFFE0]  }
0x68: {  	v48 =	vadd.s32 v2, v9;
	[tilespmem:v29+s19+$0x0] =	vst.idx.msk $0xffff, v37;
	v42 =	vmul.f32 $8.000000000e+00, v30;
	v41 =	vld [tilespmem:s1+$0x20]  }
0x69: {  	v44 =	vadd.s32 v2, v23;
	v15 =	vmul.f32 $8.000000000e+00, v63;
	[tilespmem:v38+s19+$0x0] =	vst.idx.msk $0xffff, v14;
	v45 =	vld [tilespmem:s0+$0x70]  }
0x6a: {  	v46 =	vadd.s32 v2, v26;
	v14 =	vld [tilespmem:s0+$0xFFFFFFB0];
	[tilespmem:v35+s19+$0x0] =	vst.idx.msk $0xffff, v42;
	v47 =	vmul.f32 $8.000000000e+00, v36  }
0x6b: {  	v5 =	vadd.s32 v3, v5;
	[tilespmem:v33+s19+$0x0] =	vst.idx.msk $0xffff, v15;
	v49 =	vld [tilespmem:s0+$0x30];
	v53 =	vmul.f32 $8.000000000e+00, v43  }
0x6c: {  	v4 =	vadd.s32 v3, v4;
	v21 =	vld [tilespmem:s0+$0xFFFFFFF0];
	v12 =	vmul.f32 $8.000000000e+00, v39;
	[tilespmem:v40+s19+$0x0] =	vst.idx.msk $0xffff, v47  }
0x6d: {  	v52 =	vadd.s32 v3, v7;
	v51 =	vmul.f32 $8.000000000e+00, v41;
	v10 =	vld [tilespmem:s1+$0x70];
	[tilespmem:v48+s19+$0x0] =	vst.idx.msk $0xffff, v53  }
0x6e: {  	v50 =	vadd.s32 v3, v6;
	v54 =	vmul.f32 $8.000000000e+00, v45;
	[tilespmem:v44+s19+$0x0] =	vst.idx.msk $0xffff, v12;
	v59 =	vld [tilespmem:s1+$0xFFFFFFB0]  }
0x6f: {  	v57 =	vadd.s32 v3, v22;
	v14 =	vmul.f32 $8.000000000e+00, v14;
	[tilespmem:v46+s19+$0x0] =	vst.idx.msk $0xffff, v51;
	v55 =	vld [tilespmem:s1+$0xFFFFFFF0]  }
0x70: {  	v62 =	vadd.s32 v3, v9;
	[tilespmem:v5+s19+$0x0] =	vst.idx.msk $0xffff, v54;
	v5 =	vmul.f32 $8.000000000e+00, v49;
	v58 =	vld [tilespmem:s1+$0x30]  }
0x71: {  	v56 =	vmul.f32 $8.000000000e+00, v21;
	v60 =	vadd.s32 v3, v23;
	[tilespmem:v4+s19+$0x0] =	vst.idx.msk $0xffff, v14  }
0x72: {  	v61 =	vadd.s32 v3, v26;
	[tilespmem:v52+s19+$0x0] =	vst.idx.msk $0xffff, v5;
	v5 =	vmul.f32 $8.000000000e+00, v10  }
0x73: {  	[tilespmem:v50+s19+$0x0] =	vst.idx.msk $0xffff, v56;
	v63 =	vmul.f32 $8.000000000e+00, v59  }
0x74: {  	s10 =	sshll.u32 s29, $0x14;
	v4 =	vmul.f32 $8.000000000e+00, v55;
	[tilespmem:v57+s19+$0x0] =	vst.idx.msk $0xffff, v5  }
0x75: {  	s0 =	sor.u32 s4, s10;
	v5 =	vmul.f32 $8.000000000e+00, v58;
	[tilespmem:v62+s19+$0x0] =	vst.idx.msk $0xffff, v63  }
0x76: {  	s0 =	sshrl.u32 s0, $0x3;
	[tilespmem:v60+s19+$0x0] =	vst.idx.msk $0xffff, v4  }
0x77: {  	s11 =	simm.s32 $0xE400;
	s10 =	sadd.s32 s2, s0;
	[tilespmem:v61+s19+$0x0] =	vst.idx.msk $0xffff, v5  }
0x78: {  	[hbm4b:s10+s3] =	stream.linear.scatter [tilespmem:s11], [sflag:$0x5], $0x80, $0x38;
	[tilespmem:$0x12800] =	vst v63  }
0x79: {  	s14 =	simm.s32 $0xE488;
	s15 =	sadd.s32 $0x10, s10  }
0x7a: {  	[hbm4b:s15+s3] =	stream.linear.scatter [tilespmem:s14], [sflag:$0x5], $0x80, $0x38;
	[tilespmem:$0x12800] =	vst v63  }
0x7b: {  	s16 =	simm.s32 $0xE510;
	s31 =	sadd.s32 $0x20, s10;
	s1 =	simm.s32 $0x440  }
0x7c: {  	[hbm4b:s31+s3] =	stream.linear.scatter [tilespmem:s16], [sflag:$0x5], $0x80, $0x38;
	[tilespmem:$0x12800] =	vst v63  }
0x7d: {  	s11 =	simm.s32 $0x2200;
	s14 =	simm.s32 $0xE598;
	s15 =	sadd.s32 $0x30, s10  }
0x7e: {  	[hbm4b:s15+s3] =	stream.linear.scatter [tilespmem:s14], [sflag:$0x5], $0x80, $0x38;
	[tilespmem:$0x12800] =	vst v63  }
0x7f: {  	s16 =	simm.s32 $0xE620;
	s31 =	sadd.s32 $0x40, s10;
	s14 =	simm.s32 $0xE6A8  }
0x80: {  	[hbm4b:s31+s3] =	stream.linear.scatter [tilespmem:s16], [sflag:$0x5], $0x80, $0x38;
	[tilespmem:$0x12800] =	vst v63  }
0x81: {  	s15 =	sadd.s32 $0x50, s10;
	s16 =	simm.s32 $0xE730;
	s31 =	sadd.s32 $0x60, s10  }
0x82: {  	[hbm4b:s15+s3] =	stream.linear.scatter [tilespmem:s14], [sflag:$0x5], $0x80, $0x38;
	[tilespmem:$0x12800] =	vst v63  }
0x83: {  	s14 =	simm.s32 $0xE7B8;
	s15 =	sadd.s32 $0x70, s10;
	s10 =	sadd.s32 $0x1000, s10  }
0x84: {  	[hbm4b:s31+s3] =	stream.linear.scatter [tilespmem:s16], [sflag:$0x5], $0x80, $0x38;
	[tilespmem:$0x12800] =	vst v63  }
.LBB2_5:
0x85: {  	[hbm4b:s15+s3] =	stream.linear.scatter [tilespmem:s14], [sflag:$0x5], $0x80, $0x38;
	[tilespmem:$0x12800] =	vst v63  }
0x86: {  	s14 =	smov.u32 s1;
	s1 =	smov.u32 s11  }
0x87: {  	s31 =	sadd.s32 $0x1100, s11;
	s1 =	sshra.s32 s1, $0x2;
	s15 =	sadd.s32 $0xE400, s14  }
0x88: {  	[hbm4b:s10+s3] =	stream.linear.scatter [tilespmem:s15], [sflag:$0x5], $0x80, $0x38;
	[tilespmem:$0x12800] =	vst v63  }
0x89: {  	p1 =	sne.s32 s11, $0x7700;
	s11 =	sadd.s32 $0xE488, s14;
	s15 =	sadd.s32 $0x10, s10  }
0x8a: {  	[hbm4b:s15+s3] =	stream.linear.scatter [tilespmem:s11], [sflag:$0x5], $0x80, $0x38;
	[tilespmem:$0x12800] =	vst v63  }
0x8b: {  	s11 =	sadd.s32 $0xE510, s14;
	s15 =	sadd.s32 $0x20, s10  }
0x8c: {  	[hbm4b:s15+s3] =	stream.linear.scatter [tilespmem:s11], [sflag:$0x5], $0x80, $0x38;
	[tilespmem:$0x12800] =	vst v63  }
0x8d: {  	s11 =	sadd.s32 $0xE598, s14;
	s15 =	sadd.s32 $0x30, s10  }
0x8e: {  	[hbm4b:s15+s3] =	stream.linear.scatter [tilespmem:s11], [sflag:$0x5], $0x80, $0x38;
	[tilespmem:$0x12800] =	vst v63  }
0x8f: {  	s11 =	sadd.s32 $0xE620, s14;
	s15 =	sadd.s32 $0x40, s10  }
0x90: {  	[hbm4b:s15+s3] =	stream.linear.scatter [tilespmem:s11], [sflag:$0x5], $0x80, $0x38;
	[tilespmem:$0x12800] =	vst v63  }
.Ltmp3:
0x91: {  	s11 =	sadd.s32 $0xE6A8, s14;
	s15 =	sadd.s32 $0x50, s10;
	(pc) =	sbr.rel @p1 .LBB2_5-.Ltmp3, $4  }
0x92: {  	[hbm4b:s15+s3] =	stream.linear.scatter [tilespmem:s11], [sflag:$0x5], $0x80, $0x38;
	[tilespmem:$0x12800] =	vst v63  }
0x93: {  	s11 =	sadd.s32 $0xE730, s14;
	s15 =	sadd.s32 $0x60, s10;
	s14 =	sadd.s32 $0xE7B8, s14  }
0x94: {  	[hbm4b:s15+s3] =	stream.linear.scatter [tilespmem:s11], [sflag:$0x5], $0x80, $0x38;
	[tilespmem:$0x12800] =	vst v63  }
0x95: {  	s15 =	sadd.s32 $0x70, s10;
	s10 =	sadd.s32 $0x1000, s10;
	s11 =	smov.u32 s31  }
0x96: {  	[hbm4b:s15+s3] =	stream.linear.scatter [tilespmem:s14], [sflag:$0x5], $0x80, $0x38;
	[tilespmem:$0x12800] =	vst v63  }
0x97: {  	s11 =	sadd.s32 $0xE400, s1  }
0x98: {  	[hbm4b:s10+s3] =	stream.linear.scatter [tilespmem:s11], [sflag:$0x5], $0x80, $0x38;
	[tilespmem:$0x12800] =	vst v63  }
0x99: {  	s15 =	sadd.s32 $0xE488, s1;
	s16 =	sadd.s32 $0x10, s10  }
0x9a: {  	[hbm4b:s16+s3] =	stream.linear.scatter [tilespmem:s15], [sflag:$0x5], $0x80, $0x38;
	[tilespmem:$0x12800] =	vst v63  }
0x9b: {  	s15 =	sadd.s32 $0xE510, s1;
	s16 =	sadd.s32 $0x20, s10  }
0x9c: {  	[hbm4b:s16+s3] =	stream.linear.scatter [tilespmem:s15], [sflag:$0x5], $0x80, $0x38;
	[tilespmem:$0x12800] =	vst v63  }
0x9d: {  	s15 =	sadd.s32 $0xE598, s1;
	s16 =	sadd.s32 $0x30, s10  }
0x9e: {  	[hbm4b:s16+s3] =	stream.linear.scatter [tilespmem:s15], [sflag:$0x5], $0x80, $0x38;
	[tilespmem:$0x12800] =	vst v63  }
0x9f: {  	s15 =	sadd.s32 $0xE620, s1;
	s16 =	sadd.s32 $0x40, s10  }
0xa0: {  	[hbm4b:s16+s3] =	stream.linear.scatter [tilespmem:s15], [sflag:$0x5], $0x80, $0x38;
	[tilespmem:$0x12800] =	vst v63  }
0xa1: {  	s15 =	sadd.s32 $0xE6A8, s1;
	s16 =	sadd.s32 $0x50, s10  }
0xa2: {  	[hbm4b:s16+s3] =	stream.linear.scatter [tilespmem:s15], [sflag:$0x5], $0x80, $0x38;
	[tilespmem:$0x12800] =	vst v63  }
0xa3: {  	s31 =	sor.u32 $0x3, s30;
	s15 =	sadd.s32 $0xE730, s1;
	s16 =	sadd.s32 $0x60, s10  }
0xa4: {  	[hbm4b:s16+s3] =	stream.linear.scatter [tilespmem:s15], [sflag:$0x5], $0x80, $0x38;
	[tilespmem:$0x12800] =	vst v63  }
0xa5: {  	s14 =	sshll.u32 s29, $0x9;
	s11 =	sshll.u32 s31, $0x7;
	s15 =	sadd.s32 $0xE7B8, s1  }
0xa6: {  	s16 =	sadd.s32 $0x70, s10;
	s1 =	sand.u32 $0x380, s11;
	s10 =	sand.u32 $0x7C00, s14  }
0xa7: {  	[hbm4b:s16+s3] =	stream.linear.scatter [tilespmem:s15], [sflag:$0x5], $0x80, $0x38;
	[tilespmem:$0x12800] =	vst v63  }
0xa8: {  	s1 =	sor.u32 s1, s10  }
0xa9: {  	[tilespmem:s20], [sflag:$0x4] =	stream.indirect.gather [hbm4b:s5+s13], $0x40, s1, s13, $0xb8;
	[tilespmem:$0x12800] =	vst v63  }
0xaa: {  	_ =	swait.ge [sflag:s21], $0x2000  }
0xab: {  	[sflag:s21] =	ssyncset.done $0x0  }
0xac: {  	s1 =	simm.s32 @!p0 $0x6;
	[sflag:s21] =	ssyncadd.s32 $0xFFFFE000  }
0xad: {  	_ =	swait.ge @!p0 [sflag:s1], $0x2000  }
0xae: {  	[sflag:s1] =	ssyncset.done @!p0 $0x0  }
0xaf: {  	s14 =	simm.s32 $0x84F0;
	s15 =	simm.s32 $0x3;
	[sflag:s1] =	ssyncadd.s32 @!p0 $0xFFFFE000  }
0xb0: {  	v4 =	vmov s15;
	v5 =	vld [tilespmem:s14+$0xFFFFFFD0]  }
0xb1: {  	v9 =	vand.u32 $0x7F, v4  }
0xb2: {  	s16 =	simm.s32 $0x0;
	v4 =	vadd.s32 v0, v9  }
0xb3: {  	s11 =	simm.s32 $0x2;
	s10 =	simm.s32 $0x1;
	v6 =	vmov s16;
	v7 =	vld [tilespmem:s14+$0xFFFFFF10]  }
0xb4: {  	v11 =	vmov s11;
	v8 =	vand.u32 $0x7C, v6;
	v6 =	vmov s10;
	v10 =	vld [tilespmem:s14+$0xFFFFFF50]  }
0xb5: {  	v12 =	vadd.s32 v0, v8;
	v15 =	vand.u32 $0x7D, v6;
	v6 =	vld [tilespmem:s14+$0xFFFFFF90];
	v5 =	vmul.f32 $8.000000000e+00, v5  }
0xb6: {  	v17 =	vand.u32 $0x7E, v11;
	v13 =	vadd.s32 v0, v15  }
0xb7: {  	v11 =	vadd.s32 v0, v17;
	[tilespmem:v4+s22+$0x0] =	vst.idx.msk $0xffff, v5  }
0xb8: {  	v4 =	vmul.f32 $8.000000000e+00, v7;
	v5 =	vld [tilespmem:s14+$0xFFFFFFE0]  }
0xb9: {  	v7 =	vmul.f32 $8.000000000e+00, v10  }
0xba: {  	[tilespmem:v12+s22+$0x0] =	vst.idx.msk $0xffff, v4;
	v4 =	vmul.f32 $8.000000000e+00, v6;
	v6 =	vadd.s32 v1, v9  }
0xbb: {  	[tilespmem:v13+s22+$0x0] =	vst.idx.msk $0xffff, v7;
	v10 =	vld [tilespmem:s14+$0xFFFFFF20]  }
0xbc: {  	v7 =	vld [tilespmem:s14+$0xFFFFFF60];
	[tilespmem:v11+s22+$0x0] =	vst.idx.msk $0xffff, v4  }
0xbd: {  	v11 =	vld [tilespmem:s14+$0xFFFFFFA0];
	v4 =	vmul.f32 $8.000000000e+00, v5  }
0xbe: {  	s15 =	simm.s32 $0x4;
	s16 =	simm.s32 $0x7;
	s1 =	simm.s32 $0x85F0;
	v12 =	vadd.s32 v1, v15  }
0xbf: {  	v14 =	vld [tilespmem:s1+$0xFFFFFFD0];
	v13 =	vadd.s32 v1, v17;
	v5 =	vmov s15;
	[tilespmem:v6+s22+$0x0] =	vst.idx.msk $0xffff, v4;
	v6 =	vmov s16  }
0xc0: {  	v16 =	vadd.s32 v1, v8;
	v4 =	vand.u32 $0x7C, v5;
	v5 =	vand.u32 $0x7F, v6;
	v18 =	vld [tilespmem:s14+$0xFFFFFFF0]  }
0xc1: {  	s11 =	simm.s32 $0x5;
	v22 =	vadd.s32 v2, v9;
	v19 =	vld [tilespmem:s1+$0xFFFFFF10];
	v6 =	vmul.f32 $8.000000000e+00, v7;
	v20 =	vadd.s32 v0, v5  }
0xc2: {  	v21 =	vld [tilespmem:s1+$0xFFFFFF50];
	s15 =	simm.s32 $0x6;
	v10 =	vmul.f32 $8.000000000e+00, v10;
	v7 =	vmul.f32 $8.000000000e+00, v11;
	v11 =	vmov s11  }
0xc3: {  	v23 =	vadd.s32 v0, v4;
	[tilespmem:v12+s22+$0x0] =	vst.idx.msk $0xffff, v6;
	v12 =	vmov s15;
	v6 =	vand.u32 $0x7D, v11;
	v11 =	vld [tilespmem:s1+$0xFFFFFF90]  }
0xc4: {  	[tilespmem:v13+s22+$0x0] =	vst.idx.msk $0xffff, v7;
	v13 =	vadd.s32 v0, v6;
	v7 =	vand.u32 $0x7E, v12;
	v12 =	vmul.f32 $8.000000000e+00, v14;
	v14 =	vld [tilespmem:s14+$0xFFFFFF70]  }
0xc5: {  	[tilespmem:v16+s22+$0x0] =	vst.idx.msk $0xffff, v10;
	v10 =	vadd.s32 v0, v7;
	v16 =	vld [tilespmem:s14+$0xFFFFFFB0];
	v18 =	vmul.f32 $8.000000000e+00, v18  }
0xc6: {  	v19 =	vmul.f32 $8.000000000e+00, v19;
	[tilespmem:v20+s22+$0x0] =	vst.idx.msk $0xffff, v12;
	v12 =	vld [tilespmem:s14+$0xFFFFFF30];
	v20 =	vadd.s32 v2, v15  }
0xc7: {  	v25 =	vadd.s32 v2, v17;
	v21 =	vmul.f32 $8.000000000e+00, v21;
	v24 =	vld [tilespmem:s1+$0xFFFFFFE0];
	[tilespmem:v22+s22+$0x0] =	vst.idx.msk $0xffff, v18  }
0xc8: {  	[tilespmem:v23+s22+$0x0] =	vst.idx.msk $0xffff, v19;
	v19 =	vadd.s32 v2, v8;
	v11 =	vmul.f32 $8.000000000e+00, v11;
	v22 =	vld [tilespmem:s14+$0x0]  }
0xc9: {  	v23 =	vld [tilespmem:s1+$0xFFFFFF20];
	[tilespmem:v13+s22+$0x0] =	vst.idx.msk $0xffff, v21;
	v21 =	vadd.s32 v1, v5;
	v14 =	vmul.f32 $8.000000000e+00, v14  }
0xca: {  	v27 =	vadd.s32 v3, v9;
	v26 =	vld [tilespmem:s1+$0xFFFFFF60];
	[tilespmem:v10+s22+$0x0] =	vst.idx.msk $0xffff, v11;
	v10 =	vmul.f32 $8.000000000e+00, v16  }
0xcb: {  	v18 =	vadd.s32 v1, v4;
	v13 =	vld [tilespmem:s1+$0xFFFFFFA0];
	v9 =	vmul.f32 $8.000000000e+00, v12;
	[tilespmem:v20+s22+$0x0] =	vst.idx.msk $0xffff, v14  }
0xcc: {  	s11 =	simm.s32 $0x8;
	v16 =	vadd.s32 v1, v6;
	[tilespmem:v25+s22+$0x0] =	vst.idx.msk $0xffff, v10;
	v14 =	vmul.f32 $8.000000000e+00, v24;
	v12 =	vld [tilespmem:s14+$0xFFFFFF80]  }
0xcd: {  	v20 =	vmov s11;
	v10 =	vadd.s32 v1, v7;
	v11 =	vld [tilespmem:s14+$0xFFFFFFC0];
	[tilespmem:v19+s22+$0x0] =	vst.idx.msk $0xffff, v9;
	v63 =	vmul.f32 $8.000000000e+00, v22  }
0xce: {  	s10 =	simm.s32 $0x86F0;
	s16 =	simm.s32 $0xB;
	v15 =	vadd.s32 v3, v15;
	v9 =	vand.u32 $0x7C, v20;
	v20 =	vmul.f32 $8.000000000e+00, v23;
	[tilespmem:v21+s22+$0x0] =	vst.idx.msk $0xffff, v14;
	v14 =	vld [tilespmem:s14+$0xFFFFFF40]  }
0xcf: {  	v17 =	vadd.s32 v3, v17;
	v22 =	vmov s16;
	v19 =	vld [tilespmem:s10+$0xFFFFFFD0];
	s14 =	simm.s32 $0xC;
	v21 =	vmul.f32 $8.000000000e+00, v26;
	[tilespmem:v27+s22+$0x0] =	vst.idx.msk $0xffff, v63  }
.LBB2_7:
0xd0: {  	p0 =	slt.u32 s14, $0x7C;
	s15 =	sadd.s32 $0x1, s11;
	v22 =	vand.u32 $0x7F, v22;
	[tilespmem:v18+s22+$0x0] =	vst.idx.msk $0xffff, v20;
	v13 =	vmul.f32 $8.000000000e+00, v13;
	v18 =	vld [tilespmem:s1+$0xFFFFFFF0];
	v20 =	vadd.s32 v3, v8;
	v8 =	vmovc v4  }
0xd1: {  	v4 =	vmovc v9;
	v23 =	vld [tilespmem:s10+$0xFFFFFF10];
	v24 =	vmov s15;
	s15 =	sadd.s32 $0x2, s11;
	v25 =	vadd.s32 v0, v22;
	[tilespmem:v16+s22+$0x0] =	vst.idx.msk $0xffff, v21;
	v12 =	vmul.f32 $8.000000000e+00, v12;
	s11 =	smov.u32 s14  }
0xd2: {  	v9 =	vld [tilespmem:s10+$0xFFFFFF50];
	v16 =	vmov s15;
	[tilespmem:v10+s22+$0x0] =	vst.idx.msk $0xffff, v13;
	v10 =	vadd.s32 v2, v5;
	v11 =	vmul.f32 $8.000000000e+00, v11  }
0xd3: {  	v13 =	vadd.s32 v0, v4;
	v21 =	vand.u32 $0x7D, v24;
	v24 =	vld [tilespmem:s10+$0xFFFFFF90];
	v14 =	vmul.f32 $8.000000000e+00, v14;
	[tilespmem:v15+s22+$0x0] =	vst.idx.msk $0xffff, v12  }
0xd4: {  	v12 =	vadd.s32 v0, v21;
	v26 =	vand.u32 $0x7E, v16;
	v15 =	vmul.f32 $8.000000000e+00, v19;
	v16 =	vld [tilespmem:s1+$0xFFFFFF70];
	[tilespmem:v17+s22+$0x0] =	vst.idx.msk $0xffff, v11  }
0xd5: {  	v11 =	vadd.s32 v0, v26;
	v17 =	vld [tilespmem:s1+$0xFFFFFFB0];
	v18 =	vmul.f32 $8.000000000e+00, v18;
	[tilespmem:v20+s22+$0x0] =	vst.idx.msk $0xffff, v14  }
0xd6: {  	v19 =	vadd.s32 v2, v6;
	v14 =	vmul.f32 $8.000000000e+00, v23;
	[tilespmem:v25+s22+$0x0] =	vst.idx.msk $0xffff, v15;
	v15 =	vld [tilespmem:s1+$0xFFFFFF30]  }
0xd7: {  	v23 =	vadd.s32 v2, v7;
	v9 =	vmul.f32 $8.000000000e+00, v9;
	v20 =	vld [tilespmem:s10+$0xFFFFFFE0];
	[tilespmem:v10+s22+$0x0] =	vst.idx.msk $0xffff, v18  }
0xd8: {  	[tilespmem:v13+s22+$0x0] =	vst.idx.msk $0xffff, v14;
	v10 =	vmul.f32 $8.000000000e+00, v24;
	v14 =	vadd.s32 v2, v8;
	v24 =	vld [tilespmem:s1+$0x0]  }
0xd9: {  	v27 =	vadd.s32 v1, v22;
	v25 =	vld [tilespmem:s10+$0xFFFFFF20];
	[tilespmem:v12+s22+$0x0] =	vst.idx.msk $0xffff, v9;
	v9 =	vmul.f32 $8.000000000e+00, v16  }
0xda: {  	v29 =	vadd.s32 v3, v5;
	v5 =	vmov v22;
	v28 =	vld [tilespmem:s10+$0xFFFFFF60];
	[tilespmem:v11+s22+$0x0] =	vst.idx.msk $0xffff, v10;
	v10 =	vmul.f32 $8.000000000e+00, v17  }
.Ltmp4:
0xdb: {  	v18 =	vadd.s32 v1, v4;
	v13 =	vld [tilespmem:s10+$0xFFFFFFA0];
	v11 =	vmul.f32 $8.000000000e+00, v15;
	[tilespmem:v19+s22+$0x0] =	vst.idx.msk $0xffff, v9;
	(pc) =	sbr.rel @p0 .LBB2_7-.Ltmp4, $4  }
0xdc: {  	v16 =	vadd.s32 v1, v21;
	v15 =	vmul.f32 $8.000000000e+00, v20;
	v12 =	vld [tilespmem:s1+$0xFFFFFF80];
	[tilespmem:v23+s22+$0x0] =	vst.idx.msk $0xffff, v10  }
0xdd: {  	v9 =	vmov s14;
	v10 =	vadd.s32 v1, v26;
	[tilespmem:v14+s22+$0x0] =	vst.idx.msk $0xffff, v11;
	v11 =	vld [tilespmem:s1+$0xFFFFFFC0];
	v23 =	vmul.f32 $8.000000000e+00, v24  }
0xde: {  	s15 =	sadd.s32 $0x3, s14;
	v9 =	vand.u32 $0x7C, v9;
	v20 =	vmul.f32 $8.000000000e+00, v25;
	[tilespmem:v27+s22+$0x0] =	vst.idx.msk $0xffff, v15;
	v14 =	vld [tilespmem:s1+$0xFFFFFF40];
	v15 =	vadd.s32 v3, v6;
	v6 =	vmovc v21;
	s1 =	smov.u32 s10;
	s10 =	sadd.s32 $0x100, s10  }
0xdf: {  	v22 =	vmov s15;
	v17 =	vadd.s32 v3, v7;
	v7 =	vmovc v26;
	s14 =	sadd.s32 $0x4, s14;
	v19 =	vld [tilespmem:s10+$0xFFFFFFD0];
	v21 =	vmul.f32 $8.000000000e+00, v28;
	[tilespmem:v29+s22+$0x0] =	vst.idx.msk $0xffff, v23  }
0xe0: {  	s14 =	sadd.s32 $0x1, s11;
	v22 =	vand.u32 $0x7F, v22;
	v28 =	vld [tilespmem:s10+$0xFFFFFF10]  }
0xe1: {  	s15 =	sadd.s32 $0x2, s11;
	v24 =	vld [tilespmem:s10+$0xFFFFFF50];
	v23 =	vmov s14;
	v25 =	vadd.s32 v0, v22  }
0xe2: {  	v27 =	vld [tilespmem:s10+$0xFFFFFF90];
	v51 =	vadd.s32 v0, v9;
	v26 =	vmov s15;
	v23 =	vand.u32 $0x7D, v23  }
0xe3: {  	v26 =	vand.u32 $0x7E, v26;
	v29 =	vadd.s32 v0, v23  }
0xe4: {  	[tilespmem:v18+s22+$0x0] =	vst.idx.msk $0xffff, v20;
	v30 =	vadd.s32 v0, v26;
	v19 =	vmul.f32 $8.000000000e+00, v19  }
0xe5: {  	[tilespmem:v16+s22+$0x0] =	vst.idx.msk $0xffff, v21;
	v54 =	vmul.f32 $8.000000000e+00, v28  }
0xe6: {  	v52 =	vmul.f32 $8.000000000e+00, v24;
	[tilespmem:v25+s22+$0x0] =	vst.idx.msk $0xffff, v19  }
0xe7: {  	v53 =	vmul.f32 $8.000000000e+00, v27;
	v55 =	vld [tilespmem:s10+$0xFFFFFFE0];
	[tilespmem:v51+s22+$0x0] =	vst.idx.msk $0xffff, v54  }
0xe8: {  	v13 =	vmul.f32 $8.000000000e+00, v13;
	v8 =	vadd.s32 v3, v8;
	[tilespmem:v29+s22+$0x0] =	vst.idx.msk $0xffff, v52;
	v59 =	vld [tilespmem:s10+$0xFFFFFF20]  }
0xe9: {  	v12 =	vmul.f32 $8.000000000e+00, v12;
	v57 =	vadd.s32 v1, v22;
	[tilespmem:v30+s22+$0x0] =	vst.idx.msk $0xffff, v53;
	v56 =	vld [tilespmem:s10+$0xFFFFFF60]  }
0xea: {  	[tilespmem:v10+s22+$0x0] =	vst.idx.msk $0xffff, v13;
	v58 =	vmul.f32 $8.000000000e+00, v11;
	v28 =	vadd.s32 v1, v9;
	v19 =	vld [tilespmem:s10+$0xFFFFFFA0]  }
0xeb: {  	v61 =	vld [tilespmem:s1+$0xFFFFFFF0];
	v60 =	vadd.s32 v1, v23;
	v14 =	vmul.f32 $8.000000000e+00, v14;
	[tilespmem:v15+s22+$0x0] =	vst.idx.msk $0xffff, v12  }
0xec: {  	v32 =	vld [tilespmem:s1+$0xFFFFFF30];
	v62 =	vadd.s32 v1, v26;
	[tilespmem:v17+s22+$0x0] =	vst.idx.msk $0xffff, v58;
	v16 =	vmul.f32 $8.000000000e+00, v55  }
0xed: {  	[tilespmem:v8+s22+$0x0] =	vst.idx.msk $0xffff, v14;
	v29 =	vadd.s32 v2, v5;
	v30 =	vld [tilespmem:s1+$0xFFFFFFB0];
	v11 =	vmul.f32 $8.000000000e+00, v59  }
0xee: {  	v38 =	vadd.s32 v2, v4;
	v63 =	vld [tilespmem:s1+$0xFFFFFF70];
	v31 =	vmul.f32 $8.000000000e+00, v56;
	[tilespmem:v57+s22+$0x0] =	vst.idx.msk $0xffff, v16  }
0xef: {  	v35 =	vadd.s32 v2, v7;
	v34 =	vmul.f32 $8.000000000e+00, v19;
	v36 =	vld [tilespmem:s10+$0xFFFFFFF0];
	[tilespmem:v28+s22+$0x0] =	vst.idx.msk $0xffff, v11  }
0xf0: {  	v33 =	vadd.s32 v2, v6;
	v37 =	vmul.f32 $8.000000000e+00, v61;
	[tilespmem:v60+s22+$0x0] =	vst.idx.msk $0xffff, v31;
	v43 =	vld [tilespmem:s10+$0xFFFFFF30]  }
0xf1: {  	v40 =	vadd.s32 v2, v22;
	v14 =	vmul.f32 $8.000000000e+00, v32;
	[tilespmem:v62+s22+$0x0] =	vst.idx.msk $0xffff, v34;
	v39 =	vld [tilespmem:s10+$0xFFFFFF70]  }
0xf2: {  	v48 =	vadd.s32 v2, v9;
	[tilespmem:v29+s22+$0x0] =	vst.idx.msk $0xffff, v37;
	v42 =	vmul.f32 $8.000000000e+00, v30;
	v41 =	vld [tilespmem:s10+$0xFFFFFFB0]  }
0xf3: {  	v44 =	vadd.s32 v2, v23;
	v15 =	vmul.f32 $8.000000000e+00, v63;
	[tilespmem:v38+s22+$0x0] =	vst.idx.msk $0xffff, v14;
	v45 =	vld [tilespmem:s1+$0x0]  }
0xf4: {  	v46 =	vadd.s32 v2, v26;
	v14 =	vld [tilespmem:s1+$0xFFFFFF40];
	[tilespmem:v35+s22+$0x0] =	vst.idx.msk $0xffff, v42;
	v47 =	vmul.f32 $8.000000000e+00, v36  }
0xf5: {  	v5 =	vadd.s32 v3, v5;
	[tilespmem:v33+s22+$0x0] =	vst.idx.msk $0xffff, v15;
	v49 =	vld [tilespmem:s1+$0xFFFFFFC0];
	v53 =	vmul.f32 $8.000000000e+00, v43  }
0xf6: {  	v4 =	vadd.s32 v3, v4;
	v21 =	vld [tilespmem:s1+$0xFFFFFF80];
	v12 =	vmul.f32 $8.000000000e+00, v39;
	[tilespmem:v40+s22+$0x0] =	vst.idx.msk $0xffff, v47  }
0xf7: {  	v52 =	vadd.s32 v3, v7;
	v51 =	vmul.f32 $8.000000000e+00, v41;
	v10 =	vld [tilespmem:s10+$0x0];
	[tilespmem:v48+s22+$0x0] =	vst.idx.msk $0xffff, v53  }
0xf8: {  	v50 =	vadd.s32 v3, v6;
	v54 =	vmul.f32 $8.000000000e+00, v45;
	[tilespmem:v44+s22+$0x0] =	vst.idx.msk $0xffff, v12;
	v59 =	vld [tilespmem:s10+$0xFFFFFF40]  }
0xf9: {  	v57 =	vadd.s32 v3, v22;
	v14 =	vmul.f32 $8.000000000e+00, v14;
	[tilespmem:v46+s22+$0x0] =	vst.idx.msk $0xffff, v51;
	v55 =	vld [tilespmem:s10+$0xFFFFFF80]  }
0xfa: {  	v62 =	vadd.s32 v3, v9;
	[tilespmem:v5+s22+$0x0] =	vst.idx.msk $0xffff, v54;
	v5 =	vmul.f32 $8.000000000e+00, v49;
	v58 =	vld [tilespmem:s10+$0xFFFFFFC0]  }
0xfb: {  	v56 =	vmul.f32 $8.000000000e+00, v21;
	v60 =	vadd.s32 v3, v23;
	[tilespmem:v4+s22+$0x0] =	vst.idx.msk $0xffff, v14  }
0xfc: {  	v61 =	vadd.s32 v3, v26;
	[tilespmem:v52+s22+$0x0] =	vst.idx.msk $0xffff, v5;
	v5 =	vmul.f32 $8.000000000e+00, v10  }
0xfd: {  	[tilespmem:v50+s22+$0x0] =	vst.idx.msk $0xffff, v56;
	v63 =	vmul.f32 $8.000000000e+00, v59  }
0xfe: {  	v4 =	vmul.f32 $8.000000000e+00, v55;
	[tilespmem:v57+s22+$0x0] =	vst.idx.msk $0xffff, v5  }
0xff: {  	v5 =	vmul.f32 $8.000000000e+00, v58;
	[tilespmem:v62+s22+$0x0] =	vst.idx.msk $0xffff, v63  }
0x100: {  	[tilespmem:v60+s22+$0x0] =	vst.idx.msk $0xffff, v4  }
0x101: {  	s16 =	simm.s32 $0x10600;
	s10 =	sadd.s32 s0, s7;
	[tilespmem:v61+s22+$0x0] =	vst.idx.msk $0xffff, v5  }
0x102: {  	[hbm4b:s10+s3] =	stream.linear.scatter [tilespmem:s16], [sflag:$0x6], $0x80, $0x38;
	[tilespmem:$0x12800] =	vst v63  }
0x103: {  	s11 =	simm.s32 $0x10688;
	s14 =	sadd.s32 $0x10, s10  }
0x104: {  	[hbm4b:s14+s3] =	stream.linear.scatter [tilespmem:s11], [sflag:$0x6], $0x80, $0x38;
	[tilespmem:$0x12800] =	vst v63  }
0x105: {  	s15 =	simm.s32 $0x10710;
	s16 =	sadd.s32 $0x20, s10  }
0x106: {  	[hbm4b:s16+s3] =	stream.linear.scatter [tilespmem:s15], [sflag:$0x6], $0x80, $0x38;
	[tilespmem:$0x12800] =	vst v63  }
0x107: {  	s11 =	simm.s32 $0x10798;
	s14 =	sadd.s32 $0x30, s10  }
0x108: {  	[hbm4b:s14+s3] =	stream.linear.scatter [tilespmem:s11], [sflag:$0x6], $0x80, $0x38;
	[tilespmem:$0x12800] =	vst v63  }
0x109: {  	s15 =	simm.s32 $0x10820;
	s16 =	sadd.s32 $0x40, s10  }
0x10a: {  	[hbm4b:s16+s3] =	stream.linear.scatter [tilespmem:s15], [sflag:$0x6], $0x80, $0x38;
	[tilespmem:$0x12800] =	vst v63  }
0x10b: {  	s1 =	simm.s32 $0x440;
	s11 =	simm.s32 $0x108A8;
	s14 =	sadd.s32 $0x50, s10  }
0x10c: {  	[hbm4b:s14+s3] =	stream.linear.scatter [tilespmem:s11], [sflag:$0x6], $0x80, $0x38;
	[tilespmem:$0x12800] =	vst v63  }
0x10d: {  	s15 =	simm.s32 $0x10930;
	s16 =	sadd.s32 $0x60, s10;
	s11 =	simm.s32 $0x2200  }
0x10e: {  	[hbm4b:s16+s3] =	stream.linear.scatter [tilespmem:s15], [sflag:$0x6], $0x80, $0x38;
	[tilespmem:$0x12800] =	vst v63  }
0x10f: {  	s14 =	simm.s32 $0x109B8;
	s15 =	sadd.s32 $0x70, s10;
	s10 =	sadd.s32 $0x1000, s10  }
.LBB2_9:
0x110: {  	[hbm4b:s15+s3] =	stream.linear.scatter [tilespmem:s14], [sflag:$0x6], $0x80, $0x38;
	[tilespmem:$0x12800] =	vst v63  }
0x111: {  	s14 =	smov.u32 s1;
	s1 =	smov.u32 s11  }
0x112: {  	s16 =	sadd.s32 $0x1100, s11;
	s1 =	sshra.s32 s1, $0x2;
	s15 =	sadd.s32 $0x10600, s14  }
0x113: {  	[hbm4b:s10+s3] =	stream.linear.scatter [tilespmem:s15], [sflag:$0x6], $0x80, $0x38;
	[tilespmem:$0x12800] =	vst v63  }
0x114: {  	p0 =	sne.s32 s11, $0x7700;
	s11 =	sadd.s32 $0x10688, s14;
	s15 =	sadd.s32 $0x10, s10  }
0x115: {  	[hbm4b:s15+s3] =	stream.linear.scatter [tilespmem:s11], [sflag:$0x6], $0x80, $0x38;
	[tilespmem:$0x12800] =	vst v63  }
0x116: {  	s11 =	sadd.s32 $0x10710, s14;
	s15 =	sadd.s32 $0x20, s10  }
0x117: {  	[hbm4b:s15+s3] =	stream.linear.scatter [tilespmem:s11], [sflag:$0x6], $0x80, $0x38;
	[tilespmem:$0x12800] =	vst v63  }
0x118: {  	s11 =	sadd.s32 $0x10798, s14;
	s15 =	sadd.s32 $0x30, s10  }
0x119: {  	[hbm4b:s15+s3] =	stream.linear.scatter [tilespmem:s11], [sflag:$0x6], $0x80, $0x38;
	[tilespmem:$0x12800] =	vst v63  }
0x11a: {  	s11 =	sadd.s32 $0x10820, s14;
	s15 =	sadd.s32 $0x40, s10  }
0x11b: {  	[hbm4b:s15+s3] =	stream.linear.scatter [tilespmem:s11], [sflag:$0x6], $0x80, $0x38;
	[tilespmem:$0x12800] =	vst v63  }
.Ltmp5:
0x11c: {  	s11 =	sadd.s32 $0x108A8, s14;
	s15 =	sadd.s32 $0x50, s10;
	(pc) =	sbr.rel @p0 .LBB2_9-.Ltmp5, $4  }
0x11d: {  	[hbm4b:s15+s3] =	stream.linear.scatter [tilespmem:s11], [sflag:$0x6], $0x80, $0x38;
	[tilespmem:$0x12800] =	vst v63  }
0x11e: {  	s11 =	sadd.s32 $0x10930, s14;
	s15 =	sadd.s32 $0x60, s10;
	s14 =	sadd.s32 $0x109B8, s14  }
0x11f: {  	[hbm4b:s15+s3] =	stream.linear.scatter [tilespmem:s11], [sflag:$0x6], $0x80, $0x38;
	[tilespmem:$0x12800] =	vst v63  }
0x120: {  	s15 =	sadd.s32 $0x70, s10;
	s10 =	sadd.s32 $0x1000, s10;
	s11 =	smov.u32 s16  }
0x121: {  	[hbm4b:s15+s3] =	stream.linear.scatter [tilespmem:s14], [sflag:$0x6], $0x80, $0x38;
	[tilespmem:$0x12800] =	vst v63  }
0x122: {  	s11 =	sadd.s32 $0x10600, s1  }
0x123: {  	[hbm4b:s10+s3] =	stream.linear.scatter [tilespmem:s11], [sflag:$0x6], $0x80, $0x38;
	[tilespmem:$0x12800] =	vst v63  }
0x124: {  	s15 =	sadd.s32 $0x10688, s1;
	s16 =	sadd.s32 $0x10, s10  }
0x125: {  	[hbm4b:s16+s3] =	stream.linear.scatter [tilespmem:s15], [sflag:$0x6], $0x80, $0x38;
	[tilespmem:$0x12800] =	vst v63  }
0x126: {  	s15 =	sadd.s32 $0x10710, s1;
	s16 =	sadd.s32 $0x20, s10  }
0x127: {  	[hbm4b:s16+s3] =	stream.linear.scatter [tilespmem:s15], [sflag:$0x6], $0x80, $0x38;
	[tilespmem:$0x12800] =	vst v63  }
0x128: {  	s15 =	sadd.s32 $0x10798, s1;
	s16 =	sadd.s32 $0x30, s10  }
0x129: {  	[hbm4b:s16+s3] =	stream.linear.scatter [tilespmem:s15], [sflag:$0x6], $0x80, $0x38;
	[tilespmem:$0x12800] =	vst v63  }
0x12a: {  	s14 =	sadd.s32 $0x109B8, s1;
	s15 =	sadd.s32 $0x10820, s1;
	s16 =	sadd.s32 $0x40, s10  }
0x12b: {  	[hbm4b:s16+s3] =	stream.linear.scatter [tilespmem:s15], [sflag:$0x6], $0x80, $0x38;
	[tilespmem:$0x12800] =	vst v63  }
0x12c: {  	p0 =	seq.s32 s29, $0x31;
	s15 =	sadd.s32 $0x108A8, s1;
	s16 =	sadd.s32 $0x50, s10  }
0x12d: {  	[hbm4b:s16+s3] =	stream.linear.scatter [tilespmem:s15], [sflag:$0x6], $0x80, $0x38;
	[tilespmem:$0x12800] =	vst v63  }
0x12e: {  	s15 =	sadd.s32 $0x10930, s1;
	s16 =	sadd.s32 $0x60, s10;
	s1 =	sshll.u32 @!p0 s30, $0x7  }
0x12f: {  	[hbm4b:s16+s3] =	stream.linear.scatter [tilespmem:s15], [sflag:$0x6], $0x80, $0x38;
	[tilespmem:$0x12800] =	vst v63  }
0x130: {  	s15 =	sadd.s32 $0x70, s10;
	s10 =	sadd.s32 @!p0 $0x200, s1  }
0x131: {  	[hbm4b:s15+s3] =	stream.linear.scatter [tilespmem:s14], [sflag:$0x6], $0x80, $0x38;
	[tilespmem:$0x12800] =	vst v63  }
0x132: {  	s11 =	simm.s32 @!p0 $0x80;
	s10 =	sand.u32 @!p0 $0xFE00, s10;
	s14 =	simm.s32 @!p0 $0x6400  }
0x133: {  	[tilespmem:s14], [sflag:$0x1] =	stream.indirect.gather @!p0 [hbm4b:s5+s11], $0x40, s10, s11, $0xb8;
	[tilespmem:$0x12800] =	vst v63  }
0x134: {  	_ =	swait.ge [sflag:s23], $0x2000  }
0x135: {  	[sflag:s23] =	ssyncset.done $0x0  }
0x136: {  	[sflag:s23] =	ssyncadd.s32 $0xFFFFE000  }
0x137: {  	_ =	swait.ge [sflag:s24], $0x2000  }
0x138: {  	[sflag:s24] =	ssyncset.done $0x0  }
0x139: {  	s16 =	simm.s32 $0x3;
	s15 =	simm.s32 $0xA4F0;
	[sflag:s24] =	ssyncadd.s32 $0xFFFFE000  }
0x13a: {  	v4 =	vmov s16;
	v5 =	vld [tilespmem:s15+$0xFFFFFFD0]  }
0x13b: {  	v9 =	vand.u32 $0x7F, v4  }
0x13c: {  	v4 =	vadd.s32 v0, v9;
	s11 =	simm.s32 $0x0  }
0x13d: {  	s16 =	simm.s32 $0x2;
	s14 =	simm.s32 $0x1;
	v6 =	vmov s11;
	v7 =	vld [tilespmem:s15+$0xFFFFFF10]  }
0x13e: {  	v11 =	vmov s16;
	v8 =	vand.u32 $0x7C, v6;
	v6 =	vmov s14;
	v10 =	vld [tilespmem:s15+$0xFFFFFF50]  }
0x13f: {  	v12 =	vadd.s32 v0, v8;
	v15 =	vand.u32 $0x7D, v6;
	v6 =	vld [tilespmem:s15+$0xFFFFFF90];
	v5 =	vmul.f32 $8.000000000e+00, v5  }
0x140: {  	v17 =	vand.u32 $0x7E, v11;
	v13 =	vadd.s32 v0, v15  }
0x141: {  	v11 =	vadd.s32 v0, v17;
	[tilespmem:v4+s19+$0x0] =	vst.idx.msk $0xffff, v5  }
0x142: {  	v4 =	vmul.f32 $8.000000000e+00, v7;
	v5 =	vld [tilespmem:s15+$0xFFFFFFE0]  }
0x143: {  	v7 =	vmul.f32 $8.000000000e+00, v10  }
0x144: {  	[tilespmem:v12+s19+$0x0] =	vst.idx.msk $0xffff, v4;
	v4 =	vmul.f32 $8.000000000e+00, v6;
	v6 =	vadd.s32 v1, v9  }
0x145: {  	[tilespmem:v13+s19+$0x0] =	vst.idx.msk $0xffff, v7;
	v10 =	vld [tilespmem:s15+$0xFFFFFF20]  }
0x146: {  	v7 =	vld [tilespmem:s15+$0xFFFFFF60];
	[tilespmem:v11+s19+$0x0] =	vst.idx.msk $0xffff, v4  }
0x147: {  	v11 =	vld [tilespmem:s15+$0xFFFFFFA0];
	v4 =	vmul.f32 $8.000000000e+00, v5  }
0x148: {  	s16 =	simm.s32 $0x7;
	s10 =	simm.s32 $0xA5F0;
	s14 =	simm.s32 $0x4;
	v12 =	vadd.s32 v1, v15  }
0x149: {  	v14 =	vld [tilespmem:s10+$0xFFFFFFD0];
	v13 =	vadd.s32 v1, v17;
	v5 =	vmov s14;
	[tilespmem:v6+s19+$0x0] =	vst.idx.msk $0xffff, v4;
	v6 =	vmov s16  }
0x14a: {  	v16 =	vadd.s32 v1, v8;
	v4 =	vand.u32 $0x7C, v5;
	v5 =	vand.u32 $0x7F, v6;
	v18 =	vld [tilespmem:s15+$0xFFFFFFF0]  }
0x14b: {  	v22 =	vadd.s32 v2, v9;
	v19 =	vld [tilespmem:s10+$0xFFFFFF10];
	s14 =	simm.s32 $0x5;
	v6 =	vmul.f32 $8.000000000e+00, v7;
	v20 =	vadd.s32 v0, v5  }
0x14c: {  	v21 =	vld [tilespmem:s10+$0xFFFFFF50];
	v10 =	vmul.f32 $8.000000000e+00, v10;
	s16 =	simm.s32 $0x6;
	v7 =	vmul.f32 $8.000000000e+00, v11;
	v11 =	vmov s14  }
0x14d: {  	v23 =	vadd.s32 v0, v4;
	[tilespmem:v12+s19+$0x0] =	vst.idx.msk $0xffff, v6;
	v12 =	vmov s16;
	v6 =	vand.u32 $0x7D, v11;
	v11 =	vld [tilespmem:s10+$0xFFFFFF90]  }
0x14e: {  	[tilespmem:v13+s19+$0x0] =	vst.idx.msk $0xffff, v7;
	v13 =	vadd.s32 v0, v6;
	v7 =	vand.u32 $0x7E, v12;
	v12 =	vmul.f32 $8.000000000e+00, v14;
	v14 =	vld [tilespmem:s15+$0xFFFFFF70]  }
0x14f: {  	[tilespmem:v16+s19+$0x0] =	vst.idx.msk $0xffff, v10;
	v10 =	vadd.s32 v0, v7;
	v16 =	vld [tilespmem:s15+$0xFFFFFFB0];
	v18 =	vmul.f32 $8.000000000e+00, v18  }
0x150: {  	v19 =	vmul.f32 $8.000000000e+00, v19;
	[tilespmem:v20+s19+$0x0] =	vst.idx.msk $0xffff, v12;
	v12 =	vld [tilespmem:s15+$0xFFFFFF30];
	v20 =	vadd.s32 v2, v15  }
0x151: {  	v25 =	vadd.s32 v2, v17;
	v21 =	vmul.f32 $8.000000000e+00, v21;
	v24 =	vld [tilespmem:s10+$0xFFFFFFE0];
	[tilespmem:v22+s19+$0x0] =	vst.idx.msk $0xffff, v18  }
0x152: {  	[tilespmem:v23+s19+$0x0] =	vst.idx.msk $0xffff, v19;
	v19 =	vadd.s32 v2, v8;
	v11 =	vmul.f32 $8.000000000e+00, v11;
	v22 =	vld [tilespmem:s15+$0x0]  }
0x153: {  	v23 =	vld [tilespmem:s10+$0xFFFFFF20];
	[tilespmem:v13+s19+$0x0] =	vst.idx.msk $0xffff, v21;
	v21 =	vadd.s32 v1, v5;
	v14 =	vmul.f32 $8.000000000e+00, v14  }
0x154: {  	v27 =	vadd.s32 v3, v9;
	v26 =	vld [tilespmem:s10+$0xFFFFFF60];
	[tilespmem:v10+s19+$0x0] =	vst.idx.msk $0xffff, v11;
	v10 =	vmul.f32 $8.000000000e+00, v16  }
0x155: {  	v18 =	vadd.s32 v1, v4;
	v13 =	vld [tilespmem:s10+$0xFFFFFFA0];
	v9 =	vmul.f32 $8.000000000e+00, v12;
	[tilespmem:v20+s19+$0x0] =	vst.idx.msk $0xffff, v14  }
0x156: {  	s14 =	simm.s32 $0x8;
	v16 =	vadd.s32 v1, v6;
	[tilespmem:v25+s19+$0x0] =	vst.idx.msk $0xffff, v10;
	v14 =	vmul.f32 $8.000000000e+00, v24;
	v12 =	vld [tilespmem:s15+$0xFFFFFF80]  }
0x157: {  	v20 =	vmov s14;
	v10 =	vadd.s32 v1, v7;
	v11 =	vld [tilespmem:s15+$0xFFFFFFC0];
	[tilespmem:v19+s19+$0x0] =	vst.idx.msk $0xffff, v9;
	v63 =	vmul.f32 $8.000000000e+00, v22  }
0x158: {  	s11 =	simm.s32 $0xA6F0;
	s16 =	simm.s32 $0xB;
	v15 =	vadd.s32 v3, v15;
	v9 =	vand.u32 $0x7C, v20;
	v20 =	vmul.f32 $8.000000000e+00, v23;
	[tilespmem:v21+s19+$0x0] =	vst.idx.msk $0xffff, v14;
	v14 =	vld [tilespmem:s15+$0xFFFFFF40]  }
0x159: {  	v17 =	vadd.s32 v3, v17;
	v22 =	vmov s16;
	v19 =	vld [tilespmem:s11+$0xFFFFFFD0];
	s15 =	simm.s32 $0xC;
	v21 =	vmul.f32 $8.000000000e+00, v26;
	[tilespmem:v27+s19+$0x0] =	vst.idx.msk $0xffff, v63  }
.LBB2_11:
0x15a: {  	p1 =	slt.u32 s15, $0x7C;
	s16 =	sadd.s32 $0x1, s14;
	v22 =	vand.u32 $0x7F, v22;
	[tilespmem:v18+s19+$0x0] =	vst.idx.msk $0xffff, v20;
	v13 =	vmul.f32 $8.000000000e+00, v13;
	v18 =	vld [tilespmem:s10+$0xFFFFFFF0];
	v20 =	vadd.s32 v3, v8;
	v8 =	vmovc v4  }
0x15b: {  	v4 =	vmovc v9;
	v23 =	vld [tilespmem:s11+$0xFFFFFF10];
	v24 =	vmov s16;
	s16 =	sadd.s32 $0x2, s14;
	v25 =	vadd.s32 v0, v22;
	[tilespmem:v16+s19+$0x0] =	vst.idx.msk $0xffff, v21;
	v12 =	vmul.f32 $8.000000000e+00, v12;
	s14 =	smov.u32 s15  }
0x15c: {  	v9 =	vld [tilespmem:s11+$0xFFFFFF50];
	v16 =	vmov s16;
	[tilespmem:v10+s19+$0x0] =	vst.idx.msk $0xffff, v13;
	v10 =	vadd.s32 v2, v5;
	v11 =	vmul.f32 $8.000000000e+00, v11  }
0x15d: {  	v13 =	vadd.s32 v0, v4;
	v21 =	vand.u32 $0x7D, v24;
	v24 =	vld [tilespmem:s11+$0xFFFFFF90];
	v14 =	vmul.f32 $8.000000000e+00, v14;
	[tilespmem:v15+s19+$0x0] =	vst.idx.msk $0xffff, v12  }
0x15e: {  	v12 =	vadd.s32 v0, v21;
	v26 =	vand.u32 $0x7E, v16;
	v15 =	vmul.f32 $8.000000000e+00, v19;
	v16 =	vld [tilespmem:s10+$0xFFFFFF70];
	[tilespmem:v17+s19+$0x0] =	vst.idx.msk $0xffff, v11  }
0x15f: {  	v11 =	vadd.s32 v0, v26;
	v17 =	vld [tilespmem:s10+$0xFFFFFFB0];
	v18 =	vmul.f32 $8.000000000e+00, v18;
	[tilespmem:v20+s19+$0x0] =	vst.idx.msk $0xffff, v14  }
0x160: {  	v19 =	vadd.s32 v2, v6;
	v14 =	vmul.f32 $8.000000000e+00, v23;
	[tilespmem:v25+s19+$0x0] =	vst.idx.msk $0xffff, v15;
	v15 =	vld [tilespmem:s10+$0xFFFFFF30]  }
0x161: {  	v23 =	vadd.s32 v2, v7;
	v9 =	vmul.f32 $8.000000000e+00, v9;
	v20 =	vld [tilespmem:s11+$0xFFFFFFE0];
	[tilespmem:v10+s19+$0x0] =	vst.idx.msk $0xffff, v18  }
0x162: {  	[tilespmem:v13+s19+$0x0] =	vst.idx.msk $0xffff, v14;
	v10 =	vmul.f32 $8.000000000e+00, v24;
	v14 =	vadd.s32 v2, v8;
	v24 =	vld [tilespmem:s10+$0x0]  }
0x163: {  	v27 =	vadd.s32 v1, v22;
	v25 =	vld [tilespmem:s11+$0xFFFFFF20];
	[tilespmem:v12+s19+$0x0] =	vst.idx.msk $0xffff, v9;
	v9 =	vmul.f32 $8.000000000e+00, v16  }
0x164: {  	v29 =	vadd.s32 v3, v5;
	v5 =	vmov v22;
	v28 =	vld [tilespmem:s11+$0xFFFFFF60];
	[tilespmem:v11+s19+$0x0] =	vst.idx.msk $0xffff, v10;
	v10 =	vmul.f32 $8.000000000e+00, v17  }
.Ltmp6:
0x165: {  	v18 =	vadd.s32 v1, v4;
	v13 =	vld [tilespmem:s11+$0xFFFFFFA0];
	v11 =	vmul.f32 $8.000000000e+00, v15;
	[tilespmem:v19+s19+$0x0] =	vst.idx.msk $0xffff, v9;
	(pc) =	sbr.rel @p1 .LBB2_11-.Ltmp6, $4  }
0x166: {  	v16 =	vadd.s32 v1, v21;
	v15 =	vmul.f32 $8.000000000e+00, v20;
	v12 =	vld [tilespmem:s10+$0xFFFFFF80];
	[tilespmem:v23+s19+$0x0] =	vst.idx.msk $0xffff, v10  }
0x167: {  	v9 =	vmov s15;
	v10 =	vadd.s32 v1, v26;
	[tilespmem:v14+s19+$0x0] =	vst.idx.msk $0xffff, v11;
	v11 =	vld [tilespmem:s10+$0xFFFFFFC0];
	v23 =	vmul.f32 $8.000000000e+00, v24  }
0x168: {  	s16 =	sadd.s32 $0x3, s15;
	v9 =	vand.u32 $0x7C, v9;
	v20 =	vmul.f32 $8.000000000e+00, v25;
	[tilespmem:v27+s19+$0x0] =	vst.idx.msk $0xffff, v15;
	v14 =	vld [tilespmem:s10+$0xFFFFFF40];
	v15 =	vadd.s32 v3, v6;
	v6 =	vmovc v21;
	s10 =	smov.u32 s11;
	s11 =	sadd.s32 $0x100, s11  }
0x169: {  	v22 =	vmov s16;
	v17 =	vadd.s32 v3, v7;
	v7 =	vmovc v26;
	s15 =	sadd.s32 $0x4, s15;
	v19 =	vld [tilespmem:s11+$0xFFFFFFD0];
	v21 =	vmul.f32 $8.000000000e+00, v28;
	[tilespmem:v29+s19+$0x0] =	vst.idx.msk $0xffff, v23  }
0x16a: {  	s15 =	sadd.s32 $0x1, s14;
	v22 =	vand.u32 $0x7F, v22;
	v28 =	vld [tilespmem:s11+$0xFFFFFF10]  }
0x16b: {  	v24 =	vld [tilespmem:s11+$0xFFFFFF50];
	v23 =	vmov s15;
	s15 =	sadd.s32 $0x2, s14;
	v25 =	vadd.s32 v0, v22  }
0x16c: {  	v27 =	vld [tilespmem:s11+$0xFFFFFF90];
	v51 =	vadd.s32 v0, v9;
	v26 =	vmov s15;
	v23 =	vand.u32 $0x7D, v23  }
0x16d: {  	v29 =	vadd.s32 v0, v23;
	v26 =	vand.u32 $0x7E, v26  }
0x16e: {  	[tilespmem:v18+s19+$0x0] =	vst.idx.msk $0xffff, v20;
	v30 =	vadd.s32 v0, v26;
	v19 =	vmul.f32 $8.000000000e+00, v19  }
0x16f: {  	[tilespmem:v16+s19+$0x0] =	vst.idx.msk $0xffff, v21;
	v54 =	vmul.f32 $8.000000000e+00, v28  }
0x170: {  	v52 =	vmul.f32 $8.000000000e+00, v24;
	[tilespmem:v25+s19+$0x0] =	vst.idx.msk $0xffff, v19  }
0x171: {  	v53 =	vmul.f32 $8.000000000e+00, v27;
	v55 =	vld [tilespmem:s11+$0xFFFFFFE0];
	[tilespmem:v51+s19+$0x0] =	vst.idx.msk $0xffff, v54  }
0x172: {  	v13 =	vmul.f32 $8.000000000e+00, v13;
	v8 =	vadd.s32 v3, v8;
	[tilespmem:v29+s19+$0x0] =	vst.idx.msk $0xffff, v52;
	v59 =	vld [tilespmem:s11+$0xFFFFFF20]  }
0x173: {  	v12 =	vmul.f32 $8.000000000e+00, v12;
	v57 =	vadd.s32 v1, v22;
	v56 =	vld [tilespmem:s11+$0xFFFFFF60];
	[tilespmem:v30+s19+$0x0] =	vst.idx.msk $0xffff, v53  }
0x174: {  	[tilespmem:v10+s19+$0x0] =	vst.idx.msk $0xffff, v13;
	v58 =	vmul.f32 $8.000000000e+00, v11;
	v28 =	vadd.s32 v1, v9;
	v19 =	vld [tilespmem:s11+$0xFFFFFFA0]  }
0x175: {  	v61 =	vld [tilespmem:s10+$0xFFFFFFF0];
	v60 =	vadd.s32 v1, v23;
	v14 =	vmul.f32 $8.000000000e+00, v14;
	[tilespmem:v15+s19+$0x0] =	vst.idx.msk $0xffff, v12  }
0x176: {  	v32 =	vld [tilespmem:s10+$0xFFFFFF30];
	v62 =	vadd.s32 v1, v26;
	[tilespmem:v17+s19+$0x0] =	vst.idx.msk $0xffff, v58;
	v16 =	vmul.f32 $8.000000000e+00, v55  }
0x177: {  	[tilespmem:v8+s19+$0x0] =	vst.idx.msk $0xffff, v14;
	v29 =	vadd.s32 v2, v5;
	v30 =	vld [tilespmem:s10+$0xFFFFFFB0];
	v11 =	vmul.f32 $8.000000000e+00, v59  }
0x178: {  	v38 =	vadd.s32 v2, v4;
	v63 =	vld [tilespmem:s10+$0xFFFFFF70];
	v31 =	vmul.f32 $8.000000000e+00, v56;
	[tilespmem:v57+s19+$0x0] =	vst.idx.msk $0xffff, v16  }
0x179: {  	v35 =	vadd.s32 v2, v7;
	v34 =	vmul.f32 $8.000000000e+00, v19;
	v36 =	vld [tilespmem:s11+$0xFFFFFFF0];
	[tilespmem:v28+s19+$0x0] =	vst.idx.msk $0xffff, v11  }
0x17a: {  	v33 =	vadd.s32 v2, v6;
	v37 =	vmul.f32 $8.000000000e+00, v61;
	[tilespmem:v60+s19+$0x0] =	vst.idx.msk $0xffff, v31;
	v43 =	vld [tilespmem:s11+$0xFFFFFF30]  }
0x17b: {  	v40 =	vadd.s32 v2, v22;
	v14 =	vmul.f32 $8.000000000e+00, v32;
	[tilespmem:v62+s19+$0x0] =	vst.idx.msk $0xffff, v34;
	v39 =	vld [tilespmem:s11+$0xFFFFFF70]  }
0x17c: {  	v48 =	vadd.s32 v2, v9;
	[tilespmem:v29+s19+$0x0] =	vst.idx.msk $0xffff, v37;
	v42 =	vmul.f32 $8.000000000e+00, v30;
	v41 =	vld [tilespmem:s11+$0xFFFFFFB0]  }
0x17d: {  	v44 =	vadd.s32 v2, v23;
	v15 =	vmul.f32 $8.000000000e+00, v63;
	[tilespmem:v38+s19+$0x0] =	vst.idx.msk $0xffff, v14;
	v45 =	vld [tilespmem:s10+$0x0]  }
0x17e: {  	v46 =	vadd.s32 v2, v26;
	v14 =	vld [tilespmem:s10+$0xFFFFFF40];
	[tilespmem:v35+s19+$0x0] =	vst.idx.msk $0xffff, v42;
	v47 =	vmul.f32 $8.000000000e+00, v36  }
0x17f: {  	v5 =	vadd.s32 v3, v5;
	[tilespmem:v33+s19+$0x0] =	vst.idx.msk $0xffff, v15;
	v49 =	vld [tilespmem:s10+$0xFFFFFFC0];
	v53 =	vmul.f32 $8.000000000e+00, v43  }
0x180: {  	v4 =	vadd.s32 v3, v4;
	v21 =	vld [tilespmem:s10+$0xFFFFFF80];
	v12 =	vmul.f32 $8.000000000e+00, v39;
	[tilespmem:v40+s19+$0x0] =	vst.idx.msk $0xffff, v47  }
0x181: {  	v52 =	vadd.s32 v3, v7;
	v51 =	vmul.f32 $8.000000000e+00, v41;
	v10 =	vld [tilespmem:s11+$0x0];
	[tilespmem:v48+s19+$0x0] =	vst.idx.msk $0xffff, v53  }
0x182: {  	v50 =	vadd.s32 v3, v6;
	v54 =	vmul.f32 $8.000000000e+00, v45;
	[tilespmem:v44+s19+$0x0] =	vst.idx.msk $0xffff, v12;
	v59 =	vld [tilespmem:s11+$0xFFFFFF40]  }
0x183: {  	v57 =	vadd.s32 v3, v22;
	v14 =	vmul.f32 $8.000000000e+00, v14;
	v55 =	vld [tilespmem:s11+$0xFFFFFF80];
	[tilespmem:v46+s19+$0x0] =	vst.idx.msk $0xffff, v51  }
0x184: {  	v62 =	vadd.s32 v3, v9;
	[tilespmem:v5+s19+$0x0] =	vst.idx.msk $0xffff, v54;
	v5 =	vmul.f32 $8.000000000e+00, v49;
	v58 =	vld [tilespmem:s11+$0xFFFFFFC0]  }
0x185: {  	v56 =	vmul.f32 $8.000000000e+00, v21;
	v60 =	vadd.s32 v3, v23;
	[tilespmem:v4+s19+$0x0] =	vst.idx.msk $0xffff, v14  }
0x186: {  	v61 =	vadd.s32 v3, v26;
	[tilespmem:v52+s19+$0x0] =	vst.idx.msk $0xffff, v5;
	v5 =	vmul.f32 $8.000000000e+00, v10  }
0x187: {  	[tilespmem:v50+s19+$0x0] =	vst.idx.msk $0xffff, v56;
	v63 =	vmul.f32 $8.000000000e+00, v59  }
0x188: {  	v4 =	vmul.f32 $8.000000000e+00, v55;
	[tilespmem:v57+s19+$0x0] =	vst.idx.msk $0xffff, v5  }
0x189: {  	v5 =	vmul.f32 $8.000000000e+00, v58;
	[tilespmem:v62+s19+$0x0] =	vst.idx.msk $0xffff, v63  }
0x18a: {  	[tilespmem:v60+s19+$0x0] =	vst.idx.msk $0xffff, v4  }
0x18b: {  	s16 =	simm.s32 $0xE400;
	s10 =	sadd.s32 s0, s8;
	[tilespmem:v61+s19+$0x0] =	vst.idx.msk $0xffff, v5  }
0x18c: {  	[hbm4b:s10+s3] =	stream.linear.scatter [tilespmem:s16], [sflag:$0x5], $0x80, $0x38;
	[tilespmem:$0x12800] =	vst v63  }
0x18d: {  	s14 =	sadd.s32 $0x10, s10;
	s11 =	simm.s32 $0xE488  }
0x18e: {  	[hbm4b:s14+s3] =	stream.linear.scatter [tilespmem:s11], [sflag:$0x5], $0x80, $0x38;
	[tilespmem:$0x12800] =	vst v63  }
0x18f: {  	s15 =	simm.s32 $0xE510;
	s16 =	sadd.s32 $0x20, s10  }
0x190: {  	[hbm4b:s16+s3] =	stream.linear.scatter [tilespmem:s15], [sflag:$0x5], $0x80, $0x38;
	[tilespmem:$0x12800] =	vst v63  }
0x191: {  	s11 =	simm.s32 $0xE598;
	s14 =	sadd.s32 $0x30, s10  }
0x192: {  	[hbm4b:s14+s3] =	stream.linear.scatter [tilespmem:s11], [sflag:$0x5], $0x80, $0x38;
	[tilespmem:$0x12800] =	vst v63  }
0x193: {  	s15 =	simm.s32 $0xE620;
	s16 =	sadd.s32 $0x40, s10  }
0x194: {  	[hbm4b:s16+s3] =	stream.linear.scatter [tilespmem:s15], [sflag:$0x5], $0x80, $0x38;
	[tilespmem:$0x12800] =	vst v63  }
0x195: {  	s0 =	simm.s32 $0x440;
	s11 =	simm.s32 $0xE6A8;
	s14 =	sadd.s32 $0x50, s10  }
0x196: {  	[hbm4b:s14+s3] =	stream.linear.scatter [tilespmem:s11], [sflag:$0x5], $0x80, $0x38;
	[tilespmem:$0x12800] =	vst v63  }
0x197: {  	s15 =	simm.s32 $0xE730;
	s16 =	sadd.s32 $0x60, s10;
	s11 =	simm.s32 $0x2200  }
0x198: {  	[hbm4b:s16+s3] =	stream.linear.scatter [tilespmem:s15], [sflag:$0x5], $0x80, $0x38;
	[tilespmem:$0x12800] =	vst v63  }
0x199: {  	s14 =	simm.s32 $0xE7B8;
	s15 =	sadd.s32 $0x70, s10;
	s10 =	sadd.s32 $0x1000, s10  }
.LBB2_13:
0x19a: {  	[hbm4b:s15+s3] =	stream.linear.scatter [tilespmem:s14], [sflag:$0x5], $0x80, $0x38;
	[tilespmem:$0x12800] =	vst v63  }
0x19b: {  	s14 =	smov.u32 s0;
	s0 =	smov.u32 s11  }
0x19c: {  	s16 =	sadd.s32 $0x1100, s11;
	s0 =	sshra.s32 s0, $0x2;
	s15 =	sadd.s32 $0xE400, s14  }
0x19d: {  	[hbm4b:s10+s3] =	stream.linear.scatter [tilespmem:s15], [sflag:$0x5], $0x80, $0x38;
	[tilespmem:$0x12800] =	vst v63  }
0x19e: {  	p1 =	sne.s32 s11, $0x7700;
	s11 =	sadd.s32 $0xE488, s14;
	s15 =	sadd.s32 $0x10, s10  }
0x19f: {  	[hbm4b:s15+s3] =	stream.linear.scatter [tilespmem:s11], [sflag:$0x5], $0x80, $0x38;
	[tilespmem:$0x12800] =	vst v63  }
0x1a0: {  	s11 =	sadd.s32 $0xE510, s14;
	s15 =	sadd.s32 $0x20, s10  }
0x1a1: {  	[hbm4b:s15+s3] =	stream.linear.scatter [tilespmem:s11], [sflag:$0x5], $0x80, $0x38;
	[tilespmem:$0x12800] =	vst v63  }
0x1a2: {  	s11 =	sadd.s32 $0xE598, s14;
	s15 =	sadd.s32 $0x30, s10  }
0x1a3: {  	[hbm4b:s15+s3] =	stream.linear.scatter [tilespmem:s11], [sflag:$0x5], $0x80, $0x38;
	[tilespmem:$0x12800] =	vst v63  }
0x1a4: {  	s11 =	sadd.s32 $0xE620, s14;
	s15 =	sadd.s32 $0x40, s10  }
0x1a5: {  	[hbm4b:s15+s3] =	stream.linear.scatter [tilespmem:s11], [sflag:$0x5], $0x80, $0x38;
	[tilespmem:$0x12800] =	vst v63  }
.Ltmp7:
0x1a6: {  	s11 =	sadd.s32 $0xE6A8, s14;
	s15 =	sadd.s32 $0x50, s10;
	(pc) =	sbr.rel @p1 .LBB2_13-.Ltmp7, $4  }
0x1a7: {  	[hbm4b:s15+s3] =	stream.linear.scatter [tilespmem:s11], [sflag:$0x5], $0x80, $0x38;
	[tilespmem:$0x12800] =	vst v63  }
0x1a8: {  	s11 =	sadd.s32 $0xE730, s14;
	s15 =	sadd.s32 $0x60, s10;
	s14 =	sadd.s32 $0xE7B8, s14  }
0x1a9: {  	[hbm4b:s15+s3] =	stream.linear.scatter [tilespmem:s11], [sflag:$0x5], $0x80, $0x38;
	[tilespmem:$0x12800] =	vst v63  }
0x1aa: {  	s15 =	sadd.s32 $0x70, s10;
	s10 =	sadd.s32 $0x1000, s10;
	s11 =	smov.u32 s16  }
0x1ab: {  	[hbm4b:s15+s3] =	stream.linear.scatter [tilespmem:s14], [sflag:$0x5], $0x80, $0x38;
	[tilespmem:$0x12800] =	vst v63  }
0x1ac: {  	s11 =	sadd.s32 $0xE400, s0  }
0x1ad: {  	[hbm4b:s10+s3] =	stream.linear.scatter [tilespmem:s11], [sflag:$0x5], $0x80, $0x38;
	[tilespmem:$0x12800] =	vst v63  }
0x1ae: {  	s15 =	sadd.s32 $0xE488, s0;
	s16 =	sadd.s32 $0x10, s10  }
0x1af: {  	[hbm4b:s16+s3] =	stream.linear.scatter [tilespmem:s15], [sflag:$0x5], $0x80, $0x38;
	[tilespmem:$0x12800] =	vst v63  }
0x1b0: {  	s15 =	sadd.s32 $0xE510, s0;
	s16 =	sadd.s32 $0x20, s10  }
0x1b1: {  	[hbm4b:s16+s3] =	stream.linear.scatter [tilespmem:s15], [sflag:$0x5], $0x80, $0x38;
	[tilespmem:$0x12800] =	vst v63  }
0x1b2: {  	s15 =	sadd.s32 $0xE598, s0;
	s16 =	sadd.s32 $0x30, s10  }
0x1b3: {  	[hbm4b:s16+s3] =	stream.linear.scatter [tilespmem:s15], [sflag:$0x5], $0x80, $0x38;
	[tilespmem:$0x12800] =	vst v63  }
0x1b4: {  	s15 =	sadd.s32 $0xE620, s0;
	s16 =	sadd.s32 $0x40, s10  }
0x1b5: {  	[hbm4b:s16+s3] =	stream.linear.scatter [tilespmem:s15], [sflag:$0x5], $0x80, $0x38;
	[tilespmem:$0x12800] =	vst v63  }
0x1b6: {  	s15 =	sadd.s32 $0xE6A8, s0;
	s16 =	sadd.s32 $0x50, s10  }
0x1b7: {  	[hbm4b:s16+s3] =	stream.linear.scatter [tilespmem:s15], [sflag:$0x5], $0x80, $0x38;
	[tilespmem:$0x12800] =	vst v63  }
0x1b8: {  	s15 =	sadd.s32 $0xE730, s0;
	s16 =	sadd.s32 $0x60, s10  }
0x1b9: {  	[hbm4b:s16+s3] =	stream.linear.scatter [tilespmem:s15], [sflag:$0x5], $0x80, $0x38;
	[tilespmem:$0x12800] =	vst v63  }
0x1ba: {  	s14 =	sadd.s32 $0xE7B8, s0;
	s0 =	sadd.s32 @!p0 $0x280, s1;
	s15 =	sadd.s32 $0x70, s10  }
0x1bb: {  	[hbm4b:s15+s3] =	stream.linear.scatter [tilespmem:s14], [sflag:$0x5], $0x80, $0x38;
	[tilespmem:$0x12800] =	vst v63  }
0x1bc: {  	s1 =	simm.s32 @!p0 $0x80;
	s0 =	sand.u32 @!p0 $0xFE80, s0;
	s10 =	simm.s32 @!p0 $0x8400  }
0x1bd: {  	[tilespmem:s10], [sflag:$0x2] =	stream.indirect.gather @!p0 [hbm4b:s5+s1], $0x40, s0, s1, $0xb8;
	[tilespmem:$0x12800] =	vst v63  }
0x1be: {  	_ =	swait.ge [sflag:s25], $0x2000  }
0x1bf: {  	[sflag:s25] =	ssyncset.done $0x0  }
0x1c0: {  	[sflag:s25] =	ssyncadd.s32 $0xFFFFE000  }
0x1c1: {  	_ =	swait.ge [sflag:s26], $0x2000  }
0x1c2: {  	[sflag:s26] =	ssyncset.done $0x0  }
0x1c3: {  	s11 =	simm.s32 $0xC4F0;
	s16 =	simm.s32 $0x3;
	[sflag:s26] =	ssyncadd.s32 $0xFFFFE000  }
0x1c4: {  	v4 =	vmov s16;
	v5 =	vld [tilespmem:s11+$0xFFFFFFD0]  }
0x1c5: {  	v9 =	vand.u32 $0x7F, v4  }
0x1c6: {  	v4 =	vadd.s32 v0, v9;
	s1 =	simm.s32 $0x0  }
0x1c7: {  	s14 =	simm.s32 $0x2;
	s10 =	simm.s32 $0x1;
	v6 =	vmov s1;
	v7 =	vld [tilespmem:s11+$0xFFFFFF10]  }
0x1c8: {  	v11 =	vmov s14;
	v8 =	vand.u32 $0x7C, v6;
	v6 =	vmov s10;
	v10 =	vld [tilespmem:s11+$0xFFFFFF50]  }
0x1c9: {  	v12 =	vadd.s32 v0, v8;
	v15 =	vand.u32 $0x7D, v6;
	v6 =	vld [tilespmem:s11+$0xFFFFFF90];
	v5 =	vmul.f32 $8.000000000e+00, v5  }
0x1ca: {  	v17 =	vand.u32 $0x7E, v11;
	v13 =	vadd.s32 v0, v15  }
0x1cb: {  	v11 =	vadd.s32 v0, v17;
	[tilespmem:v4+s22+$0x0] =	vst.idx.msk $0xffff, v5  }
0x1cc: {  	v4 =	vmul.f32 $8.000000000e+00, v7;
	v5 =	vld [tilespmem:s11+$0xFFFFFFE0]  }
0x1cd: {  	v7 =	vmul.f32 $8.000000000e+00, v10  }
0x1ce: {  	[tilespmem:v12+s22+$0x0] =	vst.idx.msk $0xffff, v4;
	v4 =	vmul.f32 $8.000000000e+00, v6;
	v6 =	vadd.s32 v1, v9  }
0x1cf: {  	[tilespmem:v13+s22+$0x0] =	vst.idx.msk $0xffff, v7;
	v10 =	vld [tilespmem:s11+$0xFFFFFF20]  }
0x1d0: {  	v7 =	vld [tilespmem:s11+$0xFFFFFF60];
	[tilespmem:v11+s22+$0x0] =	vst.idx.msk $0xffff, v4  }
0x1d1: {  	v11 =	vld [tilespmem:s11+$0xFFFFFFA0];
	v4 =	vmul.f32 $8.000000000e+00, v5  }
0x1d2: {  	s16 =	simm.s32 $0x7;
	s15 =	simm.s32 $0x4;
	s0 =	simm.s32 $0xC5F0;
	v12 =	vadd.s32 v1, v15  }
0x1d3: {  	v14 =	vld [tilespmem:s0+$0xFFFFFFD0];
	v13 =	vadd.s32 v1, v17;
	v5 =	vmov s15;
	[tilespmem:v6+s22+$0x0] =	vst.idx.msk $0xffff, v4;
	v6 =	vmov s16  }
0x1d4: {  	v16 =	vadd.s32 v1, v8;
	v4 =	vand.u32 $0x7C, v5;
	v5 =	vand.u32 $0x7F, v6;
	v18 =	vld [tilespmem:s11+$0xFFFFFFF0]  }
0x1d5: {  	s14 =	simm.s32 $0x5;
	v22 =	vadd.s32 v2, v9;
	v19 =	vld [tilespmem:s0+$0xFFFFFF10];
	v6 =	vmul.f32 $8.000000000e+00, v7;
	v20 =	vadd.s32 v0, v5  }
0x1d6: {  	v21 =	vld [tilespmem:s0+$0xFFFFFF50];
	s15 =	simm.s32 $0x6;
	v10 =	vmul.f32 $8.000000000e+00, v10;
	v7 =	vmul.f32 $8.000000000e+00, v11;
	v11 =	vmov s14  }
0x1d7: {  	v23 =	vadd.s32 v0, v4;
	[tilespmem:v12+s22+$0x0] =	vst.idx.msk $0xffff, v6;
	v12 =	vmov s15;
	v6 =	vand.u32 $0x7D, v11;
	v11 =	vld [tilespmem:s0+$0xFFFFFF90]  }
0x1d8: {  	[tilespmem:v13+s22+$0x0] =	vst.idx.msk $0xffff, v7;
	v13 =	vadd.s32 v0, v6;
	v7 =	vand.u32 $0x7E, v12;
	v12 =	vmul.f32 $8.000000000e+00, v14;
	v14 =	vld [tilespmem:s11+$0xFFFFFF70]  }
0x1d9: {  	[tilespmem:v16+s22+$0x0] =	vst.idx.msk $0xffff, v10;
	v10 =	vadd.s32 v0, v7;
	v16 =	vld [tilespmem:s11+$0xFFFFFFB0];
	v18 =	vmul.f32 $8.000000000e+00, v18  }
0x1da: {  	v19 =	vmul.f32 $8.000000000e+00, v19;
	[tilespmem:v20+s22+$0x0] =	vst.idx.msk $0xffff, v12;
	v12 =	vld [tilespmem:s11+$0xFFFFFF30];
	v20 =	vadd.s32 v2, v15  }
0x1db: {  	v25 =	vadd.s32 v2, v17;
	v21 =	vmul.f32 $8.000000000e+00, v21;
	v24 =	vld [tilespmem:s0+$0xFFFFFFE0];
	[tilespmem:v22+s22+$0x0] =	vst.idx.msk $0xffff, v18  }
0x1dc: {  	[tilespmem:v23+s22+$0x0] =	vst.idx.msk $0xffff, v19;
	v19 =	vadd.s32 v2, v8;
	v11 =	vmul.f32 $8.000000000e+00, v11;
	v22 =	vld [tilespmem:s11+$0x0]  }
0x1dd: {  	v23 =	vld [tilespmem:s0+$0xFFFFFF20];
	[tilespmem:v13+s22+$0x0] =	vst.idx.msk $0xffff, v21;
	v21 =	vadd.s32 v1, v5;
	v14 =	vmul.f32 $8.000000000e+00, v14  }
0x1de: {  	v27 =	vadd.s32 v3, v9;
	v26 =	vld [tilespmem:s0+$0xFFFFFF60];
	[tilespmem:v10+s22+$0x0] =	vst.idx.msk $0xffff, v11;
	v10 =	vmul.f32 $8.000000000e+00, v16  }
0x1df: {  	v18 =	vadd.s32 v1, v4;
	v13 =	vld [tilespmem:s0+$0xFFFFFFA0];
	v9 =	vmul.f32 $8.000000000e+00, v12;
	[tilespmem:v20+s22+$0x0] =	vst.idx.msk $0xffff, v14  }
0x1e0: {  	s10 =	simm.s32 $0x8;
	v16 =	vadd.s32 v1, v6;
	[tilespmem:v25+s22+$0x0] =	vst.idx.msk $0xffff, v10;
	v14 =	vmul.f32 $8.000000000e+00, v24;
	v12 =	vld [tilespmem:s11+$0xFFFFFF80]  }
0x1e1: {  	v20 =	vmov s10;
	v10 =	vadd.s32 v1, v7;
	v11 =	vld [tilespmem:s11+$0xFFFFFFC0];
	[tilespmem:v19+s22+$0x0] =	vst.idx.msk $0xffff, v9;
	v63 =	vmul.f32 $8.000000000e+00, v22  }
0x1e2: {  	s1 =	simm.s32 $0xC6F0;
	s16 =	simm.s32 $0xB;
	v15 =	vadd.s32 v3, v15;
	v9 =	vand.u32 $0x7C, v20;
	v20 =	vmul.f32 $8.000000000e+00, v23;
	[tilespmem:v21+s22+$0x0] =	vst.idx.msk $0xffff, v14;
	v14 =	vld [tilespmem:s11+$0xFFFFFF40]  }
0x1e3: {  	v17 =	vadd.s32 v3, v17;
	v22 =	vmov s16;
	v19 =	vld [tilespmem:s1+$0xFFFFFFD0];
	s11 =	simm.s32 $0xC;
	v21 =	vmul.f32 $8.000000000e+00, v26;
	[tilespmem:v27+s22+$0x0] =	vst.idx.msk $0xffff, v63  }
.LBB2_15:
0x1e4: {  	p1 =	slt.u32 s11, $0x7C;
	s14 =	sadd.s32 $0x1, s10;
	v22 =	vand.u32 $0x7F, v22;
	[tilespmem:v18+s22+$0x0] =	vst.idx.msk $0xffff, v20;
	v13 =	vmul.f32 $8.000000000e+00, v13;
	v18 =	vld [tilespmem:s0+$0xFFFFFFF0];
	v20 =	vadd.s32 v3, v8;
	v8 =	vmovc v4  }
0x1e5: {  	v4 =	vmovc v9;
	v23 =	vld [tilespmem:s1+$0xFFFFFF10];
	v24 =	vmov s14;
	s14 =	sadd.s32 $0x2, s10;
	v25 =	vadd.s32 v0, v22;
	[tilespmem:v16+s22+$0x0] =	vst.idx.msk $0xffff, v21;
	v12 =	vmul.f32 $8.000000000e+00, v12;
	s10 =	smov.u32 s11  }
0x1e6: {  	v9 =	vld [tilespmem:s1+$0xFFFFFF50];
	v16 =	vmov s14;
	[tilespmem:v10+s22+$0x0] =	vst.idx.msk $0xffff, v13;
	v10 =	vadd.s32 v2, v5;
	v11 =	vmul.f32 $8.000000000e+00, v11  }
0x1e7: {  	v13 =	vadd.s32 v0, v4;
	v21 =	vand.u32 $0x7D, v24;
	v24 =	vld [tilespmem:s1+$0xFFFFFF90];
	v14 =	vmul.f32 $8.000000000e+00, v14;
	[tilespmem:v15+s22+$0x0] =	vst.idx.msk $0xffff, v12  }
0x1e8: {  	v12 =	vadd.s32 v0, v21;
	v26 =	vand.u32 $0x7E, v16;
	v15 =	vmul.f32 $8.000000000e+00, v19;
	v16 =	vld [tilespmem:s0+$0xFFFFFF70];
	[tilespmem:v17+s22+$0x0] =	vst.idx.msk $0xffff, v11  }
0x1e9: {  	v11 =	vadd.s32 v0, v26;
	v17 =	vld [tilespmem:s0+$0xFFFFFFB0];
	v18 =	vmul.f32 $8.000000000e+00, v18;
	[tilespmem:v20+s22+$0x0] =	vst.idx.msk $0xffff, v14  }
0x1ea: {  	v19 =	vadd.s32 v2, v6;
	v14 =	vmul.f32 $8.000000000e+00, v23;
	[tilespmem:v25+s22+$0x0] =	vst.idx.msk $0xffff, v15;
	v15 =	vld [tilespmem:s0+$0xFFFFFF30]  }
0x1eb: {  	v23 =	vadd.s32 v2, v7;
	v9 =	vmul.f32 $8.000000000e+00, v9;
	v20 =	vld [tilespmem:s1+$0xFFFFFFE0];
	[tilespmem:v10+s22+$0x0] =	vst.idx.msk $0xffff, v18  }
0x1ec: {  	[tilespmem:v13+s22+$0x0] =	vst.idx.msk $0xffff, v14;
	v10 =	vmul.f32 $8.000000000e+00, v24;
	v14 =	vadd.s32 v2, v8;
	v24 =	vld [tilespmem:s0+$0x0]  }
0x1ed: {  	v27 =	vadd.s32 v1, v22;
	v25 =	vld [tilespmem:s1+$0xFFFFFF20];
	[tilespmem:v12+s22+$0x0] =	vst.idx.msk $0xffff, v9;
	v9 =	vmul.f32 $8.000000000e+00, v16  }
0x1ee: {  	v29 =	vadd.s32 v3, v5;
	v5 =	vmov v22;
	v28 =	vld [tilespmem:s1+$0xFFFFFF60];
	[tilespmem:v11+s22+$0x0] =	vst.idx.msk $0xffff, v10;
	v10 =	vmul.f32 $8.000000000e+00, v17  }
.Ltmp8:
0x1ef: {  	v18 =	vadd.s32 v1, v4;
	v13 =	vld [tilespmem:s1+$0xFFFFFFA0];
	v11 =	vmul.f32 $8.000000000e+00, v15;
	[tilespmem:v19+s22+$0x0] =	vst.idx.msk $0xffff, v9;
	(pc) =	sbr.rel @p1 .LBB2_15-.Ltmp8, $4  }
0x1f0: {  	v16 =	vadd.s32 v1, v21;
	v15 =	vmul.f32 $8.000000000e+00, v20;
	v12 =	vld [tilespmem:s0+$0xFFFFFF80];
	[tilespmem:v23+s22+$0x0] =	vst.idx.msk $0xffff, v10  }
0x1f1: {  	v9 =	vmov s11;
	v10 =	vadd.s32 v1, v26;
	[tilespmem:v14+s22+$0x0] =	vst.idx.msk $0xffff, v11;
	v11 =	vld [tilespmem:s0+$0xFFFFFFC0];
	v23 =	vmul.f32 $8.000000000e+00, v24  }
0x1f2: {  	s14 =	sadd.s32 $0x3, s11;
	v9 =	vand.u32 $0x7C, v9;
	v20 =	vmul.f32 $8.000000000e+00, v25;
	[tilespmem:v27+s22+$0x0] =	vst.idx.msk $0xffff, v15;
	v14 =	vld [tilespmem:s0+$0xFFFFFF40];
	v15 =	vadd.s32 v3, v6;
	v6 =	vmovc v21;
	s0 =	smov.u32 s1;
	s1 =	sadd.s32 $0x100, s1  }
0x1f3: {  	v22 =	vmov s14;
	v17 =	vadd.s32 v3, v7;
	v7 =	vmovc v26;
	s11 =	sadd.s32 $0x4, s11;
	v19 =	vld [tilespmem:s1+$0xFFFFFFD0];
	v21 =	vmul.f32 $8.000000000e+00, v28;
	[tilespmem:v29+s22+$0x0] =	vst.idx.msk $0xffff, v23  }
0x1f4: {  	s11 =	sadd.s32 $0x1, s10;
	v22 =	vand.u32 $0x7F, v22;
	v28 =	vld [tilespmem:s1+$0xFFFFFF10]  }
0x1f5: {  	s15 =	sadd.s32 $0x2, s10;
	v24 =	vld [tilespmem:s1+$0xFFFFFF50];
	v23 =	vmov s11;
	v25 =	vadd.s32 v0, v22  }
0x1f6: {  	v27 =	vld [tilespmem:s1+$0xFFFFFF90];
	v51 =	vadd.s32 v0, v9;
	v26 =	vmov s15;
	v23 =	vand.u32 $0x7D, v23  }
0x1f7: {  	v26 =	vand.u32 $0x7E, v26;
	v29 =	vadd.s32 v0, v23  }
0x1f8: {  	[tilespmem:v18+s22+$0x0] =	vst.idx.msk $0xffff, v20;
	v30 =	vadd.s32 v0, v26;
	v19 =	vmul.f32 $8.000000000e+00, v19  }
0x1f9: {  	[tilespmem:v16+s22+$0x0] =	vst.idx.msk $0xffff, v21;
	v54 =	vmul.f32 $8.000000000e+00, v28  }
0x1fa: {  	v52 =	vmul.f32 $8.000000000e+00, v24;
	[tilespmem:v25+s22+$0x0] =	vst.idx.msk $0xffff, v19  }
0x1fb: {  	v53 =	vmul.f32 $8.000000000e+00, v27;
	v55 =	vld [tilespmem:s1+$0xFFFFFFE0];
	[tilespmem:v51+s22+$0x0] =	vst.idx.msk $0xffff, v54  }
0x1fc: {  	v13 =	vmul.f32 $8.000000000e+00, v13;
	v8 =	vadd.s32 v3, v8;
	[tilespmem:v29+s22+$0x0] =	vst.idx.msk $0xffff, v52;
	v59 =	vld [tilespmem:s1+$0xFFFFFF20]  }
0x1fd: {  	v12 =	vmul.f32 $8.000000000e+00, v12;
	v57 =	vadd.s32 v1, v22;
	[tilespmem:v30+s22+$0x0] =	vst.idx.msk $0xffff, v53;
	v56 =	vld [tilespmem:s1+$0xFFFFFF60]  }
0x1fe: {  	[tilespmem:v10+s22+$0x0] =	vst.idx.msk $0xffff, v13;
	v58 =	vmul.f32 $8.000000000e+00, v11;
	v28 =	vadd.s32 v1, v9;
	v19 =	vld [tilespmem:s1+$0xFFFFFFA0]  }
0x1ff: {  	v61 =	vld [tilespmem:s0+$0xFFFFFFF0];
	v60 =	vadd.s32 v1, v23;
	v14 =	vmul.f32 $8.000000000e+00, v14;
	[tilespmem:v15+s22+$0x0] =	vst.idx.msk $0xffff, v12  }
0x200: {  	v32 =	vld [tilespmem:s0+$0xFFFFFF30];
	v62 =	vadd.s32 v1, v26;
	[tilespmem:v17+s22+$0x0] =	vst.idx.msk $0xffff, v58;
	v16 =	vmul.f32 $8.000000000e+00, v55  }
0x201: {  	[tilespmem:v8+s22+$0x0] =	vst.idx.msk $0xffff, v14;
	v29 =	vadd.s32 v2, v5;
	v30 =	vld [tilespmem:s0+$0xFFFFFFB0];
	v11 =	vmul.f32 $8.000000000e+00, v59  }
0x202: {  	v38 =	vadd.s32 v2, v4;
	v63 =	vld [tilespmem:s0+$0xFFFFFF70];
	v31 =	vmul.f32 $8.000000000e+00, v56;
	[tilespmem:v57+s22+$0x0] =	vst.idx.msk $0xffff, v16  }
0x203: {  	v35 =	vadd.s32 v2, v7;
	v34 =	vmul.f32 $8.000000000e+00, v19;
	v36 =	vld [tilespmem:s1+$0xFFFFFFF0];
	[tilespmem:v28+s22+$0x0] =	vst.idx.msk $0xffff, v11  }
0x204: {  	v33 =	vadd.s32 v2, v6;
	v37 =	vmul.f32 $8.000000000e+00, v61;
	[tilespmem:v60+s22+$0x0] =	vst.idx.msk $0xffff, v31;
	v43 =	vld [tilespmem:s1+$0xFFFFFF30]  }
0x205: {  	v40 =	vadd.s32 v2, v22;
	v14 =	vmul.f32 $8.000000000e+00, v32;
	[tilespmem:v62+s22+$0x0] =	vst.idx.msk $0xffff, v34;
	v39 =	vld [tilespmem:s1+$0xFFFFFF70]  }
0x206: {  	v48 =	vadd.s32 v2, v9;
	[tilespmem:v29+s22+$0x0] =	vst.idx.msk $0xffff, v37;
	v42 =	vmul.f32 $8.000000000e+00, v30;
	v41 =	vld [tilespmem:s1+$0xFFFFFFB0]  }
0x207: {  	v44 =	vadd.s32 v2, v23;
	v15 =	vmul.f32 $8.000000000e+00, v63;
	[tilespmem:v38+s22+$0x0] =	vst.idx.msk $0xffff, v14;
	v45 =	vld [tilespmem:s0+$0x0]  }
0x208: {  	v46 =	vadd.s32 v2, v26;
	v14 =	vld [tilespmem:s0+$0xFFFFFF40];
	[tilespmem:v35+s22+$0x0] =	vst.idx.msk $0xffff, v42;
	v47 =	vmul.f32 $8.000000000e+00, v36  }
0x209: {  	v5 =	vadd.s32 v3, v5;
	[tilespmem:v33+s22+$0x0] =	vst.idx.msk $0xffff, v15;
	v49 =	vld [tilespmem:s0+$0xFFFFFFC0];
	v53 =	vmul.f32 $8.000000000e+00, v43  }
0x20a: {  	v4 =	vadd.s32 v3, v4;
	v21 =	vld [tilespmem:s0+$0xFFFFFF80];
	v12 =	vmul.f32 $8.000000000e+00, v39;
	[tilespmem:v40+s22+$0x0] =	vst.idx.msk $0xffff, v47  }
0x20b: {  	v52 =	vadd.s32 v3, v7;
	v51 =	vmul.f32 $8.000000000e+00, v41;
	v10 =	vld [tilespmem:s1+$0x0];
	[tilespmem:v48+s22+$0x0] =	vst.idx.msk $0xffff, v53  }
0x20c: {  	v50 =	vadd.s32 v3, v6;
	v54 =	vmul.f32 $8.000000000e+00, v45;
	[tilespmem:v44+s22+$0x0] =	vst.idx.msk $0xffff, v12;
	v59 =	vld [tilespmem:s1+$0xFFFFFF40]  }
0x20d: {  	v57 =	vadd.s32 v3, v22;
	v14 =	vmul.f32 $8.000000000e+00, v14;
	[tilespmem:v46+s22+$0x0] =	vst.idx.msk $0xffff, v51;
	v55 =	vld [tilespmem:s1+$0xFFFFFF80]  }
0x20e: {  	v62 =	vadd.s32 v3, v9;
	[tilespmem:v5+s22+$0x0] =	vst.idx.msk $0xffff, v54;
	v5 =	vmul.f32 $8.000000000e+00, v49;
	v58 =	vld [tilespmem:s1+$0xFFFFFFC0]  }
0x20f: {  	v56 =	vmul.f32 $8.000000000e+00, v21;
	v60 =	vadd.s32 v3, v23;
	[tilespmem:v4+s22+$0x0] =	vst.idx.msk $0xffff, v14  }
0x210: {  	v61 =	vadd.s32 v3, v26;
	[tilespmem:v52+s22+$0x0] =	vst.idx.msk $0xffff, v5;
	v5 =	vmul.f32 $8.000000000e+00, v10  }
0x211: {  	[tilespmem:v50+s22+$0x0] =	vst.idx.msk $0xffff, v56;
	v63 =	vmul.f32 $8.000000000e+00, v59  }
0x212: {  	s16 =	sshll.u32 s31, $0x12;
	v4 =	vmul.f32 $8.000000000e+00, v55;
	[tilespmem:v57+s22+$0x0] =	vst.idx.msk $0xffff, v5  }
0x213: {  	s0 =	sor.u32 s4, s16;
	v5 =	vmul.f32 $8.000000000e+00, v58;
	[tilespmem:v62+s22+$0x0] =	vst.idx.msk $0xffff, v63  }
0x214: {  	s0 =	sshrl.u32 s0, $0x3;
	[tilespmem:v60+s22+$0x0] =	vst.idx.msk $0xffff, v4  }
0x215: {  	s31 =	simm.s32 $0x10600;
	s1 =	sadd.s32 s2, s0;
	[tilespmem:v61+s22+$0x0] =	vst.idx.msk $0xffff, v5  }
0x216: {  	[hbm4b:s1+s3] =	stream.linear.scatter [tilespmem:s31], [sflag:$0x6], $0x80, $0x38;
	[tilespmem:$0x12800] =	vst v63  }
0x217: {  	s10 =	simm.s32 $0x10688;
	s11 =	sadd.s32 $0x10, s1  }
0x218: {  	[hbm4b:s11+s3] =	stream.linear.scatter [tilespmem:s10], [sflag:$0x6], $0x80, $0x38;
	[tilespmem:$0x12800] =	vst v63  }
0x219: {  	s14 =	simm.s32 $0x10710;
	s16 =	simm.s32 $0x10798;
	s15 =	sadd.s32 $0x20, s1  }
0x21a: {  	[hbm4b:s15+s3] =	stream.linear.scatter [tilespmem:s14], [sflag:$0x6], $0x80, $0x38;
	[tilespmem:$0x12800] =	vst v63  }
0x21b: {  	s0 =	simm.s32 $0x440;
	s31 =	sadd.s32 $0x30, s1;
	s10 =	simm.s32 $0x10820  }
0x21c: {  	[hbm4b:s31+s3] =	stream.linear.scatter [tilespmem:s16], [sflag:$0x6], $0x80, $0x38;
	[tilespmem:$0x12800] =	vst v63  }
0x21d: {  	s11 =	sadd.s32 $0x40, s1;
	s14 =	simm.s32 $0x108A8;
	s15 =	sadd.s32 $0x50, s1  }
0x21e: {  	[hbm4b:s11+s3] =	stream.linear.scatter [tilespmem:s10], [sflag:$0x6], $0x80, $0x38;
	[tilespmem:$0x12800] =	vst v63  }
0x21f: {  	s16 =	simm.s32 $0x10930;
	s31 =	sadd.s32 $0x60, s1;
	s10 =	simm.s32 $0x2200  }
0x220: {  	[hbm4b:s15+s3] =	stream.linear.scatter [tilespmem:s14], [sflag:$0x6], $0x80, $0x38;
	[tilespmem:$0x12800] =	vst v63  }
0x221: {  	s11 =	simm.s32 $0x109B8;
	s14 =	sadd.s32 $0x70, s1;
	s1 =	sadd.s32 $0x1000, s1  }
0x222: {  	[hbm4b:s31+s3] =	stream.linear.scatter [tilespmem:s16], [sflag:$0x6], $0x80, $0x38;
	[tilespmem:$0x12800] =	vst v63  }
.LBB2_17:
0x223: {  	[hbm4b:s14+s3] =	stream.linear.scatter [tilespmem:s11], [sflag:$0x6], $0x80, $0x38;
	[tilespmem:$0x12800] =	vst v63  }
0x224: {  	s11 =	smov.u32 s0;
	s0 =	smov.u32 s10  }
0x225: {  	s15 =	sadd.s32 $0x1100, s10;
	s0 =	sshra.s32 s0, $0x2;
	s14 =	sadd.s32 $0x10600, s11  }
0x226: {  	[hbm4b:s1+s3] =	stream.linear.scatter [tilespmem:s14], [sflag:$0x6], $0x80, $0x38;
	[tilespmem:$0x12800] =	vst v63  }
0x227: {  	p1 =	sne.s32 s10, $0x7700;
	s10 =	sadd.s32 $0x10688, s11;
	s14 =	sadd.s32 $0x10, s1  }
0x228: {  	[hbm4b:s14+s3] =	stream.linear.scatter [tilespmem:s10], [sflag:$0x6], $0x80, $0x38;
	[tilespmem:$0x12800] =	vst v63  }
0x229: {  	s10 =	sadd.s32 $0x10710, s11;
	s14 =	sadd.s32 $0x20, s1  }
0x22a: {  	[hbm4b:s14+s3] =	stream.linear.scatter [tilespmem:s10], [sflag:$0x6], $0x80, $0x38;
	[tilespmem:$0x12800] =	vst v63  }
0x22b: {  	s10 =	sadd.s32 $0x10798, s11;
	s14 =	sadd.s32 $0x30, s1  }
0x22c: {  	[hbm4b:s14+s3] =	stream.linear.scatter [tilespmem:s10], [sflag:$0x6], $0x80, $0x38;
	[tilespmem:$0x12800] =	vst v63  }
0x22d: {  	s10 =	sadd.s32 $0x10820, s11;
	s14 =	sadd.s32 $0x40, s1  }
0x22e: {  	[hbm4b:s14+s3] =	stream.linear.scatter [tilespmem:s10], [sflag:$0x6], $0x80, $0x38;
	[tilespmem:$0x12800] =	vst v63  }
.Ltmp9:
0x22f: {  	s10 =	sadd.s32 $0x108A8, s11;
	s14 =	sadd.s32 $0x50, s1;
	(pc) =	sbr.rel @p1 .LBB2_17-.Ltmp9, $4  }
0x230: {  	[hbm4b:s14+s3] =	stream.linear.scatter [tilespmem:s10], [sflag:$0x6], $0x80, $0x38;
	[tilespmem:$0x12800] =	vst v63  }
0x231: {  	s10 =	sadd.s32 $0x10930, s11;
	s14 =	sadd.s32 $0x60, s1;
	s11 =	sadd.s32 $0x109B8, s11  }
0x232: {  	[hbm4b:s14+s3] =	stream.linear.scatter [tilespmem:s10], [sflag:$0x6], $0x80, $0x38;
	[tilespmem:$0x12800] =	vst v63  }
0x233: {  	s14 =	sadd.s32 $0x70, s1;
	s1 =	sadd.s32 $0x1000, s1;
	s10 =	smov.u32 s15  }
0x234: {  	[hbm4b:s14+s3] =	stream.linear.scatter [tilespmem:s11], [sflag:$0x6], $0x80, $0x38;
	[tilespmem:$0x12800] =	vst v63  }
0x235: {  	s10 =	sadd.s32 $0x10600, s0  }
0x236: {  	[hbm4b:s1+s3] =	stream.linear.scatter [tilespmem:s10], [sflag:$0x6], $0x80, $0x38;
	[tilespmem:$0x12800] =	vst v63  }
0x237: {  	s16 =	sadd.s32 $0x10688, s0;
	s31 =	sadd.s32 $0x10, s1  }
0x238: {  	[hbm4b:s31+s3] =	stream.linear.scatter [tilespmem:s16], [sflag:$0x6], $0x80, $0x38;
	[tilespmem:$0x12800] =	vst v63  }
0x239: {  	s14 =	sadd.s32 $0x10710, s0;
	s15 =	sadd.s32 $0x20, s1  }
0x23a: {  	[hbm4b:s15+s3] =	stream.linear.scatter [tilespmem:s14], [sflag:$0x6], $0x80, $0x38;
	[tilespmem:$0x12800] =	vst v63  }
0x23b: {  	s16 =	sadd.s32 $0x10798, s0;
	s31 =	sadd.s32 $0x30, s1  }
0x23c: {  	[hbm4b:s31+s3] =	stream.linear.scatter [tilespmem:s16], [sflag:$0x6], $0x80, $0x38;
	[tilespmem:$0x12800] =	vst v63  }
0x23d: {  	s14 =	sadd.s32 $0x10820, s0;
	s15 =	sadd.s32 $0x40, s1  }
0x23e: {  	[hbm4b:s15+s3] =	stream.linear.scatter [tilespmem:s14], [sflag:$0x6], $0x80, $0x38;
	[tilespmem:$0x12800] =	vst v63  }
0x23f: {  	s16 =	sadd.s32 $0x108A8, s0;
	s31 =	sadd.s32 $0x50, s1  }
0x240: {  	[hbm4b:s31+s3] =	stream.linear.scatter [tilespmem:s16], [sflag:$0x6], $0x80, $0x38;
	[tilespmem:$0x12800] =	vst v63  }
.Ltmp10:
0x241: {  	_ = 	snop;
	(pc) =	sbr.rel @p0 .LBB2_20-.Ltmp10, $4  }
0x242: {  	s14 =	sadd.s32 $0x10930, s0;
	s15 =	sadd.s32 $0x60, s1  }
0x243: {  	[hbm4b:s15+s3] =	stream.linear.scatter [tilespmem:s14], [sflag:$0x6], $0x80, $0x38;
	[tilespmem:$0x12800] =	vst v63  }
0x244: {  	s16 =	sadd.s32 $0x109B8, s0;
	s31 =	sadd.s32 $0x70, s1  }
0x245: {  	[hbm4b:s31+s3] =	stream.linear.scatter [tilespmem:s16], [sflag:$0x6], $0x80, $0x38;
	[tilespmem:$0x12800] =	vst v63  }
.Ltmp11:
0x246: {  	(pc) =	sbr.rel .LBB2_2-.Ltmp11, $4  }
0x247: {  	s0 =	sshll.u32 s30, $0x7  }
0x248: {  	s0 =	sadd.s32 $0x300, s0  }
0x249: {  	s29 =	sadd.s32 $0x1, s29;
	s0 =	sand.u32 $0xFF00, s0  }
0x24a: {  	[tilespmem:s17], [sflag:$0x3] =	stream.indirect.gather [hbm4b:s5+s13], $0x40, s0, s13, $0xb8;
	[tilespmem:$0x12800] =	vst v63  }
.LBB2_21:
0x24b: {  	_ =	sfence.sel $0x180000  }
0x24c: {  	[bflag:$0x0] =	sbarrier.arrive $0xFFFF  }
0x24d: {  	_ =	strace $0x90000047  }
0x24e: {  	s0 =	stileid.u32;
	[bflag:$0x2] =	sbarrier.arrive $0xFFFF  }
0x24f: {  	p0 =	sne.s32 s0, $0x0;
	s0 =	rddreg [dreg:$0x3]  }
0x250: {  	s0 =	sadd.s32 @!p0 $0x100000, s0  }
0x251: {  	[sflag:s0] =	ssyncadd.tile.s32 @!p0 $0x1;
	_ =	shalt  }
.Lfunc_end2:
_tile_overlayer_lowered:
.L_overlay_start_2:
0x252: {  	(tag) =	ssettag $0x2  }
0x253: {  	s0 =	rddreg [dreg:$0x0];
	s2 =	stileid.u32  }
0x254: {  	s1 =	rddreg [dreg:$0x1];
	p0 =	sne.s32 s2, $0x0  }
0x255: {  	s3 =	rddreg [dreg:$0x2];
	[bflag:$0x3] =	sbarrier.arrive $0xFFFF;
	s2 =	simm.s32 @!p0 $0x1C07  }
0x256: {  	[timem:s3], [sflag:s2] =	dma.local @!p0 [hbm:s0], s1  }
0x257: {  	s0 =	simm.s32 @!p0 $0x7  }
0x258: {  	_ =	swait.ge @!p0 [sflag:s0], s1  }
0x259: {  	s1 =	ssub.s32 @!p0 $0x0, s1;
	[sflag:s0] =	ssyncset.done @!p0 $0x0  }
0x25a: {  	[sflag:s0] =	ssyncadd.s32 @!p0 s1  }
0x25b: {  	[bflag:$0x3] =	sbarrier.arrive $0xFFFF  }
0x25c: {  	_ =	shalt  }

</sc_bundles>
